<compile_context>
chip_gen: v7x
topology: tpu7x:2x2x1
jax: 0.10.2.dev20260603
libtpu: 0.0.44.dev20260713+nightly
codegen_flags: <defaults>
</compile_context>

<pallas_src>
import functools

import jax
import jax.numpy as jnp
from jax import lax
from jax.experimental import pallas as pl
from jax.experimental.pallas import tpu as pltpu
from jax.experimental.pallas import tpu_sc as plsc

_B = 512
_S = 14
_C = 30
_NTILES = 32
_HB = 256
_UPS = _B // _HB
_T_SPLIT = 6
_UNITS_TOTAL = _S * _S * _UPS
_SC_BASE = _T_SPLIT * _S * _UPS
_SC_UNITS = _UNITS_TOTAL - _SC_BASE
assert _SC_UNITS % _NTILES == 0
_SC_UNITS_PER_TILE = _SC_UNITS // _NTILES
_GROUPS = _HB // 16
_HALF = 0.5 * _S


def _sqrt16(x):
    i = plsc.bitcast(x, jnp.int32)
    i = jnp.int32(0x5F3759DF) - lax.shift_right_logical(i, 1)
    r = plsc.bitcast(i, jnp.float32)
    r = r * (1.5 - 0.5 * x * r * r)
    r = r * (1.5 - 0.5 * x * r * r)
    return x * r


def _sc_partials(pt, gt):
    mesh = plsc.VectorSubcoreMesh(core_axis_name="c", subcore_axis_name="s")

    @functools.partial(
        pl.kernel,
        mesh=mesh,
        out_type=jax.ShapeDtypeStruct((_NTILES, 16), jnp.float32),
        compiler_params=pltpu.CompilerParams(needs_layout_passes=False),
        scratch_types=[
            pltpu.VMEM((2, _C, _HB), jnp.float32),
            pltpu.VMEM((2, _C, _HB), jnp.float32),
            pltpu.VMEM((16,), jnp.float32),
            pltpu.SemaphoreType.DMA((2,)),
        ],
    )
    def body(p_hbm, g_hbm, out_hbm, pbufs, gbufs, acc, sems):
        wid = lax.axis_index("s") * 2 + lax.axis_index("c")
        acc[...] = jnp.zeros((16,), jnp.float32)

        def slices(uid):
            sid = uid // _UPS
            b0 = (uid - sid * _UPS) * _HB
            s1 = sid // _S
            s2 = sid - s1 * _S
            return (s1, s2, slice(None), pl.ds(b0, _HB))

        def start(k, par):
            uid = _SC_BASE + wid + k * _NTILES
            src = slices(uid)
            pltpu.async_copy(p_hbm.at[src], pbufs.at[par], sems.at[par])
            pltpu.async_copy(g_hbm.at[src], gbufs.at[par], sems.at[par])

        def wait_work(k, par):
            uid = _SC_BASE + wid + k * _NTILES
            src = slices(uid)
            pb = pbufs.at[par]
            gb = gbufs.at[par]
            pltpu.make_async_copy(p_hbm.at[src], pb, sems.at[par]).wait()
            pltpu.make_async_copy(g_hbm.at[src], gb, sems.at[par]).wait()

            def do_group(b0, a):
                def lp(c):
                    return pb[c, pl.ds(b0, 16)]

                def lg(c):
                    return gb[c, pl.ds(b0, 16)]

                px1, py1, pw1, ph1, pc1 = lp(0), lp(1), lp(2), lp(3), lp(4)
                px2, py2, pw2, ph2, pc2 = lp(5), lp(6), lp(7), lp(8), lp(9)
                gx, gy, gw, gh, g4 = lg(0), lg(1), lg(2), lg(3), lg(4)
                g9 = lg(9)

                cls = jnp.zeros((16,), jnp.float32)
                for c in range(10, _C):
                    dcv = lp(c) - lg(c)
                    cls = cls + dcv * dcv

                gltx = gx - _HALF * gw
                grbx = gx + _HALF * gw
                glty = gy - _HALF * gh
                grby = gy + _HALF * gh
                ag = (grbx - gltx) * (grby - glty)

                def iou_parts(px, py, pw, ph):
                    pltx = px - _HALF * pw
                    prbx = px + _HALF * pw
                    plty = py - _HALF * ph
                    prby = py + _HALF * ph
                    wx = jnp.maximum(
                        jnp.minimum(prbx, grbx) - jnp.maximum(pltx, gltx), 0.0)
                    wy = jnp.maximum(
                        jnp.minimum(prby, grby) - jnp.maximum(plty, glty), 0.0)
                    inter = wx * wy
                    ap = (prbx - pltx) * (prby - plty)
                    return inter, ap + ag - inter + 1e-10

                in1, de1 = iou_parts(px1, py1, pw1, ph1)
                in2, de2 = iou_parts(px2, py2, pw2, ph2)
                sel = in2 * de1 > in1 * de2
                rx = jnp.where(sel, px2, px1)
                ry = jnp.where(sel, py2, py1)
                rw = jnp.where(sel, pw2, pw1)
                rh = jnp.where(sel, ph2, ph1)
                rc = jnp.where(sel, pc2, pc1)
                ic = jnp.where(sel, pc1, pc2)
                miou = jnp.where(sel, in2, in1) / jnp.where(sel, de2, de1)

                dx = rx - gx
                dy = ry - gy
                coord = (dx * dx + dy * dy
                         + (rw + gw - 2.0 * _sqrt16(rw * gw))
                         + (rh + gh - 2.0 * _sqrt16(rh * gh)))
                dresp = rc - miou
                resp = dresp * dresp
                irr = ic * ic
                d4 = pc1 - g4
                d9 = pc2 - g9
                noobj = d4 * d4 + d9 * d9

                obj_term = 5.0 * coord + 2.0 * resp + irr + cls
                row = jnp.where(g4 > 0, obj_term, 0.5 * noobj)
                return a + row

            unit_sum = plsc.parallel_loop(
                0, _HB, step=16, unroll=2,
                carry=jnp.zeros((16,), jnp.float32))(do_group)
            acc[...] += unit_sum

        start(0, 0)

        @pl.loop(0, _SC_UNITS_PER_TILE - 1)
        def _unit(k):
            par = lax.rem(k, 2)
            start(k + 1, 1 - par)
            wait_work(k, par)

        wait_work(_SC_UNITS_PER_TILE - 1, (_SC_UNITS_PER_TILE - 1) % 2)

        pltpu.sync_copy(acc, out_hbm.at[wid])

    return body(pt, gt)


def _tc_loss_kernel(p_ref, g_ref, out_ref):
    i = pl.program_id(0)

    @pl.when(i == 0)
    def _init():
        out_ref[0, 0] = jnp.float32(0.0)

    p = p_ref[0]
    g = g_ref[0]

    def fc(a, c):
        return a[:, c, :]

    px1, py1, pw1, ph1, pc1 = (fc(p, c) for c in range(5))
    px2, py2, pw2, ph2, pc2 = (fc(p, c) for c in range(5, 10))
    gx, gy, gw, gh, g4 = (fc(g, c) for c in range(5))
    g9 = fc(g, 9)

    dcls = p[:, 10:, :] - g[:, 10:, :]
    cls = jnp.sum(dcls * dcls, axis=1)

    gltx = gx - _HALF * gw
    grbx = gx + _HALF * gw
    glty = gy - _HALF * gh
    grby = gy + _HALF * gh
    ag = (grbx - gltx) * (grby - glty)

    def iou_parts(px, py, pw, ph):
        pltx = px - _HALF * pw
        prbx = px + _HALF * pw
        plty = py - _HALF * ph
        prby = py + _HALF * ph
        wx = jnp.maximum(jnp.minimum(prbx, grbx) - jnp.maximum(pltx, gltx), 0.0)
        wy = jnp.maximum(jnp.minimum(prby, grby) - jnp.maximum(plty, glty), 0.0)
        inter = wx * wy
        ap = (prbx - pltx) * (prby - plty)
        return inter, ap + ag - inter + 1e-10

    in1, de1 = iou_parts(px1, py1, pw1, ph1)
    in2, de2 = iou_parts(px2, py2, pw2, ph2)
    sel = in2 * de1 > in1 * de2
    rx = jnp.where(sel, px2, px1)
    ry = jnp.where(sel, py2, py1)
    rw = jnp.where(sel, pw2, pw1)
    rh = jnp.where(sel, ph2, ph1)
    rc = jnp.where(sel, pc2, pc1)
    ic = jnp.where(sel, pc1, pc2)
    miou = jnp.where(sel, in2, in1) / jnp.where(sel, de2, de1)

    dx = rx - gx
    dy = ry - gy
    coord = (dx * dx + dy * dy
             + (rw + gw - 2.0 * jnp.sqrt(rw * gw))
             + (rh + gh - 2.0 * jnp.sqrt(rh * gh)))
    dresp = rc - miou
    resp = dresp * dresp
    irr = ic * ic
    d4 = pc1 - g4
    d9 = pc2 - g9
    noobj = d4 * d4 + d9 * d9

    obj_term = 5.0 * coord + 2.0 * resp + irr + cls
    row = jnp.where(g4 > 0, obj_term, 0.5 * noobj)
    out_ref[0, 0] += jnp.sum(row)


def _tc_loss(pt, gt):
    return pl.pallas_call(
        _tc_loss_kernel,
        grid=(_T_SPLIT,),
        in_specs=[
            pl.BlockSpec((1, _S, _C, _B), lambda i: (i, 0, 0, 0)),
            pl.BlockSpec((1, _S, _C, _B), lambda i: (i, 0, 0, 0)),
        ],
        out_specs=pl.BlockSpec(memory_space=pltpu.SMEM),
        out_shape=jax.ShapeDtypeStruct((1, 1), jnp.float32),
        compiler_params=pltpu.CompilerParams(
            dimension_semantics=("arbitrary",)),
    )(pt, gt)


def kernel(pred_tensor, ground_truth):
    pt = jnp.transpose(pred_tensor, (1, 2, 3, 0))
    gt = jnp.transpose(ground_truth, (1, 2, 3, 0))
    partials = _sc_partials(pt, gt)
    tc_part = _tc_loss(pt, gt)
    return (jnp.sum(partials) + tc_part[0, 0]) / _B

# --- scband reference (transcript-rebuilt; emitter-appended) ---
"""Pipeline reference for scband-my-loss-33045478375584 (READ-ONLY COPY).

The authoritative reference and input builder live on the scoring server;
editing this copy changes nothing except your own understanding.
"""

import jax, jax.numpy as jnp
import numpy as np

GRID_CELLS = 14
BBOX_NUM = 2
L_COORD = 5.0
L_NOOBJ = 0.5


def setup_inputs(seed: int = 0):
    key = jax.random.key(seed)
    k1, k2, k3 = jax.random.split(key, 3)
    B, S, C = 512, 14, 30
    pred_tensor = jax.random.uniform(k1, (B, S, S, C), dtype=jnp.float32, minval=0.05, maxval=1.0)
    ground_truth = jax.random.uniform(k2, (B, S, S, C), dtype=jnp.float32, minval=0.05, maxval=1.0)
    obj_mask = (jax.random.uniform(k3, (B, S, S)) < 0.3).astype(jnp.float32)
    ground_truth = ground_truth.at[..., 4].set(ground_truth[..., 4] * obj_mask)
    ground_truth = ground_truth.at[..., 9].set(ground_truth[..., 9] * obj_mask)
    return {"pred_tensor": pred_tensor, "ground_truth": ground_truth}


def _loss(pred_f, gt_f, obj_idx, noobj_idx, obj_valid, noobj_valid):
    pred_obj = jnp.take(pred_f, obj_idx, axis=0)
    gt_obj = jnp.take(gt_f, obj_idx, axis=0)
    class_pred = pred_obj[:, 10:]
    class_gt = gt_obj[:, 10:]
    bp = pred_obj[:, :10].reshape(-1, BBOX_NUM, 5)
    bg = gt_obj[:, :10].reshape(-1, BBOX_NUM, 5)
    pred_no = jnp.take(pred_f, noobj_idx, axis=0)
    gt_no = jnp.take(gt_f, noobj_idx, axis=0)
    conf_cols = jnp.array([4, 9])
    no_obj_loss = jnp.sum(noobj_valid[:, None] * (pred_no[:, conf_cols] - gt_no[:, conf_cols]) ** 2)
    p_xy = bp[..., :2]
    p_wh = bp[..., 2:4]
    p_lt = p_xy - 0.5 * GRID_CELLS * p_wh
    p_rb = p_xy + 0.5 * GRID_CELLS * p_wh
    g = bg[:, 0, :]
    g_lt = g[:, :2] - 0.5 * GRID_CELLS * g[:, 2:4]
    g_rb = g[:, :2] + 0.5 * GRID_CELLS * g[:, 2:4]
    lt = jnp.maximum(p_lt, g_lt[:, None, :])
    rb = jnp.minimum(p_rb, g_rb[:, None, :])
    wh = jnp.clip(rb - lt, 0.0, None)
    inter = wh[..., 0] * wh[..., 1]
    area_p = (p_rb[..., 0] - p_lt[..., 0]) * (p_rb[..., 1] - p_lt[..., 1])
    area_g = (g_rb[:, 0] - g_lt[:, 0]) * (g_rb[:, 1] - g_lt[:, 1])
    iou = inter / (area_p + area_g[:, None] - inter + 1e-10)
    max_idx = jnp.argmax(iou, axis=1)
    max_iou = jnp.take_along_axis(iou, max_idx[:, None], axis=1)[:, 0]
    resp = jnp.take_along_axis(bp, max_idx[:, None, None], axis=1)[:, 0, :]
    irresp = jnp.take_along_axis(bp, (1 - max_idx)[:, None, None], axis=1)[:, 0, :]
    resp_gt = g
    coordinates_loss = jnp.sum(obj_valid[:, None] * (resp[:, :2] - resp_gt[:, :2]) ** 2) + jnp.sum(obj_valid[:, None] * (jnp.sqrt(resp[:, 2:4]) - jnp.sqrt(resp_gt[:, 2:4])) ** 2)
    response_loss = jnp.sum(obj_valid * (resp[:, 4] - max_iou) ** 2)
    irresponse_loss = jnp.sum(obj_valid * irresp[:, 4] ** 2)
    class_loss = jnp.sum(obj_valid[:, None] * (class_pred - class_gt) ** 2)
    return L_COORD * coordinates_loss + response_loss + L_NOOBJ * no_obj_loss + class_loss + response_loss + irresponse_loss


def reference(pred_tensor, ground_truth):
    B = pred_tensor.shape[0]
    C = pred_tensor.shape[-1]
    pred_f = pred_tensor.reshape(-1, C)
    gt_f = ground_truth.reshape(-1, C)
    m = gt_f[:, 4] > 0
    N = m.shape[0]
    obj_idx = jnp.nonzero(m, size=N, fill_value=0)[0]
    noobj_idx = jnp.nonzero(jnp.logical_not(m), size=N, fill_value=0)[0]
    n_obj = jnp.sum(m)
    pos = jnp.arange(N)
    obj_valid = (pos < n_obj).astype(pred_f.dtype)
    noobj_valid = (pos < (N - n_obj)).astype(pred_f.dtype)
    return _loss(pred_f, gt_f, obj_idx, noobj_idx, obj_valid, noobj_valid) / B

if __name__ == "__main__":
    import jax
    _d = setup_inputs()
    print(jax.jit(kernel)(*tuple(_d.values())))

</pallas_src>

<mosaic_0001>
#map = affine_map<(d0, d1) -> (0, 0, 0, 0)>
#map1 = affine_map<(d0, d1) -> (0, 0)>
module attributes {stable_mosaic.version = 14 : i64} {
  func.func @body(%arg0: i32, %arg1: i32, %arg2: memref<14x14x30x512xf32, #tpu.memory_space<hbm>>, %arg3: memref<14x14x30x512xf32, #tpu.memory_space<hbm>>, %arg4: memref<32x16xf32, #tpu.memory_space<hbm>>, %arg5: memref<2x30x256xf32, #tpu.memory_space<vmem>>, %arg6: memref<2x30x256xf32, #tpu.memory_space<vmem>>, %arg7: memref<16xf32, #tpu.memory_space<vmem>>, %arg8: memref<2x!tpu.dma_semaphore, #tpu.memory_space<semaphore_mem>>) attributes {dimension_semantics = [#tpu.dimension_semantics<core_parallel>, #tpu.dimension_semantics<subcore_parallel>], iteration_bounds = array<i64: 2, 16>, scalar_prefetch = 0 : i64, scratch_operands = 4 : i64, tpu.core_type = #tpu.core_type<sc_vector_subcore>, window_params = [{transform_indices = #map}, {transform_indices = #map}, {transform_indices = #map1}]} {
    %mul3A = arith.constant 2 : i32
    %mul3A_0 = arith.muli %arg1, %mul3A : i32
    %add3A = arith.addi %mul3A_0, %arg0 : i32
    %broadcast_in_dim3A = arith.constant 0.000000e+00 : f32
    %broadcast_in_dim3A_1 = vector.broadcast %broadcast_in_dim3A : f32 to vector<16xf32>
    %swap3A = arith.constant 0 : index
    %swap3A_2 = tpu.vector_load %arg7[%swap3A] {strides = array<i32>} : memref<16xf32, #tpu.memory_space<vmem>>, vector<16xf32>,
    tpu.vector_store %arg7[%swap3A], %broadcast_in_dim3A_1 {strides = array<i32>} : memref<16xf32, #tpu.memory_space<vmem>>, vector<16xf32>,
    %add3A_3 = arith.constant 168 : i32
    %add3A_4 = arith.addi %add3A_3, %add3A : i32
    %add3A_5 = arith.constant 0 : i32
    %add3A_6 = arith.addi %add3A_4, %add3A_5 : i32
    %jit3A = arith.constant 2 : i32
    %div3A = arith.divsi %add3A_6, %jit3A : i32
    %sign3A = arith.constant 0 : i32
    %sign3A_7 = arith.cmpi sgt, %add3A_6, %sign3A : i32
    %sign3A_8 = arith.extui %sign3A_7 : i1 to i32
    %sign3A_9 = arith.constant 0 : i32
    %sign3A_10 = arith.cmpi slt, %add3A_6, %sign3A_9 : i32
    %sign3A_11 = arith.extui %sign3A_10 : i1 to i32
    %sign3A_12 = arith.subi %sign3A_8, %sign3A_11 : i32
    %sign3A_13 = arith.constant 0 : i32
    %sign3A_14 = arith.cmpi sgt, %jit3A, %sign3A_13 : i32
    %sign3A_15 = arith.extui %sign3A_14 : i1 to i32
    %sign3A_16 = arith.constant 0 : i32
    %sign3A_17 = arith.cmpi slt, %jit3A, %sign3A_16 : i32
    %sign3A_18 = arith.extui %sign3A_17 : i1 to i32
    %sign3A_19 = arith.subi %sign3A_15, %sign3A_18 : i32
    %ne3A = arith.cmpi ne, %sign3A_12, %sign3A_19 : i32
    %rem3A = arith.remsi %add3A_6, %jit3A : i32
    %ne3A_20 = arith.constant 0 : i32
    %ne3A_21 = arith.cmpi ne, %rem3A, %ne3A_20 : i32
    %and3A = arith.andi %ne3A, %ne3A_21 : i1
    %sub3A = arith.constant 1 : i32
    %sub3A_22 = arith.subi %div3A, %sub3A : i32
    %select_n3A = arith.select %and3A, %sub3A_22, %div3A : i32
    %mul3A_23 = arith.constant 2 : i32
    %mul3A_24 = arith.muli %select_n3A, %mul3A_23 : i32
    %sub3A_25 = arith.subi %add3A_6, %mul3A_24 : i32
    %mul3A_26 = arith.constant 256 : i32
    %mul3A_27 = arith.muli %sub3A_25, %mul3A_26 : i32
    %jit3A_28 = arith.constant 14 : i32
    %div3A_29 = arith.divsi %select_n3A, %jit3A_28 : i32
    %sign3A_30 = arith.constant 0 : i32
    %sign3A_31 = arith.cmpi sgt, %select_n3A, %sign3A_30 : i32
    %sign3A_32 = arith.extui %sign3A_31 : i1 to i32
    %sign3A_33 = arith.constant 0 : i32
    %sign3A_34 = arith.cmpi slt, %select_n3A, %sign3A_33 : i32
    %sign3A_35 = arith.extui %sign3A_34 : i1 to i32
    %sign3A_36 = arith.subi %sign3A_32, %sign3A_35 : i32
    %sign3A_37 = arith.constant 0 : i32
    %sign3A_38 = arith.cmpi sgt, %jit3A_28, %sign3A_37 : i32
    %sign3A_39 = arith.extui %sign3A_38 : i1 to i32
    %sign3A_40 = arith.constant 0 : i32
    %sign3A_41 = arith.cmpi slt, %jit3A_28, %sign3A_40 : i32
    %sign3A_42 = arith.extui %sign3A_41 : i1 to i32
    %sign3A_43 = arith.subi %sign3A_39, %sign3A_42 : i32
    %ne3A_44 = arith.cmpi ne, %sign3A_36, %sign3A_43 : i32
    %rem3A_45 = arith.remsi %select_n3A, %jit3A_28 : i32
    %ne3A_46 = arith.constant 0 : i32
    %ne3A_47 = arith.cmpi ne, %rem3A_45, %ne3A_46 : i32
    %and3A_48 = arith.andi %ne3A_44, %ne3A_47 : i1
    %sub3A_49 = arith.constant 1 : i32
    %sub3A_50 = arith.subi %div3A_29, %sub3A_49 : i32
    %select_n3A_51 = arith.select %and3A_48, %sub3A_50, %div3A_29 : i32
    %mul3A_52 = arith.constant 14 : i32
    %mul3A_53 = arith.muli %select_n3A_51, %mul3A_52 : i32
    %sub3A_54 = arith.subi %select_n3A, %mul3A_53 : i32
    %dma_start3A = arith.constant 0 : i32
    %dma_start3A_55 = arith.constant 0 : i32
    %dma_start3A_56 = arith.constant 0 : i32
    %dma_start3A_57 = arith.constant 0 : i32
    %dma_start3A_58 = tpu.memref_slice %arg5[%dma_start3A, %dma_start3A_56, %dma_start3A_57] : memref<2x30x256xf32, #tpu.memory_space<vmem>> -> memref<1x30x256xf32, #tpu.memory_space<vmem>>
    %dma_start3A_59 = tpu.memref_squeeze %dma_start3A_58 : memref<1x30x256xf32, #tpu.memory_space<vmem>> -> memref<30x256xf32, #tpu.memory_space<vmem>>
    %dma_start3A_60 = arith.constant 0 : i32
    %dma_start3A_61 = tpu.memref_slice %arg2[%select_n3A_51, %sub3A_54, %dma_start3A_60, %mul3A_27] : memref<14x14x30x512xf32, #tpu.memory_space<hbm>> -> memref<1x1x30x256xf32, #tpu.memory_space<hbm>>
    %dma_start3A_62 = tpu.memref_squeeze %dma_start3A_61 : memref<1x1x30x256xf32, #tpu.memory_space<hbm>> -> memref<30x256xf32, #tpu.memory_space<hbm>>
    %dma_start3A_63 = tpu.memref_slice %arg8[%dma_start3A_55] : memref<2x!tpu.dma_semaphore, #tpu.memory_space<semaphore_mem>> -> memref<1x!tpu.dma_semaphore, #tpu.memory_space<semaphore_mem>>
    %dma_start3A_64 = tpu.memref_squeeze %dma_start3A_63 : memref<1x!tpu.dma_semaphore, #tpu.memory_space<semaphore_mem>> -> memref<!tpu.dma_semaphore, #tpu.memory_space<semaphore_mem>>
    %dma_start3A_65 = arith.constant 0 : i32
    %dma_start3A_66 = arith.constant 0 : i32
    %dma_start3A_67 = tpu.memref_slice %arg5[%dma_start3A, %dma_start3A_65, %dma_start3A_66] : memref<2x30x256xf32, #tpu.memory_space<vmem>> -> memref<1x30x256xf32, #tpu.memory_space<vmem>>
    %dma_start3A_68 = tpu.memref_squeeze %dma_start3A_67 : memref<1x30x256xf32, #tpu.memory_space<vmem>> -> memref<30x256xf32, #tpu.memory_space<vmem>>
    %dma_start3A_69 = arith.constant 0 : i32
    %dma_start3A_70 = tpu.memref_slice %arg2[%select_n3A_51, %sub3A_54, %dma_start3A_69, %mul3A_27] : memref<14x14x30x512xf32, #tpu.memory_space<hbm>> -> memref<1x1x30x256xf32, #tpu.memory_space<hbm>>
    %dma_start3A_71 = tpu.memref_squeeze %dma_start3A_70 : memref<1x1x30x256xf32, #tpu.memory_space<hbm>> -> memref<30x256xf32, #tpu.memory_space<hbm>>
    tpu.enqueue_dma source(%dma_start3A_71 : memref<30x256xf32, #tpu.memory_space<hbm>>) target(%dma_start3A_68 : memref<30x256xf32, #tpu.memory_space<vmem>>) target_semaphore(%dma_start3A_64 : memref<!tpu.dma_semaphore, #tpu.memory_space<semaphore_mem>>)
    %dma_start3A_72 = arith.constant 0 : i32
    %dma_start3A_73 = arith.constant 0 : i32
    %dma_start3A_74 = arith.constant 0 : i32
    %dma_start3A_75 = arith.constant 0 : i32
    %dma_start3A_76 = tpu.memref_slice %arg6[%dma_start3A_72, %dma_start3A_74, %dma_start3A_75] : memref<2x30x256xf32, #tpu.memory_space<vmem>> -> memref<1x30x256xf32, #tpu.memory_space<vmem>>
    %dma_start3A_77 = tpu.memref_squeeze %dma_start3A_76 : memref<1x30x256xf32, #tpu.memory_space<vmem>> -> memref<30x256xf32, #tpu.memory_space<vmem>>
    %dma_start3A_78 = arith.constant 0 : i32
    %dma_start3A_79 = tpu.memref_slice %arg3[%select_n3A_51, %sub3A_54, %dma_start3A_78, %mul3A_27] : memref<14x14x30x512xf32, #tpu.memory_space<hbm>> -> memref<1x1x30x256xf32, #tpu.memory_space<hbm>>
    %dma_start3A_80 = tpu.memref_squeeze %dma_start3A_79 : memref<1x1x30x256xf32, #tpu.memory_space<hbm>> -> memref<30x256xf32, #tpu.memory_space<hbm>>
    %dma_start3A_81 = tpu.memref_slice %arg8[%dma_start3A_73] : memref<2x!tpu.dma_semaphore, #tpu.memory_space<semaphore_mem>> -> memref<1x!tpu.dma_semaphore, #tpu.memory_space<semaphore_mem>>
    %dma_start3A_82 = tpu.memref_squeeze %dma_start3A_81 : memref<1x!tpu.dma_semaphore, #tpu.memory_space<semaphore_mem>> -> memref<!tpu.dma_semaphore, #tpu.memory_space<semaphore_mem>>
    %dma_start3A_83 = arith.constant 0 : i32
    %dma_start3A_84 = arith.constant 0 : i32
    %dma_start3A_85 = tpu.memref_slice %arg6[%dma_start3A_72, %dma_start3A_83, %dma_start3A_84] : memref<2x30x256xf32, #tpu.memory_space<vmem>> -> memref<1x30x256xf32, #tpu.memory_space<vmem>>
    %dma_start3A_86 = tpu.memref_squeeze %dma_start3A_85 : memref<1x30x256xf32, #tpu.memory_space<vmem>> -> memref<30x256xf32, #tpu.memory_space<vmem>>
    %dma_start3A_87 = arith.constant 0 : i32
    %dma_start3A_88 = tpu.memref_slice %arg3[%select_n3A_51, %sub3A_54, %dma_start3A_87, %mul3A_27] : memref<14x14x30x512xf32, #tpu.memory_space<hbm>> -> memref<1x1x30x256xf32, #tpu.memory_space<hbm>>
    %dma_start3A_89 = tpu.memref_squeeze %dma_start3A_88 : memref<1x1x30x256xf32, #tpu.memory_space<hbm>> -> memref<30x256xf32, #tpu.memory_space<hbm>>
    tpu.enqueue_dma source(%dma_start3A_89 : memref<30x256xf32, #tpu.memory_space<hbm>>) target(%dma_start3A_86 : memref<30x256xf32, #tpu.memory_space<vmem>>) target_semaphore(%dma_start3A_82 : memref<!tpu.dma_semaphore, #tpu.memory_space<semaphore_mem>>)
    %scan3A = arith.constant 0 : i32
    %scan3A_90 = arith.constant 6 : i32
    %scan3A_91 = arith.addi %scan3A, %scan3A_90 : i32
    %scan3A_92 = arith.constant 1 : i32
    scf.for %scan3A_200 = %scan3A to %scan3A_91 step %scan3A_92  : i32 {
      %mul3A_201 = arith.constant 1 : i32
      %mul3A_202 = arith.muli %scan3A_200, %mul3A_201 : i32
      %add3A_203 = arith.constant 0 : i32
      %add3A_204 = arith.addi %add3A_203, %mul3A_202 : i32
      %rem3A_205 = arith.constant 2 : i32
      %rem3A_206 = arith.remsi %add3A_204, %rem3A_205 : i32
      %add3A_207 = arith.constant 1 : i32
      %add3A_208 = arith.addi %add3A_204, %add3A_207 : i32
      %sub3A_209 = arith.constant 1 : i32
      %sub3A_210 = arith.subi %sub3A_209, %rem3A_206 : i32
      %add3A_211 = arith.constant 168 : i32
      %add3A_212 = arith.addi %add3A_211, %add3A : i32
      %mul3A_213 = arith.constant 32 : i32
      %mul3A_214 = arith.muli %add3A_208, %mul3A_213 : i32
      %add3A_215 = arith.addi %add3A_212, %mul3A_214 : i32
      %jit3A_216 = arith.constant 2 : i32
      %div3A_217 = arith.divsi %add3A_215, %jit3A_216 : i32
      %sign3A_218 = arith.constant 0 : i32
      %sign3A_219 = arith.cmpi sgt, %add3A_215, %sign3A_218 : i32
      %sign3A_220 = arith.extui %sign3A_219 : i1 to i32
      %sign3A_221 = arith.constant 0 : i32
      %sign3A_222 = arith.cmpi slt, %add3A_215, %sign3A_221 : i32
      %sign3A_223 = arith.extui %sign3A_222 : i1 to i32
      %sign3A_224 = arith.subi %sign3A_220, %sign3A_223 : i32
      %sign3A_225 = arith.constant 0 : i32
      %sign3A_226 = arith.cmpi sgt, %jit3A_216, %sign3A_225 : i32
      %sign3A_227 = arith.extui %sign3A_226 : i1 to i32
      %sign3A_228 = arith.constant 0 : i32
      %sign3A_229 = arith.cmpi slt, %jit3A_216, %sign3A_228 : i32
      %sign3A_230 = arith.extui %sign3A_229 : i1 to i32
      %sign3A_231 = arith.subi %sign3A_227, %sign3A_230 : i32
      %ne3A_232 = arith.cmpi ne, %sign3A_224, %sign3A_231 : i32
      %rem3A_233 = arith.remsi %add3A_215, %jit3A_216 : i32
      %ne3A_234 = arith.constant 0 : i32
      %ne3A_235 = arith.cmpi ne, %rem3A_233, %ne3A_234 : i32
      %and3A_236 = arith.andi %ne3A_232, %ne3A_235 : i1
      %sub3A_237 = arith.constant 1 : i32
      %sub3A_238 = arith.subi %div3A_217, %sub3A_237 : i32
      %select_n3A_239 = arith.select %and3A_236, %sub3A_238, %div3A_217 : i32
      %mul3A_240 = arith.constant 2 : i32
      %mul3A_241 = arith.muli %select_n3A_239, %mul3A_240 : i32
      %sub3A_242 = arith.subi %add3A_215, %mul3A_241 : i32
      %mul3A_243 = arith.constant 256 : i32
      %mul3A_244 = arith.muli %sub3A_242, %mul3A_243 : i32
      %jit3A_245 = arith.constant 14 : i32
      %div3A_246 = arith.divsi %select_n3A_239, %jit3A_245 : i32
      %sign3A_247 = arith.constant 0 : i32
      %sign3A_248 = arith.cmpi sgt, %select_n3A_239, %sign3A_247 : i32
      %sign3A_249 = arith.extui %sign3A_248 : i1 to i32
      %sign3A_250 = arith.constant 0 : i32
      %sign3A_251 = arith.cmpi slt, %select_n3A_239, %sign3A_250 : i32
      %sign3A_252 = arith.extui %sign3A_251 : i1 to i32
      %sign3A_253 = arith.subi %sign3A_249, %sign3A_252 : i32
      %sign3A_254 = arith.constant 0 : i32
      %sign3A_255 = arith.cmpi sgt, %jit3A_245, %sign3A_254 : i32
      %sign3A_256 = arith.extui %sign3A_255 : i1 to i32
      %sign3A_257 = arith.constant 0 : i32
      %sign3A_258 = arith.cmpi slt, %jit3A_245, %sign3A_257 : i32
      %sign3A_259 = arith.extui %sign3A_258 : i1 to i32
      %sign3A_260 = arith.subi %sign3A_256, %sign3A_259 : i32
      %ne3A_261 = arith.cmpi ne, %sign3A_253, %sign3A_260 : i32
      %rem3A_262 = arith.remsi %select_n3A_239, %jit3A_245 : i32
      %ne3A_263 = arith.constant 0 : i32
      %ne3A_264 = arith.cmpi ne, %rem3A_262, %ne3A_263 : i32
      %and3A_265 = arith.andi %ne3A_261, %ne3A_264 : i1
      %sub3A_266 = arith.constant 1 : i32
      %sub3A_267 = arith.subi %div3A_246, %sub3A_266 : i32
      %select_n3A_268 = arith.select %and3A_265, %sub3A_267, %div3A_246 : i32
      %mul3A_269 = arith.constant 14 : i32
      %mul3A_270 = arith.muli %select_n3A_268, %mul3A_269 : i32
      %sub3A_271 = arith.subi %select_n3A_239, %mul3A_270 : i32
      %dma_start3A_272 = arith.constant 0 : i32
      %dma_start3A_273 = arith.constant 0 : i32
      %dma_start3A_274 = tpu.memref_slice %arg5[%sub3A_210, %dma_start3A_272, %dma_start3A_273] : memref<2x30x256xf32, #tpu.memory_space<vmem>> -> memref<1x30x256xf32, #tpu.memory_space<vmem>>
      %dma_start3A_275 = tpu.memref_squeeze %dma_start3A_274 : memref<1x30x256xf32, #tpu.memory_space<vmem>> -> memref<30x256xf32, #tpu.memory_space<vmem>>
      %dma_start3A_276 = arith.constant 0 : i32
      %dma_start3A_277 = tpu.memref_slice %arg2[%select_n3A_268, %sub3A_271, %dma_start3A_276, %mul3A_244] : memref<14x14x30x512xf32, #tpu.memory_space<hbm>> -> memref<1x1x30x256xf32, #tpu.memory_space<hbm>>
      %dma_start3A_278 = tpu.memref_squeeze %dma_start3A_277 : memref<1x1x30x256xf32, #tpu.memory_space<hbm>> -> memref<30x256xf32, #tpu.memory_space<hbm>>
      %dma_start3A_279 = tpu.memref_slice %arg8[%sub3A_210] : memref<2x!tpu.dma_semaphore, #tpu.memory_space<semaphore_mem>> -> memref<1x!tpu.dma_semaphore, #tpu.memory_space<semaphore_mem>>
      %dma_start3A_280 = tpu.memref_squeeze %dma_start3A_279 : memref<1x!tpu.dma_semaphore, #tpu.memory_space<semaphore_mem>> -> memref<!tpu.dma_semaphore, #tpu.memory_space<semaphore_mem>>
      %dma_start3A_281 = arith.constant 0 : i32
      %dma_start3A_282 = arith.constant 0 : i32
      %dma_start3A_283 = tpu.memref_slice %arg5[%sub3A_210, %dma_start3A_281, %dma_start3A_282] : memref<2x30x256xf32, #tpu.memory_space<vmem>> -> memref<1x30x256xf32, #tpu.memory_space<vmem>>
      %dma_start3A_284 = tpu.memref_squeeze %dma_start3A_283 : memref<1x30x256xf32, #tpu.memory_space<vmem>> -> memref<30x256xf32, #tpu.memory_space<vmem>>
      %dma_start3A_285 = arith.constant 0 : i32
      %dma_start3A_286 = tpu.memref_slice %arg2[%select_n3A_268, %sub3A_271, %dma_start3A_285, %mul3A_244] : memref<14x14x30x512xf32, #tpu.memory_space<hbm>> -> memref<1x1x30x256xf32, #tpu.memory_space<hbm>>
      %dma_start3A_287 = tpu.memref_squeeze %dma_start3A_286 : memref<1x1x30x256xf32, #tpu.memory_space<hbm>> -> memref<30x256xf32, #tpu.memory_space<hbm>>
      tpu.enqueue_dma source(%dma_start3A_287 : memref<30x256xf32, #tpu.memory_space<hbm>>) target(%dma_start3A_284 : memref<30x256xf32, #tpu.memory_space<vmem>>) target_semaphore(%dma_start3A_280 : memref<!tpu.dma_semaphore, #tpu.memory_space<semaphore_mem>>)
      %dma_start3A_288 = arith.constant 0 : i32
      %dma_start3A_289 = arith.constant 0 : i32
      %dma_start3A_290 = tpu.memref_slice %arg6[%sub3A_210, %dma_start3A_288, %dma_start3A_289] : memref<2x30x256xf32, #tpu.memory_space<vmem>> -> memref<1x30x256xf32, #tpu.memory_space<vmem>>
      %dma_start3A_291 = tpu.memref_squeeze %dma_start3A_290 : memref<1x30x256xf32, #tpu.memory_space<vmem>> -> memref<30x256xf32, #tpu.memory_space<vmem>>
      %dma_start3A_292 = arith.constant 0 : i32
      %dma_start3A_293 = tpu.memref_slice %arg3[%select_n3A_268, %sub3A_271, %dma_start3A_292, %mul3A_244] : memref<14x14x30x512xf32, #tpu.memory_space<hbm>> -> memref<1x1x30x256xf32, #tpu.memory_space<hbm>>
      %dma_start3A_294 = tpu.memref_squeeze %dma_start3A_293 : memref<1x1x30x256xf32, #tpu.memory_space<hbm>> -> memref<30x256xf32, #tpu.memory_space<hbm>>
      %dma_start3A_295 = tpu.memref_slice %arg8[%sub3A_210] : memref<2x!tpu.dma_semaphore, #tpu.memory_space<semaphore_mem>> -> memref<1x!tpu.dma_semaphore, #tpu.memory_space<semaphore_mem>>
      %dma_start3A_296 = tpu.memref_squeeze %dma_start3A_295 : memref<1x!tpu.dma_semaphore, #tpu.memory_space<semaphore_mem>> -> memref<!tpu.dma_semaphore, #tpu.memory_space<semaphore_mem>>
      %dma_start3A_297 = arith.constant 0 : i32
      %dma_start3A_298 = arith.constant 0 : i32
      %dma_start3A_299 = tpu.memref_slice %arg6[%sub3A_210, %dma_start3A_297, %dma_start3A_298] : memref<2x30x256xf32, #tpu.memory_space<vmem>> -> memref<1x30x256xf32, #tpu.memory_space<vmem>>
      %dma_start3A_300 = tpu.memref_squeeze %dma_start3A_299 : memref<1x30x256xf32, #tpu.memory_space<vmem>> -> memref<30x256xf32, #tpu.memory_space<vmem>>
      %dma_start3A_301 = arith.constant 0 : i32
      %dma_start3A_302 = tpu.memref_slice %arg3[%select_n3A_268, %sub3A_271, %dma_start3A_301, %mul3A_244] : memref<14x14x30x512xf32, #tpu.memory_space<hbm>> -> memref<1x1x30x256xf32, #tpu.memory_space<hbm>>
      %dma_start3A_303 = tpu.memref_squeeze %dma_start3A_302 : memref<1x1x30x256xf32, #tpu.memory_space<hbm>> -> memref<30x256xf32, #tpu.memory_space<hbm>>
      tpu.enqueue_dma source(%dma_start3A_303 : memref<30x256xf32, #tpu.memory_space<hbm>>) target(%dma_start3A_300 : memref<30x256xf32, #tpu.memory_space<vmem>>) target_semaphore(%dma_start3A_296 : memref<!tpu.dma_semaphore, #tpu.memory_space<semaphore_mem>>)
      %add3A_304 = arith.constant 168 : i32
      %add3A_305 = arith.addi %add3A_304, %add3A : i32
      %mul3A_306 = arith.constant 32 : i32
      %mul3A_307 = arith.muli %add3A_204, %mul3A_306 : i32
      %add3A_308 = arith.addi %add3A_305, %mul3A_307 : i32
      %jit3A_309 = arith.constant 2 : i32
      %div3A_310 = arith.divsi %add3A_308, %jit3A_309 : i32
      %sign3A_311 = arith.constant 0 : i32
      %sign3A_312 = arith.cmpi sgt, %add3A_308, %sign3A_311 : i32
      %sign3A_313 = arith.extui %sign3A_312 : i1 to i32
      %sign3A_314 = arith.constant 0 : i32
      %sign3A_315 = arith.cmpi slt, %add3A_308, %sign3A_314 : i32
      %sign3A_316 = arith.extui %sign3A_315 : i1 to i32
      %sign3A_317 = arith.subi %sign3A_313, %sign3A_316 : i32
      %sign3A_318 = arith.constant 0 : i32
      %sign3A_319 = arith.cmpi sgt, %jit3A_309, %sign3A_318 : i32
      %sign3A_320 = arith.extui %sign3A_319 : i1 to i32
      %sign3A_321 = arith.constant 0 : i32
      %sign3A_322 = arith.cmpi slt, %jit3A_309, %sign3A_321 : i32
      %sign3A_323 = arith.extui %sign3A_322 : i1 to i32
      %sign3A_324 = arith.subi %sign3A_320, %sign3A_323 : i32
      %ne3A_325 = arith.cmpi ne, %sign3A_317, %sign3A_324 : i32
      %rem3A_326 = arith.remsi %add3A_308, %jit3A_309 : i32
      %ne3A_327 = arith.constant 0 : i32
      %ne3A_328 = arith.cmpi ne, %rem3A_326, %ne3A_327 : i32
      %and3A_329 = arith.andi %ne3A_325, %ne3A_328 : i1
      %sub3A_330 = arith.constant 1 : i32
      %sub3A_331 = arith.subi %div3A_310, %sub3A_330 : i32
      %select_n3A_332 = arith.select %and3A_329, %sub3A_331, %div3A_310 : i32
      %mul3A_333 = arith.constant 2 : i32
      %mul3A_334 = arith.muli %select_n3A_332, %mul3A_333 : i32
      %sub3A_335 = arith.subi %add3A_308, %mul3A_334 : i32
      %mul3A_336 = arith.constant 256 : i32
      %mul3A_337 = arith.muli %sub3A_335, %mul3A_336 : i32
      %jit3A_338 = arith.constant 14 : i32
      %div3A_339 = arith.divsi %select_n3A_332, %jit3A_338 : i32
      %sign3A_340 = arith.constant 0 : i32
      %sign3A_341 = arith.cmpi sgt, %select_n3A_332, %sign3A_340 : i32
      %sign3A_342 = arith.extui %sign3A_341 : i1 to i32
      %sign3A_343 = arith.constant 0 : i32
      %sign3A_344 = arith.cmpi slt, %select_n3A_332, %sign3A_343 : i32
      %sign3A_345 = arith.extui %sign3A_344 : i1 to i32
      %sign3A_346 = arith.subi %sign3A_342, %sign3A_345 : i32
      %sign3A_347 = arith.constant 0 : i32
      %sign3A_348 = arith.cmpi sgt, %jit3A_338, %sign3A_347 : i32
      %sign3A_349 = arith.extui %sign3A_348 : i1 to i32
      %sign3A_350 = arith.constant 0 : i32
      %sign3A_351 = arith.cmpi slt, %jit3A_338, %sign3A_350 : i32
      %sign3A_352 = arith.extui %sign3A_351 : i1 to i32
      %sign3A_353 = arith.subi %sign3A_349, %sign3A_352 : i32
      %ne3A_354 = arith.cmpi ne, %sign3A_346, %sign3A_353 : i32
      %rem3A_355 = arith.remsi %select_n3A_332, %jit3A_338 : i32
      %ne3A_356 = arith.constant 0 : i32
      %ne3A_357 = arith.cmpi ne, %rem3A_355, %ne3A_356 : i32
      %and3A_358 = arith.andi %ne3A_354, %ne3A_357 : i1
      %sub3A_359 = arith.constant 1 : i32
      %sub3A_360 = arith.subi %div3A_339, %sub3A_359 : i32
      %select_n3A_361 = arith.select %and3A_358, %sub3A_360, %div3A_339 : i32
      %mul3A_362 = arith.constant 14 : i32
      %mul3A_363 = arith.muli %select_n3A_361, %mul3A_362 : i32
      %sub3A_364 = arith.subi %select_n3A_332, %mul3A_363 : i32
      %dma_wait3A_365 = arith.constant 0 : i32
      %dma_wait3A_366 = arith.constant 0 : i32
      %dma_wait3A_367 = tpu.memref_slice %arg5[%rem3A_206, %dma_wait3A_365, %dma_wait3A_366] : memref<2x30x256xf32, #tpu.memory_space<vmem>> -> memref<1x30x256xf32, #tpu.memory_space<vmem>>
      %dma_wait3A_368 = tpu.memref_squeeze %dma_wait3A_367 : memref<1x30x256xf32, #tpu.memory_space<vmem>> -> memref<30x256xf32, #tpu.memory_space<vmem>>
      %dma_wait3A_369 = arith.constant 0 : i32
      %dma_wait3A_370 = tpu.memref_slice %arg2[%select_n3A_361, %sub3A_364, %dma_wait3A_369, %mul3A_337] : memref<14x14x30x512xf32, #tpu.memory_space<hbm>> -> memref<1x1x30x256xf32, #tpu.memory_space<hbm>>
      %dma_wait3A_371 = tpu.memref_squeeze %dma_wait3A_370 : memref<1x1x30x256xf32, #tpu.memory_space<hbm>> -> memref<30x256xf32, #tpu.memory_space<hbm>>
      %dma_wait3A_372 = tpu.memref_slice %arg8[%rem3A_206] : memref<2x!tpu.dma_semaphore, #tpu.memory_space<semaphore_mem>> -> memref<1x!tpu.dma_semaphore, #tpu.memory_space<semaphore_mem>>
      %dma_wait3A_373 = tpu.memref_squeeze %dma_wait3A_372 : memref<1x!tpu.dma_semaphore, #tpu.memory_space<semaphore_mem>> -> memref<!tpu.dma_semaphore, #tpu.memory_space<semaphore_mem>>
      %dma_wait3A_374 = arith.constant 0 : i32
      %dma_wait3A_375 = arith.constant 0 : i32
      %dma_wait3A_376 = tpu.memref_slice %arg5[%rem3A_206, %dma_wait3A_374, %dma_wait3A_375] : memref<2x30x256xf32, #tpu.memory_space<vmem>> -> memref<1x30x256xf32, #tpu.memory_space<vmem>>
      %dma_wait3A_377 = tpu.memref_squeeze %dma_wait3A_376 : memref<1x30x256xf32, #tpu.memory_space<vmem>> -> memref<30x256xf32, #tpu.memory_space<vmem>>
      %dma_wait3A_378 = arith.constant 0 : i32
      %dma_wait3A_379 = tpu.memref_slice %arg2[%select_n3A_361, %sub3A_364, %dma_wait3A_378, %mul3A_337] : memref<14x14x30x512xf32, #tpu.memory_space<hbm>> -> memref<1x1x30x256xf32, #tpu.memory_space<hbm>>
      %dma_wait3A_380 = tpu.memref_squeeze %dma_wait3A_379 : memref<1x1x30x256xf32, #tpu.memory_space<hbm>> -> memref<30x256xf32, #tpu.memory_space<hbm>>
      tpu.wait_dma2 semaphore(%dma_wait3A_373 : memref<!tpu.dma_semaphore, #tpu.memory_space<semaphore_mem>>) src(%dma_wait3A_380 : memref<30x256xf32, #tpu.memory_space<hbm>>) dst(%dma_wait3A_377 : memref<30x256xf32, #tpu.memory_space<vmem>>)
      %dma_wait3A_381 = arith.constant 0 : i32
      %dma_wait3A_382 = arith.constant 0 : i32
      %dma_wait3A_383 = tpu.memref_slice %arg6[%rem3A_206, %dma_wait3A_381, %dma_wait3A_382] : memref<2x30x256xf32, #tpu.memory_space<vmem>> -> memref<1x30x256xf32, #tpu.memory_space<vmem>>
      %dma_wait3A_384 = tpu.memref_squeeze %dma_wait3A_383 : memref<1x30x256xf32, #tpu.memory_space<vmem>> -> memref<30x256xf32, #tpu.memory_space<vmem>>
      %dma_wait3A_385 = arith.constant 0 : i32
      %dma_wait3A_386 = tpu.memref_slice %arg3[%select_n3A_361, %sub3A_364, %dma_wait3A_385, %mul3A_337] : memref<14x14x30x512xf32, #tpu.memory_space<hbm>> -> memref<1x1x30x256xf32, #tpu.memory_space<hbm>>
      %dma_wait3A_387 = tpu.memref_squeeze %dma_wait3A_386 : memref<1x1x30x256xf32, #tpu.memory_space<hbm>> -> memref<30x256xf32, #tpu.memory_space<hbm>>
      %dma_wait3A_388 = tpu.memref_slice %arg8[%rem3A_206] : memref<2x!tpu.dma_semaphore, #tpu.memory_space<semaphore_mem>> -> memref<1x!tpu.dma_semaphore, #tpu.memory_space<semaphore_mem>>
      %dma_wait3A_389 = tpu.memref_squeeze %dma_wait3A_388 : memref<1x!tpu.dma_semaphore, #tpu.memory_space<semaphore_mem>> -> memref<!tpu.dma_semaphore, #tpu.memory_space<semaphore_mem>>
      %dma_wait3A_390 = arith.constant 0 : i32
      %dma_wait3A_391 = arith.constant 0 : i32
      %dma_wait3A_392 = tpu.memref_slice %arg6[%rem3A_206, %dma_wait3A_390, %dma_wait3A_391] : memref<2x30x256xf32, #tpu.memory_space<vmem>> -> memref<1x30x256xf32, #tpu.memory_space<vmem>>
      %dma_wait3A_393 = tpu.memref_squeeze %dma_wait3A_392 : memref<1x30x256xf32, #tpu.memory_space<vmem>> -> memref<30x256xf32, #tpu.memory_space<vmem>>
      %dma_wait3A_394 = arith.constant 0 : i32
      %dma_wait3A_395 = tpu.memref_slice %arg3[%select_n3A_361, %sub3A_364, %dma_wait3A_394, %mul3A_337] : memref<14x14x30x512xf32, #tpu.memory_space<hbm>> -> memref<1x1x30x256xf32, #tpu.memory_space<hbm>>
      %dma_wait3A_396 = tpu.memref_squeeze %dma_wait3A_395 : memref<1x1x30x256xf32, #tpu.memory_space<hbm>> -> memref<30x256xf32, #tpu.memory_space<hbm>>
      tpu.wait_dma2 semaphore(%dma_wait3A_389 : memref<!tpu.dma_semaphore, #tpu.memory_space<semaphore_mem>>) src(%dma_wait3A_396 : memref<30x256xf32, #tpu.memory_space<hbm>>) dst(%dma_wait3A_393 : memref<30x256xf32, #tpu.memory_space<vmem>>)
      %broadcast_in_dim3A_397 = arith.constant 0.000000e+00 : f32
      %broadcast_in_dim3A_398 = vector.broadcast %broadcast_in_dim3A_397 : f32 to vector<16xf32>
      %parallel_loop3A_399 = arith.constant 0 : i32
      %parallel_loop3A_400 = arith.constant 256 : i32
      %parallel_loop3A_401 = arith.constant 16 : i32
      %parallel_loop3A_402 = scf.for %parallel_loop3A_408 = %parallel_loop3A_399 to %parallel_loop3A_400 step %parallel_loop3A_401 iter_args(%parallel_loop3A_409 = %broadcast_in_dim3A_398) -> (vector<16xf32>)  : i32 {
        %parallel_loop3A_410 = arith.constant 0 : i32
        %parallel_loop3A_411 = arith.constant 0 : i32
        %parallel_loop3A_412 = arith.constant 0 : i32
        %parallel_loop3A_413 = tpu.memref_slice %arg5[%rem3A_206, %parallel_loop3A_411, %parallel_loop3A_412] : memref<2x30x256xf32, #tpu.memory_space<vmem>> -> memref<1x30x256xf32, #tpu.memory_space<vmem>>
        %parallel_loop3A_414 = tpu.memref_squeeze %parallel_loop3A_413 : memref<1x30x256xf32, #tpu.memory_space<vmem>> -> memref<30x256xf32, #tpu.memory_space<vmem>>
        %parallel_loop3A_415 = arith.index_cast %parallel_loop3A_410 : i32 to index
        %parallel_loop3A_416 = arith.index_cast %parallel_loop3A_408 : i32 to index
        %parallel_loop3A_417 = tpu.vector_load %parallel_loop3A_414[%parallel_loop3A_415, %parallel_loop3A_416] {strides = array<i32>} : memref<30x256xf32, #tpu.memory_space<vmem>>, vector<16xf32>,
        %parallel_loop3A_418 = arith.constant 1 : i32
        %parallel_loop3A_419 = arith.constant 0 : i32
        %parallel_loop3A_420 = arith.constant 0 : i32
        %parallel_loop3A_421 = tpu.memref_slice %arg5[%rem3A_206, %parallel_loop3A_419, %parallel_loop3A_420] : memref<2x30x256xf32, #tpu.memory_space<vmem>> -> memref<1x30x256xf32, #tpu.memory_space<vmem>>
        %parallel_loop3A_422 = tpu.memref_squeeze %parallel_loop3A_421 : memref<1x30x256xf32, #tpu.memory_space<vmem>> -> memref<30x256xf32, #tpu.memory_space<vmem>>
        %parallel_loop3A_423 = arith.index_cast %parallel_loop3A_418 : i32 to index
        %parallel_loop3A_424 = arith.index_cast %parallel_loop3A_408 : i32 to index
        %parallel_loop3A_425 = tpu.vector_load %parallel_loop3A_422[%parallel_loop3A_423, %parallel_loop3A_424] {strides = array<i32>} : memref<30x256xf32, #tpu.memory_space<vmem>>, vector<16xf32>,
        %parallel_loop3A_426 = arith.constant 2 : i32
        %parallel_loop3A_427 = arith.constant 0 : i32
        %parallel_loop3A_428 = arith.constant 0 : i32
        %parallel_loop3A_429 = tpu.memref_slice %arg5[%rem3A_206, %parallel_loop3A_427, %parallel_loop3A_428] : memref<2x30x256xf32, #tpu.memory_space<vmem>> -> memref<1x30x256xf32, #tpu.memory_space<vmem>>
        %parallel_loop3A_430 = tpu.memref_squeeze %parallel_loop3A_429 : memref<1x30x256xf32, #tpu.memory_space<vmem>> -> memref<30x256xf32, #tpu.memory_space<vmem>>
        %parallel_loop3A_431 = arith.index_cast %parallel_loop3A_426 : i32 to index
        %parallel_loop3A_432 = arith.index_cast %parallel_loop3A_408 : i32 to index
        %parallel_loop3A_433 = tpu.vector_load %parallel_loop3A_430[%parallel_loop3A_431, %parallel_loop3A_432] {strides = array<i32>} : memref<30x256xf32, #tpu.memory_space<vmem>>, vector<16xf32>,
        %parallel_loop3A_434 = arith.constant 3 : i32
        %parallel_loop3A_435 = arith.constant 0 : i32
        %parallel_loop3A_436 = arith.constant 0 : i32
        %parallel_loop3A_437 = tpu.memref_slice %arg5[%rem3A_206, %parallel_loop3A_435, %parallel_loop3A_436] : memref<2x30x256xf32, #tpu.memory_space<vmem>> -> memref<1x30x256xf32, #tpu.memory_space<vmem>>
        %parallel_loop3A_438 = tpu.memref_squeeze %parallel_loop3A_437 : memref<1x30x256xf32, #tpu.memory_space<vmem>> -> memref<30x256xf32, #tpu.memory_space<vmem>>
        %parallel_loop3A_439 = arith.index_cast %parallel_loop3A_434 : i32 to index
        %parallel_loop3A_440 = arith.index_cast %parallel_loop3A_408 : i32 to index
        %parallel_loop3A_441 = tpu.vector_load %parallel_loop3A_438[%parallel_loop3A_439, %parallel_loop3A_440] {strides = array<i32>} : memref<30x256xf32, #tpu.memory_space<vmem>>, vector<16xf32>,
        %parallel_loop3A_442 = arith.constant 4 : i32
        %parallel_loop3A_443 = arith.constant 0 : i32
        %parallel_loop3A_444 = arith.constant 0 : i32
        %parallel_loop3A_445 = tpu.memref_slice %arg5[%rem3A_206, %parallel_loop3A_443, %parallel_loop3A_444] : memref<2x30x256xf32, #tpu.memory_space<vmem>> -> memref<1x30x256xf32, #tpu.memory_space<vmem>>
        %parallel_loop3A_446 = tpu.memref_squeeze %parallel_loop3A_445 : memref<1x30x256xf32, #tpu.memory_space<vmem>> -> memref<30x256xf32, #tpu.memory_space<vmem>>
        %parallel_loop3A_447 = arith.index_cast %parallel_loop3A_442 : i32 to index
        %parallel_loop3A_448 = arith.index_cast %parallel_loop3A_408 : i32 to index
        %parallel_loop3A_449 = tpu.vector_load %parallel_loop3A_446[%parallel_loop3A_447, %parallel_loop3A_448] {strides = array<i32>} : memref<30x256xf32, #tpu.memory_space<vmem>>, vector<16xf32>,
        %parallel_loop3A_450 = arith.constant 5 : i32
        %parallel_loop3A_451 = arith.constant 0 : i32
        %parallel_loop3A_452 = arith.constant 0 : i32
        %parallel_loop3A_453 = tpu.memref_slice %arg5[%rem3A_206, %parallel_loop3A_451, %parallel_loop3A_452] : memref<2x30x256xf32, #tpu.memory_space<vmem>> -> memref<1x30x256xf32, #tpu.memory_space<vmem>>
        %parallel_loop3A_454 = tpu.memref_squeeze %parallel_loop3A_453 : memref<1x30x256xf32, #tpu.memory_space<vmem>> -> memref<30x256xf32, #tpu.memory_space<vmem>>
        %parallel_loop3A_455 = arith.index_cast %parallel_loop3A_450 : i32 to index
        %parallel_loop3A_456 = arith.index_cast %parallel_loop3A_408 : i32 to index
        %parallel_loop3A_457 = tpu.vector_load %parallel_loop3A_454[%parallel_loop3A_455, %parallel_loop3A_456] {strides = array<i32>} : memref<30x256xf32, #tpu.memory_space<vmem>>, vector<16xf32>,
        %parallel_loop3A_458 = arith.constant 6 : i32
        %parallel_loop3A_459 = arith.constant 0 : i32
        %parallel_loop3A_460 = arith.constant 0 : i32
        %parallel_loop3A_461 = tpu.memref_slice %arg5[%rem3A_206, %parallel_loop3A_459, %parallel_loop3A_460] : memref<2x30x256xf32, #tpu.memory_space<vmem>> -> memref<1x30x256xf32, #tpu.memory_space<vmem>>
        %parallel_loop3A_462 = tpu.memref_squeeze %parallel_loop3A_461 : memref<1x30x256xf32, #tpu.memory_space<vmem>> -> memref<30x256xf32, #tpu.memory_space<vmem>>
        %parallel_loop3A_463 = arith.index_cast %parallel_loop3A_458 : i32 to index
        %parallel_loop3A_464 = arith.index_cast %parallel_loop3A_408 : i32 to index
        %parallel_loop3A_465 = tpu.vector_load %parallel_loop3A_462[%parallel_loop3A_463, %parallel_loop3A_464] {strides = array<i32>} : memref<30x256xf32, #tpu.memory_space<vmem>>, vector<16xf32>,
        %parallel_loop3A_466 = arith.constant 7 : i32
        %parallel_loop3A_467 = arith.constant 0 : i32
        %parallel_loop3A_468 = arith.constant 0 : i32
        %parallel_loop3A_469 = tpu.memref_slice %arg5[%rem3A_206, %parallel_loop3A_467, %parallel_loop3A_468] : memref<2x30x256xf32, #tpu.memory_space<vmem>> -> memref<1x30x256xf32, #tpu.memory_space<vmem>>
        %parallel_loop3A_470 = tpu.memref_squeeze %parallel_loop3A_469 : memref<1x30x256xf32, #tpu.memory_space<vmem>> -> memref<30x256xf32, #tpu.memory_space<vmem>>
        %parallel_loop3A_471 = arith.index_cast %parallel_loop3A_466 : i32 to index
        %parallel_loop3A_472 = arith.index_cast %parallel_loop3A_408 : i32 to index
        %parallel_loop3A_473 = tpu.vector_load %parallel_loop3A_470[%parallel_loop3A_471, %parallel_loop3A_472] {strides = array<i32>} : memref<30x256xf32, #tpu.memory_space<vmem>>, vector<16xf32>,
        %parallel_loop3A_474 = arith.constant 8 : i32
        %parallel_loop3A_475 = arith.constant 0 : i32
        %parallel_loop3A_476 = arith.constant 0 : i32
        %parallel_loop3A_477 = tpu.memref_slice %arg5[%rem3A_206, %parallel_loop3A_475, %parallel_loop3A_476] : memref<2x30x256xf32, #tpu.memory_space<vmem>> -> memref<1x30x256xf32, #tpu.memory_space<vmem>>
        %parallel_loop3A_478 = tpu.memref_squeeze %parallel_loop3A_477 : memref<1x30x256xf32, #tpu.memory_space<vmem>> -> memref<30x256xf32, #tpu.memory_space<vmem>>
        %parallel_loop3A_479 = arith.index_cast %parallel_loop3A_474 : i32 to index
        %parallel_loop3A_480 = arith.index_cast %parallel_loop3A_408 : i32 to index
        %parallel_loop3A_481 = tpu.vector_load %parallel_loop3A_478[%parallel_loop3A_479, %parallel_loop3A_480] {strides = array<i32>} : memref<30x256xf32, #tpu.memory_space<vmem>>, vector<16xf32>,
        %parallel_loop3A_482 = arith.constant 9 : i32
        %parallel_loop3A_483 = arith.constant 0 : i32
        %parallel_loop3A_484 = arith.constant 0 : i32
        %parallel_loop3A_485 = tpu.memref_slice %arg5[%rem3A_206, %parallel_loop3A_483, %parallel_loop3A_484] : memref<2x30x256xf32, #tpu.memory_space<vmem>> -> memref<1x30x256xf32, #tpu.memory_space<vmem>>
        %parallel_loop3A_486 = tpu.memref_squeeze %parallel_loop3A_485 : memref<1x30x256xf32, #tpu.memory_space<vmem>> -> memref<30x256xf32, #tpu.memory_space<vmem>>
        %parallel_loop3A_487 = arith.index_cast %parallel_loop3A_482 : i32 to index
        %parallel_loop3A_488 = arith.index_cast %parallel_loop3A_408 : i32 to index
        %parallel_loop3A_489 = tpu.vector_load %parallel_loop3A_486[%parallel_loop3A_487, %parallel_loop3A_488] {strides = array<i32>} : memref<30x256xf32, #tpu.memory_space<vmem>>, vector<16xf32>,
        %parallel_loop3A_490 = arith.constant 0 : i32
        %parallel_loop3A_491 = arith.constant 0 : i32
        %parallel_loop3A_492 = arith.constant 0 : i32
        %parallel_loop3A_493 = tpu.memref_slice %arg6[%rem3A_206, %parallel_loop3A_491, %parallel_loop3A_492] : memref<2x30x256xf32, #tpu.memory_space<vmem>> -> memref<1x30x256xf32, #tpu.memory_space<vmem>>
        %parallel_loop3A_494 = tpu.memref_squeeze %parallel_loop3A_493 : memref<1x30x256xf32, #tpu.memory_space<vmem>> -> memref<30x256xf32, #tpu.memory_space<vmem>>
        %parallel_loop3A_495 = arith.index_cast %parallel_loop3A_490 : i32 to index
        %parallel_loop3A_496 = arith.index_cast %parallel_loop3A_408 : i32 to index
        %parallel_loop3A_497 = tpu.vector_load %parallel_loop3A_494[%parallel_loop3A_495, %parallel_loop3A_496] {strides = array<i32>} : memref<30x256xf32, #tpu.memory_space<vmem>>, vector<16xf32>,
        %parallel_loop3A_498 = arith.constant 1 : i32
        %parallel_loop3A_499 = arith.constant 0 : i32
        %parallel_loop3A_500 = arith.constant 0 : i32
        %parallel_loop3A_501 = tpu.memref_slice %arg6[%rem3A_206, %parallel_loop3A_499, %parallel_loop3A_500] : memref<2x30x256xf32, #tpu.memory_space<vmem>> -> memref<1x30x256xf32, #tpu.memory_space<vmem>>
        %parallel_loop3A_502 = tpu.memref_squeeze %parallel_loop3A_501 : memref<1x30x256xf32, #tpu.memory_space<vmem>> -> memref<30x256xf32, #tpu.memory_space<vmem>>
        %parallel_loop3A_503 = arith.index_cast %parallel_loop3A_498 : i32 to index
        %parallel_loop3A_504 = arith.index_cast %parallel_loop3A_408 : i32 to index
        %parallel_loop3A_505 = tpu.vector_load %parallel_loop3A_502[%parallel_loop3A_503, %parallel_loop3A_504] {strides = array<i32>} : memref<30x256xf32, #tpu.memory_space<vmem>>, vector<16xf32>,
        %parallel_loop3A_506 = arith.constant 2 : i32
        %parallel_loop3A_507 = arith.constant 0 : i32
        %parallel_loop3A_508 = arith.constant 0 : i32
        %parallel_loop3A_509 = tpu.memref_slice %arg6[%rem3A_206, %parallel_loop3A_507, %parallel_loop3A_508] : memref<2x30x256xf32, #tpu.memory_space<vmem>> -> memref<1x30x256xf32, #tpu.memory_space<vmem>>
        %parallel_loop3A_510 = tpu.memref_squeeze %parallel_loop3A_509 : memref<1x30x256xf32, #tpu.memory_space<vmem>> -> memref<30x256xf32, #tpu.memory_space<vmem>>
        %parallel_loop3A_511 = arith.index_cast %parallel_loop3A_506 : i32 to index
        %parallel_loop3A_512 = arith.index_cast %parallel_loop3A_408 : i32 to index
        %parallel_loop3A_513 = tpu.vector_load %parallel_loop3A_510[%parallel_loop3A_511, %parallel_loop3A_512] {strides = array<i32>} : memref<30x256xf32, #tpu.memory_space<vmem>>, vector<16xf32>,
        %parallel_loop3A_514 = arith.constant 3 : i32
        %parallel_loop3A_515 = arith.constant 0 : i32
        %parallel_loop3A_516 = arith.constant 0 : i32
        %parallel_loop3A_517 = tpu.memref_slice %arg6[%rem3A_206, %parallel_loop3A_515, %parallel_loop3A_516] : memref<2x30x256xf32, #tpu.memory_space<vmem>> -> memref<1x30x256xf32, #tpu.memory_space<vmem>>
        %parallel_loop3A_518 = tpu.memref_squeeze %parallel_loop3A_517 : memref<1x30x256xf32, #tpu.memory_space<vmem>> -> memref<30x256xf32, #tpu.memory_space<vmem>>
        %parallel_loop3A_519 = arith.index_cast %parallel_loop3A_514 : i32 to index
        %parallel_loop3A_520 = arith.index_cast %parallel_loop3A_408 : i32 to index
        %parallel_loop3A_521 = tpu.vector_load %parallel_loop3A_518[%parallel_loop3A_519, %parallel_loop3A_520] {strides = array<i32>} : memref<30x256xf32, #tpu.memory_space<vmem>>, vector<16xf32>,
        %parallel_loop3A_522 = arith.constant 4 : i32
        %parallel_loop3A_523 = arith.constant 0 : i32
        %parallel_loop3A_524 = arith.constant 0 : i32
        %parallel_loop3A_525 = tpu.memref_slice %arg6[%rem3A_206, %parallel_loop3A_523, %parallel_loop3A_524] : memref<2x30x256xf32, #tpu.memory_space<vmem>> -> memref<1x30x256xf32, #tpu.memory_space<vmem>>
        %parallel_loop3A_526 = tpu.memref_squeeze %parallel_loop3A_525 : memref<1x30x256xf32, #tpu.memory_space<vmem>> -> memref<30x256xf32, #tpu.memory_space<vmem>>
        %parallel_loop3A_527 = arith.index_cast %parallel_loop3A_522 : i32 to index
        %parallel_loop3A_528 = arith.index_cast %parallel_loop3A_408 : i32 to index
        %parallel_loop3A_529 = tpu.vector_load %parallel_loop3A_526[%parallel_loop3A_527, %parallel_loop3A_528] {strides = array<i32>} : memref<30x256xf32, #tpu.memory_space<vmem>>, vector<16xf32>,
        %parallel_loop3A_530 = arith.constant 9 : i32
        %parallel_loop3A_531 = arith.constant 0 : i32
        %parallel_loop3A_532 = arith.constant 0 : i32
        %parallel_loop3A_533 = tpu.memref_slice %arg6[%rem3A_206, %parallel_loop3A_531, %parallel_loop3A_532] : memref<2x30x256xf32, #tpu.memory_space<vmem>> -> memref<1x30x256xf32, #tpu.memory_space<vmem>>
        %parallel_loop3A_534 = tpu.memref_squeeze %parallel_loop3A_533 : memref<1x30x256xf32, #tpu.memory_space<vmem>> -> memref<30x256xf32, #tpu.memory_space<vmem>>
        %parallel_loop3A_535 = arith.index_cast %parallel_loop3A_530 : i32 to index
        %parallel_loop3A_536 = arith.index_cast %parallel_loop3A_408 : i32 to index
        %parallel_loop3A_537 = tpu.vector_load %parallel_loop3A_534[%parallel_loop3A_535, %parallel_loop3A_536] {strides = array<i32>} : memref<30x256xf32, #tpu.memory_space<vmem>>, vector<16xf32>,
        %parallel_loop3A_538 = arith.constant 0.000000e+00 : f32
        %parallel_loop3A_539 = vector.broadcast %parallel_loop3A_538 : f32 to vector<16xf32>
        %parallel_loop3A_540 = arith.constant 10 : i32
        %parallel_loop3A_541 = arith.constant 0 : i32
        %parallel_loop3A_542 = arith.constant 0 : i32
        %parallel_loop3A_543 = tpu.memref_slice %arg5[%rem3A_206, %parallel_loop3A_541, %parallel_loop3A_542] : memref<2x30x256xf32, #tpu.memory_space<vmem>> -> memref<1x30x256xf32, #tpu.memory_space<vmem>>
        %parallel_loop3A_544 = tpu.memref_squeeze %parallel_loop3A_543 : memref<1x30x256xf32, #tpu.memory_space<vmem>> -> memref<30x256xf32, #tpu.memory_space<vmem>>
        %parallel_loop3A_545 = arith.index_cast %parallel_loop3A_540 : i32 to index
        %parallel_loop3A_546 = arith.index_cast %parallel_loop3A_408 : i32 to index
        %parallel_loop3A_547 = tpu.vector_load %parallel_loop3A_544[%parallel_loop3A_545, %parallel_loop3A_546] {strides = array<i32>} : memref<30x256xf32, #tpu.memory_space<vmem>>, vector<16xf32>,
        %parallel_loop3A_548 = arith.constant 10 : i32
        %parallel_loop3A_549 = arith.constant 0 : i32
        %parallel_loop3A_550 = arith.constant 0 : i32
        %parallel_loop3A_551 = tpu.memref_slice %arg6[%rem3A_206, %parallel_loop3A_549, %parallel_loop3A_550] : memref<2x30x256xf32, #tpu.memory_space<vmem>> -> memref<1x30x256xf32, #tpu.memory_space<vmem>>
        %parallel_loop3A_552 = tpu.memref_squeeze %parallel_loop3A_551 : memref<1x30x256xf32, #tpu.memory_space<vmem>> -> memref<30x256xf32, #tpu.memory_space<vmem>>
        %parallel_loop3A_553 = arith.index_cast %parallel_loop3A_548 : i32 to index
        %parallel_loop3A_554 = arith.index_cast %parallel_loop3A_408 : i32 to index
        %parallel_loop3A_555 = tpu.vector_load %parallel_loop3A_552[%parallel_loop3A_553, %parallel_loop3A_554] {strides = array<i32>} : memref<30x256xf32, #tpu.memory_space<vmem>>, vector<16xf32>,
        %parallel_loop3A_556 = arith.subf %parallel_loop3A_547, %parallel_loop3A_555 : vector<16xf32>
        %parallel_loop3A_557 = arith.mulf %parallel_loop3A_556, %parallel_loop3A_556 : vector<16xf32>
        %parallel_loop3A_558 = arith.addf %parallel_loop3A_539, %parallel_loop3A_557 : vector<16xf32>
        %parallel_loop3A_559 = arith.constant 11 : i32
        %parallel_loop3A_560 = arith.constant 0 : i32
        %parallel_loop3A_561 = arith.constant 0 : i32
        %parallel_loop3A_562 = tpu.memref_slice %arg5[%rem3A_206, %parallel_loop3A_560, %parallel_loop3A_561] : memref<2x30x256xf32, #tpu.memory_space<vmem>> -> memref<1x30x256xf32, #tpu.memory_space<vmem>>
        %parallel_loop3A_563 = tpu.memref_squeeze %parallel_loop3A_562 : memref<1x30x256xf32, #tpu.memory_space<vmem>> -> memref<30x256xf32, #tpu.memory_space<vmem>>
        %parallel_loop3A_564 = arith.index_cast %parallel_loop3A_559 : i32 to index
        %parallel_loop3A_565 = arith.index_cast %parallel_loop3A_408 : i32 to index
        %parallel_loop3A_566 = tpu.vector_load %parallel_loop3A_563[%parallel_loop3A_564, %parallel_loop3A_565] {strides = array<i32>} : memref<30x256xf32, #tpu.memory_space<vmem>>, vector<16xf32>,
        %parallel_loop3A_567 = arith.constant 11 : i32
        %parallel_loop3A_568 = arith.constant 0 : i32
        %parallel_loop3A_569 = arith.constant 0 : i32
        %parallel_loop3A_570 = tpu.memref_slice %arg6[%rem3A_206, %parallel_loop3A_568, %parallel_loop3A_569] : memref<2x30x256xf32, #tpu.memory_space<vmem>> -> memref<1x30x256xf32, #tpu.memory_space<vmem>>
        %parallel_loop3A_571 = tpu.memref_squeeze %parallel_loop3A_570 : memref<1x30x256xf32, #tpu.memory_space<vmem>> -> memref<30x256xf32, #tpu.memory_space<vmem>>
        %parallel_loop3A_572 = arith.index_cast %parallel_loop3A_567 : i32 to index
        %parallel_loop3A_573 = arith.index_cast %parallel_loop3A_408 : i32 to index
        %parallel_loop3A_574 = tpu.vector_load %parallel_loop3A_571[%parallel_loop3A_572, %parallel_loop3A_573] {strides = array<i32>} : memref<30x256xf32, #tpu.memory_space<vmem>>, vector<16xf32>,
        %parallel_loop3A_575 = arith.subf %parallel_loop3A_566, %parallel_loop3A_574 : vector<16xf32>
        %parallel_loop3A_576 = arith.mulf %parallel_loop3A_575, %parallel_loop3A_575 : vector<16xf32>
        %parallel_loop3A_577 = arith.addf %parallel_loop3A_558, %parallel_loop3A_576 : vector<16xf32>
        %parallel_loop3A_578 = arith.constant 12 : i32
        %parallel_loop3A_579 = arith.constant 0 : i32
        %parallel_loop3A_580 = arith.constant 0 : i32
        %parallel_loop3A_581 = tpu.memref_slice %arg5[%rem3A_206, %parallel_loop3A_579, %parallel_loop3A_580] : memref<2x30x256xf32, #tpu.memory_space<vmem>> -> memref<1x30x256xf32, #tpu.memory_space<vmem>>
        %parallel_loop3A_582 = tpu.memref_squeeze %parallel_loop3A_581 : memref<1x30x256xf32, #tpu.memory_space<vmem>> -> memref<30x256xf32, #tpu.memory_space<vmem>>
        %parallel_loop3A_583 = arith.index_cast %parallel_loop3A_578 : i32 to index
        %parallel_loop3A_584 = arith.index_cast %parallel_loop3A_408 : i32 to index
        %parallel_loop3A_585 = tpu.vector_load %parallel_loop3A_582[%parallel_loop3A_583, %parallel_loop3A_584] {strides = array<i32>} : memref<30x256xf32, #tpu.memory_space<vmem>>, vector<16xf32>,
        %parallel_loop3A_586 = arith.constant 12 : i32
        %parallel_loop3A_587 = arith.constant 0 : i32
        %parallel_loop3A_588 = arith.constant 0 : i32
        %parallel_loop3A_589 = tpu.memref_slice %arg6[%rem3A_206, %parallel_loop3A_587, %parallel_loop3A_588] : memref<2x30x256xf32, #tpu.memory_space<vmem>> -> memref<1x30x256xf32, #tpu.memory_space<vmem>>
        %parallel_loop3A_590 = tpu.memref_squeeze %parallel_loop3A_589 : memref<1x30x256xf32, #tpu.memory_space<vmem>> -> memref<30x256xf32, #tpu.memory_space<vmem>>
        %parallel_loop3A_591 = arith.index_cast %parallel_loop3A_586 : i32 to index
        %parallel_loop3A_592 = arith.index_cast %parallel_loop3A_408 : i32 to index
        %parallel_loop3A_593 = tpu.vector_load %parallel_loop3A_590[%parallel_loop3A_591, %parallel_loop3A_592] {strides = array<i32>} : memref<30x256xf32, #tpu.memory_space<vmem>>, vector<16xf32>,
        %parallel_loop3A_594 = arith.subf %parallel_loop3A_585, %parallel_loop3A_593 : vector<16xf32>
        %parallel_loop3A_595 = arith.mulf %parallel_loop3A_594, %parallel_loop3A_594 : vector<16xf32>
        %parallel_loop3A_596 = arith.addf %parallel_loop3A_577, %parallel_loop3A_595 : vector<16xf32>
        %parallel_loop3A_597 = arith.constant 13 : i32
        %parallel_loop3A_598 = arith.constant 0 : i32
        %parallel_loop3A_599 = arith.constant 0 : i32
        %parallel_loop3A_600 = tpu.memref_slice %arg5[%rem3A_206, %parallel_loop3A_598, %parallel_loop3A_599] : memref<2x30x256xf32, #tpu.memory_space<vmem>> -> memref<1x30x256xf32, #tpu.memory_space<vmem>>
        %parallel_loop3A_601 = tpu.memref_squeeze %parallel_loop3A_600 : memref<1x30x256xf32, #tpu.memory_space<vmem>> -> memref<30x256xf32, #tpu.memory_space<vmem>>
        %parallel_loop3A_602 = arith.index_cast %parallel_loop3A_597 : i32 to index
        %parallel_loop3A_603 = arith.index_cast %parallel_loop3A_408 : i32 to index
        %parallel_loop3A_604 = tpu.vector_load %parallel_loop3A_601[%parallel_loop3A_602, %parallel_loop3A_603] {strides = array<i32>} : memref<30x256xf32, #tpu.memory_space<vmem>>, vector<16xf32>,
        %parallel_loop3A_605 = arith.constant 13 : i32
        %parallel_loop3A_606 = arith.constant 0 : i32
        %parallel_loop3A_607 = arith.constant 0 : i32
        %parallel_loop3A_608 = tpu.memref_slice %arg6[%rem3A_206, %parallel_loop3A_606, %parallel_loop3A_607] : memref<2x30x256xf32, #tpu.memory_space<vmem>> -> memref<1x30x256xf32, #tpu.memory_space<vmem>>
        %parallel_loop3A_609 = tpu.memref_squeeze %parallel_loop3A_608 : memref<1x30x256xf32, #tpu.memory_space<vmem>> -> memref<30x256xf32, #tpu.memory_space<vmem>>
        %parallel_loop3A_610 = arith.index_cast %parallel_loop3A_605 : i32 to index
        %parallel_loop3A_611 = arith.index_cast %parallel_loop3A_408 : i32 to index
        %parallel_loop3A_612 = tpu.vector_load %parallel_loop3A_609[%parallel_loop3A_610, %parallel_loop3A_611] {strides = array<i32>} : memref<30x256xf32, #tpu.memory_space<vmem>>, vector<16xf32>,
        %parallel_loop3A_613 = arith.subf %parallel_loop3A_604, %parallel_loop3A_612 : vector<16xf32>
        %parallel_loop3A_614 = arith.mulf %parallel_loop3A_613, %parallel_loop3A_613 : vector<16xf32>
        %parallel_loop3A_615 = arith.addf %parallel_loop3A_596, %parallel_loop3A_614 : vector<16xf32>
        %parallel_loop3A_616 = arith.constant 14 : i32
        %parallel_loop3A_617 = arith.constant 0 : i32
        %parallel_loop3A_618 = arith.constant 0 : i32
        %parallel_loop3A_619 = tpu.memref_slice %arg5[%rem3A_206, %parallel_loop3A_617, %parallel_loop3A_618] : memref<2x30x256xf32, #tpu.memory_space<vmem>> -> memref<1x30x256xf32, #tpu.memory_space<vmem>>
        %parallel_loop3A_620 = tpu.memref_squeeze %parallel_loop3A_619 : memref<1x30x256xf32, #tpu.memory_space<vmem>> -> memref<30x256xf32, #tpu.memory_space<vmem>>
        %parallel_loop3A_621 = arith.index_cast %parallel_loop3A_616 : i32 to index
        %parallel_loop3A_622 = arith.index_cast %parallel_loop3A_408 : i32 to index
        %parallel_loop3A_623 = tpu.vector_load %parallel_loop3A_620[%parallel_loop3A_621, %parallel_loop3A_622] {strides = array<i32>} : memref<30x256xf32, #tpu.memory_space<vmem>>, vector<16xf32>,
        %parallel_loop3A_624 = arith.constant 14 : i32
        %parallel_loop3A_625 = arith.constant 0 : i32
        %parallel_loop3A_626 = arith.constant 0 : i32
        %parallel_loop3A_627 = tpu.memref_slice %arg6[%rem3A_206, %parallel_loop3A_625, %parallel_loop3A_626] : memref<2x30x256xf32, #tpu.memory_space<vmem>> -> memref<1x30x256xf32, #tpu.memory_space<vmem>>
        %parallel_loop3A_628 = tpu.memref_squeeze %parallel_loop3A_627 : memref<1x30x256xf32, #tpu.memory_space<vmem>> -> memref<30x256xf32, #tpu.memory_space<vmem>>
        %parallel_loop3A_629 = arith.index_cast %parallel_loop3A_624 : i32 to index
        %parallel_loop3A_630 = arith.index_cast %parallel_loop3A_408 : i32 to index
        %parallel_loop3A_631 = tpu.vector_load %parallel_loop3A_628[%parallel_loop3A_629, %parallel_loop3A_630] {strides = array<i32>} : memref<30x256xf32, #tpu.memory_space<vmem>>, vector<16xf32>,
        %parallel_loop3A_632 = arith.subf %parallel_loop3A_623, %parallel_loop3A_631 : vector<16xf32>
        %parallel_loop3A_633 = arith.mulf %parallel_loop3A_632, %parallel_loop3A_632 : vector<16xf32>
        %parallel_loop3A_634 = arith.addf %parallel_loop3A_615, %parallel_loop3A_633 : vector<16xf32>
        %parallel_loop3A_635 = arith.constant 15 : i32
        %parallel_loop3A_636 = arith.constant 0 : i32
        %parallel_loop3A_637 = arith.constant 0 : i32
        %parallel_loop3A_638 = tpu.memref_slice %arg5[%rem3A_206, %parallel_loop3A_636, %parallel_loop3A_637] : memref<2x30x256xf32, #tpu.memory_space<vmem>> -> memref<1x30x256xf32, #tpu.memory_space<vmem>>
        %parallel_loop3A_639 = tpu.memref_squeeze %parallel_loop3A_638 : memref<1x30x256xf32, #tpu.memory_space<vmem>> -> memref<30x256xf32, #tpu.memory_space<vmem>>
        %parallel_loop3A_640 = arith.index_cast %parallel_loop3A_635 : i32 to index
        %parallel_loop3A_641 = arith.index_cast %parallel_loop3A_408 : i32 to index
        %parallel_loop3A_642 = tpu.vector_load %parallel_loop3A_639[%parallel_loop3A_640, %parallel_loop3A_641] {strides = array<i32>} : memref<30x256xf32, #tpu.memory_space<vmem>>, vector<16xf32>,
        %parallel_loop3A_643 = arith.constant 15 : i32
        %parallel_loop3A_644 = arith.constant 0 : i32
        %parallel_loop3A_645 = arith.constant 0 : i32
        %parallel_loop3A_646 = tpu.memref_slice %arg6[%rem3A_206, %parallel_loop3A_644, %parallel_loop3A_645] : memref<2x30x256xf32, #tpu.memory_space<vmem>> -> memref<1x30x256xf32, #tpu.memory_space<vmem>>
        %parallel_loop3A_647 = tpu.memref_squeeze %parallel_loop3A_646 : memref<1x30x256xf32, #tpu.memory_space<vmem>> -> memref<30x256xf32, #tpu.memory_space<vmem>>
        %parallel_loop3A_648 = arith.index_cast %parallel_loop3A_643 : i32 to index
        %parallel_loop3A_649 = arith.index_cast %parallel_loop3A_408 : i32 to index
        %parallel_loop3A_650 = tpu.vector_load %parallel_loop3A_647[%parallel_loop3A_648, %parallel_loop3A_649] {strides = array<i32>} : memref<30x256xf32, #tpu.memory_space<vmem>>, vector<16xf32>,
        %parallel_loop3A_651 = arith.subf %parallel_loop3A_642, %parallel_loop3A_650 : vector<16xf32>
        %parallel_loop3A_652 = arith.mulf %parallel_loop3A_651, %parallel_loop3A_651 : vector<16xf32>
        %parallel_loop3A_653 = arith.addf %parallel_loop3A_634, %parallel_loop3A_652 : vector<16xf32>
        %parallel_loop3A_654 = arith.constant 16 : i32
        %parallel_loop3A_655 = arith.constant 0 : i32
        %parallel_loop3A_656 = arith.constant 0 : i32
        %parallel_loop3A_657 = tpu.memref_slice %arg5[%rem3A_206, %parallel_loop3A_655, %parallel_loop3A_656] : memref<2x30x256xf32, #tpu.memory_space<vmem>> -> memref<1x30x256xf32, #tpu.memory_space<vmem>>
        %parallel_loop3A_658 = tpu.memref_squeeze %parallel_loop3A_657 : memref<1x30x256xf32, #tpu.memory_space<vmem>> -> memref<30x256xf32, #tpu.memory_space<vmem>>
        %parallel_loop3A_659 = arith.index_cast %parallel_loop3A_654 : i32 to index
        %parallel_loop3A_660 = arith.index_cast %parallel_loop3A_408 : i32 to index
        %parallel_loop3A_661 = tpu.vector_load %parallel_loop3A_658[%parallel_loop3A_659, %parallel_loop3A_660] {strides = array<i32>} : memref<30x256xf32, #tpu.memory_space<vmem>>, vector<16xf32>,
        %parallel_loop3A_662 = arith.constant 16 : i32
        %parallel_loop3A_663 = arith.constant 0 : i32
        %parallel_loop3A_664 = arith.constant 0 : i32
        %parallel_loop3A_665 = tpu.memref_slice %arg6[%rem3A_206, %parallel_loop3A_663, %parallel_loop3A_664] : memref<2x30x256xf32, #tpu.memory_space<vmem>> -> memref<1x30x256xf32, #tpu.memory_space<vmem>>
        %parallel_loop3A_666 = tpu.memref_squeeze %parallel_loop3A_665 : memref<1x30x256xf32, #tpu.memory_space<vmem>> -> memref<30x256xf32, #tpu.memory_space<vmem>>
        %parallel_loop3A_667 = arith.index_cast %parallel_loop3A_662 : i32 to index
        %parallel_loop3A_668 = arith.index_cast %parallel_loop3A_408 : i32 to index
        %parallel_loop3A_669 = tpu.vector_load %parallel_loop3A_666[%parallel_loop3A_667, %parallel_loop3A_668] {strides = array<i32>} : memref<30x256xf32, #tpu.memory_space<vmem>>, vector<16xf32>,
        %parallel_loop3A_670 = arith.subf %parallel_loop3A_661, %parallel_loop3A_669 : vector<16xf32>
        %parallel_loop3A_671 = arith.mulf %parallel_loop3A_670, %parallel_loop3A_670 : vector<16xf32>
        %parallel_loop3A_672 = arith.addf %parallel_loop3A_653, %parallel_loop3A_671 : vector<16xf32>
        %parallel_loop3A_673 = arith.constant 17 : i32
        %parallel_loop3A_674 = arith.constant 0 : i32
        %parallel_loop3A_675 = arith.constant 0 : i32
        %parallel_loop3A_676 = tpu.memref_slice %arg5[%rem3A_206, %parallel_loop3A_674, %parallel_loop3A_675] : memref<2x30x256xf32, #tpu.memory_space<vmem>> -> memref<1x30x256xf32, #tpu.memory_space<vmem>>
        %parallel_loop3A_677 = tpu.memref_squeeze %parallel_loop3A_676 : memref<1x30x256xf32, #tpu.memory_space<vmem>> -> memref<30x256xf32, #tpu.memory_space<vmem>>
        %parallel_loop3A_678 = arith.index_cast %parallel_loop3A_673 : i32 to index
        %parallel_loop3A_679 = arith.index_cast %parallel_loop3A_408 : i32 to index
        %parallel_loop3A_680 = tpu.vector_load %parallel_loop3A_677[%parallel_loop3A_678, %parallel_loop3A_679] {strides = array<i32>} : memref<30x256xf32, #tpu.memory_space<vmem>>, vector<16xf32>,
        %parallel_loop3A_681 = arith.constant 17 : i32
        %parallel_loop3A_682 = arith.constant 0 : i32
        %parallel_loop3A_683 = arith.constant 0 : i32
        %parallel_loop3A_684 = tpu.memref_slice %arg6[%rem3A_206, %parallel_loop3A_682, %parallel_loop3A_683] : memref<2x30x256xf32, #tpu.memory_space<vmem>> -> memref<1x30x256xf32, #tpu.memory_space<vmem>>
        %parallel_loop3A_685 = tpu.memref_squeeze %parallel_loop3A_684 : memref<1x30x256xf32, #tpu.memory_space<vmem>> -> memref<30x256xf32, #tpu.memory_space<vmem>>
        %parallel_loop3A_686 = arith.index_cast %parallel_loop3A_681 : i32 to index
        %parallel_loop3A_687 = arith.index_cast %parallel_loop3A_408 : i32 to index
        %parallel_loop3A_688 = tpu.vector_load %parallel_loop3A_685[%parallel_loop3A_686, %parallel_loop3A_687] {strides = array<i32>} : memref<30x256xf32, #tpu.memory_space<vmem>>, vector<16xf32>,
        %parallel_loop3A_689 = arith.subf %parallel_loop3A_680, %parallel_loop3A_688 : vector<16xf32>
        %parallel_loop3A_690 = arith.mulf %parallel_loop3A_689, %parallel_loop3A_689 : vector<16xf32>
        %parallel_loop3A_691 = arith.addf %parallel_loop3A_672, %parallel_loop3A_690 : vector<16xf32>
        %parallel_loop3A_692 = arith.constant 18 : i32
        %parallel_loop3A_693 = arith.constant 0 : i32
        %parallel_loop3A_694 = arith.constant 0 : i32
        %parallel_loop3A_695 = tpu.memref_slice %arg5[%rem3A_206, %parallel_loop3A_693, %parallel_loop3A_694] : memref<2x30x256xf32, #tpu.memory_space<vmem>> -> memref<1x30x256xf32, #tpu.memory_space<vmem>>
        %parallel_loop3A_696 = tpu.memref_squeeze %parallel_loop3A_695 : memref<1x30x256xf32, #tpu.memory_space<vmem>> -> memref<30x256xf32, #tpu.memory_space<vmem>>
        %parallel_loop3A_697 = arith.index_cast %parallel_loop3A_692 : i32 to index
        %parallel_loop3A_698 = arith.index_cast %parallel_loop3A_408 : i32 to index
        %parallel_loop3A_699 = tpu.vector_load %parallel_loop3A_696[%parallel_loop3A_697, %parallel_loop3A_698] {strides = array<i32>} : memref<30x256xf32, #tpu.memory_space<vmem>>, vector<16xf32>,
        %parallel_loop3A_700 = arith.constant 18 : i32
        %parallel_loop3A_701 = arith.constant 0 : i32
        %parallel_loop3A_702 = arith.constant 0 : i32
        %parallel_loop3A_703 = tpu.memref_slice %arg6[%rem3A_206, %parallel_loop3A_701, %parallel_loop3A_702] : memref<2x30x256xf32, #tpu.memory_space<vmem>> -> memref<1x30x256xf32, #tpu.memory_space<vmem>>
        %parallel_loop3A_704 = tpu.memref_squeeze %parallel_loop3A_703 : memref<1x30x256xf32, #tpu.memory_space<vmem>> -> memref<30x256xf32, #tpu.memory_space<vmem>>
        %parallel_loop3A_705 = arith.index_cast %parallel_loop3A_700 : i32 to index
        %parallel_loop3A_706 = arith.index_cast %parallel_loop3A_408 : i32 to index
        %parallel_loop3A_707 = tpu.vector_load %parallel_loop3A_704[%parallel_loop3A_705, %parallel_loop3A_706] {strides = array<i32>} : memref<30x256xf32, #tpu.memory_space<vmem>>, vector<16xf32>,
        %parallel_loop3A_708 = arith.subf %parallel_loop3A_699, %parallel_loop3A_707 : vector<16xf32>
        %parallel_loop3A_709 = arith.mulf %parallel_loop3A_708, %parallel_loop3A_708 : vector<16xf32>
        %parallel_loop3A_710 = arith.addf %parallel_loop3A_691, %parallel_loop3A_709 : vector<16xf32>
        %parallel_loop3A_711 = arith.constant 19 : i32
        %parallel_loop3A_712 = arith.constant 0 : i32
        %parallel_loop3A_713 = arith.constant 0 : i32
        %parallel_loop3A_714 = tpu.memref_slice %arg5[%rem3A_206, %parallel_loop3A_712, %parallel_loop3A_713] : memref<2x30x256xf32, #tpu.memory_space<vmem>> -> memref<1x30x256xf32, #tpu.memory_space<vmem>>
        %parallel_loop3A_715 = tpu.memref_squeeze %parallel_loop3A_714 : memref<1x30x256xf32, #tpu.memory_space<vmem>> -> memref<30x256xf32, #tpu.memory_space<vmem>>
        %parallel_loop3A_716 = arith.index_cast %parallel_loop3A_711 : i32 to index
        %parallel_loop3A_717 = arith.index_cast %parallel_loop3A_408 : i32 to index
        %parallel_loop3A_718 = tpu.vector_load %parallel_loop3A_715[%parallel_loop3A_716, %parallel_loop3A_717] {strides = array<i32>} : memref<30x256xf32, #tpu.memory_space<vmem>>, vector<16xf32>,
        %parallel_loop3A_719 = arith.constant 19 : i32
        %parallel_loop3A_720 = arith.constant 0 : i32
        %parallel_loop3A_721 = arith.constant 0 : i32
        %parallel_loop3A_722 = tpu.memref_slice %arg6[%rem3A_206, %parallel_loop3A_720, %parallel_loop3A_721] : memref<2x30x256xf32, #tpu.memory_space<vmem>> -> memref<1x30x256xf32, #tpu.memory_space<vmem>>
        %parallel_loop3A_723 = tpu.memref_squeeze %parallel_loop3A_722 : memref<1x30x256xf32, #tpu.memory_space<vmem>> -> memref<30x256xf32, #tpu.memory_space<vmem>>
        %parallel_loop3A_724 = arith.index_cast %parallel_loop3A_719 : i32 to index
        %parallel_loop3A_725 = arith.index_cast %parallel_loop3A_408 : i32 to index
        %parallel_loop3A_726 = tpu.vector_load %parallel_loop3A_723[%parallel_loop3A_724, %parallel_loop3A_725] {strides = array<i32>} : memref<30x256xf32, #tpu.memory_space<vmem>>, vector<16xf32>,
        %parallel_loop3A_727 = arith.subf %parallel_loop3A_718, %parallel_loop3A_726 : vector<16xf32>
        %parallel_loop3A_728 = arith.mulf %parallel_loop3A_727, %parallel_loop3A_727 : vector<16xf32>
        %parallel_loop3A_729 = arith.addf %parallel_loop3A_710, %parallel_loop3A_728 : vector<16xf32>
        %parallel_loop3A_730 = arith.constant 20 : i32
        %parallel_loop3A_731 = arith.constant 0 : i32
        %parallel_loop3A_732 = arith.constant 0 : i32
        %parallel_loop3A_733 = tpu.memref_slice %arg5[%rem3A_206, %parallel_loop3A_731, %parallel_loop3A_732] : memref<2x30x256xf32, #tpu.memory_space<vmem>> -> memref<1x30x256xf32, #tpu.memory_space<vmem>>
        %parallel_loop3A_734 = tpu.memref_squeeze %parallel_loop3A_733 : memref<1x30x256xf32, #tpu.memory_space<vmem>> -> memref<30x256xf32, #tpu.memory_space<vmem>>
        %parallel_loop3A_735 = arith.index_cast %parallel_loop3A_730 : i32 to index
        %parallel_loop3A_736 = arith.index_cast %parallel_loop3A_408 : i32 to index
        %parallel_loop3A_737 = tpu.vector_load %parallel_loop3A_734[%parallel_loop3A_735, %parallel_loop3A_736] {strides = array<i32>} : memref<30x256xf32, #tpu.memory_space<vmem>>, vector<16xf32>,
        %parallel_loop3A_738 = arith.constant 20 : i32
        %parallel_loop3A_739 = arith.constant 0 : i32
        %parallel_loop3A_740 = arith.constant 0 : i32
        %parallel_loop3A_741 = tpu.memref_slice %arg6[%rem3A_206, %parallel_loop3A_739, %parallel_loop3A_740] : memref<2x30x256xf32, #tpu.memory_space<vmem>> -> memref<1x30x256xf32, #tpu.memory_space<vmem>>
        %parallel_loop3A_742 = tpu.memref_squeeze %parallel_loop3A_741 : memref<1x30x256xf32, #tpu.memory_space<vmem>> -> memref<30x256xf32, #tpu.memory_space<vmem>>
        %parallel_loop3A_743 = arith.index_cast %parallel_loop3A_738 : i32 to index
        %parallel_loop3A_744 = arith.index_cast %parallel_loop3A_408 : i32 to index
        %parallel_loop3A_745 = tpu.vector_load %parallel_loop3A_742[%parallel_loop3A_743, %parallel_loop3A_744] {strides = array<i32>} : memref<30x256xf32, #tpu.memory_space<vmem>>, vector<16xf32>,
        %parallel_loop3A_746 = arith.subf %parallel_loop3A_737, %parallel_loop3A_745 : vector<16xf32>
        %parallel_loop3A_747 = arith.mulf %parallel_loop3A_746, %parallel_loop3A_746 : vector<16xf32>
        %parallel_loop3A_748 = arith.addf %parallel_loop3A_729, %parallel_loop3A_747 : vector<16xf32>
        %parallel_loop3A_749 = arith.constant 21 : i32
        %parallel_loop3A_750 = arith.constant 0 : i32
        %parallel_loop3A_751 = arith.constant 0 : i32
        %parallel_loop3A_752 = tpu.memref_slice %arg5[%rem3A_206, %parallel_loop3A_750, %parallel_loop3A_751] : memref<2x30x256xf32, #tpu.memory_space<vmem>> -> memref<1x30x256xf32, #tpu.memory_space<vmem>>
        %parallel_loop3A_753 = tpu.memref_squeeze %parallel_loop3A_752 : memref<1x30x256xf32, #tpu.memory_space<vmem>> -> memref<30x256xf32, #tpu.memory_space<vmem>>
        %parallel_loop3A_754 = arith.index_cast %parallel_loop3A_749 : i32 to index
        %parallel_loop3A_755 = arith.index_cast %parallel_loop3A_408 : i32 to index
        %parallel_loop3A_756 = tpu.vector_load %parallel_loop3A_753[%parallel_loop3A_754, %parallel_loop3A_755] {strides = array<i32>} : memref<30x256xf32, #tpu.memory_space<vmem>>, vector<16xf32>,
        %parallel_loop3A_757 = arith.constant 21 : i32
        %parallel_loop3A_758 = arith.constant 0 : i32
        %parallel_loop3A_759 = arith.constant 0 : i32
        %parallel_loop3A_760 = tpu.memref_slice %arg6[%rem3A_206, %parallel_loop3A_758, %parallel_loop3A_759] : memref<2x30x256xf32, #tpu.memory_space<vmem>> -> memref<1x30x256xf32, #tpu.memory_space<vmem>>
        %parallel_loop3A_761 = tpu.memref_squeeze %parallel_loop3A_760 : memref<1x30x256xf32, #tpu.memory_space<vmem>> -> memref<30x256xf32, #tpu.memory_space<vmem>>
        %parallel_loop3A_762 = arith.index_cast %parallel_loop3A_757 : i32 to index
        %parallel_loop3A_763 = arith.index_cast %parallel_loop3A_408 : i32 to index
        %parallel_loop3A_764 = tpu.vector_load %parallel_loop3A_761[%parallel_loop3A_762, %parallel_loop3A_763] {strides = array<i32>} : memref<30x256xf32, #tpu.memory_space<vmem>>, vector<16xf32>,
        %parallel_loop3A_765 = arith.subf %parallel_loop3A_756, %parallel_loop3A_764 : vector<16xf32>
        %parallel_loop3A_766 = arith.mulf %parallel_loop3A_765, %parallel_loop3A_765 : vector<16xf32>
        %parallel_loop3A_767 = arith.addf %parallel_loop3A_748, %parallel_loop3A_766 : vector<16xf32>
        %parallel_loop3A_768 = arith.constant 22 : i32
        %parallel_loop3A_769 = arith.constant 0 : i32
        %parallel_loop3A_770 = arith.constant 0 : i32
        %parallel_loop3A_771 = tpu.memref_slice %arg5[%rem3A_206, %parallel_loop3A_769, %parallel_loop3A_770] : memref<2x30x256xf32, #tpu.memory_space<vmem>> -> memref<1x30x256xf32, #tpu.memory_space<vmem>>
        %parallel_loop3A_772 = tpu.memref_squeeze %parallel_loop3A_771 : memref<1x30x256xf32, #tpu.memory_space<vmem>> -> memref<30x256xf32, #tpu.memory_space<vmem>>
        %parallel_loop3A_773 = arith.index_cast %parallel_loop3A_768 : i32 to index
        %parallel_loop3A_774 = arith.index_cast %parallel_loop3A_408 : i32 to index
        %parallel_loop3A_775 = tpu.vector_load %parallel_loop3A_772[%parallel_loop3A_773, %parallel_loop3A_774] {strides = array<i32>} : memref<30x256xf32, #tpu.memory_space<vmem>>, vector<16xf32>,
        %parallel_loop3A_776 = arith.constant 22 : i32
        %parallel_loop3A_777 = arith.constant 0 : i32
        %parallel_loop3A_778 = arith.constant 0 : i32
        %parallel_loop3A_779 = tpu.memref_slice %arg6[%rem3A_206, %parallel_loop3A_777, %parallel_loop3A_778] : memref<2x30x256xf32, #tpu.memory_space<vmem>> -> memref<1x30x256xf32, #tpu.memory_space<vmem>>
        %parallel_loop3A_780 = tpu.memref_squeeze %parallel_loop3A_779 : memref<1x30x256xf32, #tpu.memory_space<vmem>> -> memref<30x256xf32, #tpu.memory_space<vmem>>
        %parallel_loop3A_781 = arith.index_cast %parallel_loop3A_776 : i32 to index
        %parallel_loop3A_782 = arith.index_cast %parallel_loop3A_408 : i32 to index
        %parallel_loop3A_783 = tpu.vector_load %parallel_loop3A_780[%parallel_loop3A_781, %parallel_loop3A_782] {strides = array<i32>} : memref<30x256xf32, #tpu.memory_space<vmem>>, vector<16xf32>,
        %parallel_loop3A_784 = arith.subf %parallel_loop3A_775, %parallel_loop3A_783 : vector<16xf32>
        %parallel_loop3A_785 = arith.mulf %parallel_loop3A_784, %parallel_loop3A_784 : vector<16xf32>
        %parallel_loop3A_786 = arith.addf %parallel_loop3A_767, %parallel_loop3A_785 : vector<16xf32>
        %parallel_loop3A_787 = arith.constant 23 : i32
        %parallel_loop3A_788 = arith.constant 0 : i32
        %parallel_loop3A_789 = arith.constant 0 : i32
        %parallel_loop3A_790 = tpu.memref_slice %arg5[%rem3A_206, %parallel_loop3A_788, %parallel_loop3A_789] : memref<2x30x256xf32, #tpu.memory_space<vmem>> -> memref<1x30x256xf32, #tpu.memory_space<vmem>>
        %parallel_loop3A_791 = tpu.memref_squeeze %parallel_loop3A_790 : memref<1x30x256xf32, #tpu.memory_space<vmem>> -> memref<30x256xf32, #tpu.memory_space<vmem>>
        %parallel_loop3A_792 = arith.index_cast %parallel_loop3A_787 : i32 to index
        %parallel_loop3A_793 = arith.index_cast %parallel_loop3A_408 : i32 to index
        %parallel_loop3A_794 = tpu.vector_load %parallel_loop3A_791[%parallel_loop3A_792, %parallel_loop3A_793] {strides = array<i32>} : memref<30x256xf32, #tpu.memory_space<vmem>>, vector<16xf32>,
        %parallel_loop3A_795 = arith.constant 23 : i32
        %parallel_loop3A_796 = arith.constant 0 : i32
        %parallel_loop3A_797 = arith.constant 0 : i32
        %parallel_loop3A_798 = tpu.memref_slice %arg6[%rem3A_206, %parallel_loop3A_796, %parallel_loop3A_797] : memref<2x30x256xf32, #tpu.memory_space<vmem>> -> memref<1x30x256xf32, #tpu.memory_space<vmem>>
        %parallel_loop3A_799 = tpu.memref_squeeze %parallel_loop3A_798 : memref<1x30x256xf32, #tpu.memory_space<vmem>> -> memref<30x256xf32, #tpu.memory_space<vmem>>
        %parallel_loop3A_800 = arith.index_cast %parallel_loop3A_795 : i32 to index
        %parallel_loop3A_801 = arith.index_cast %parallel_loop3A_408 : i32 to index
        %parallel_loop3A_802 = tpu.vector_load %parallel_loop3A_799[%parallel_loop3A_800, %parallel_loop3A_801] {strides = array<i32>} : memref<30x256xf32, #tpu.memory_space<vmem>>, vector<16xf32>,
        %parallel_loop3A_803 = arith.subf %parallel_loop3A_794, %parallel_loop3A_802 : vector<16xf32>
        %parallel_loop3A_804 = arith.mulf %parallel_loop3A_803, %parallel_loop3A_803 : vector<16xf32>
        %parallel_loop3A_805 = arith.addf %parallel_loop3A_786, %parallel_loop3A_804 : vector<16xf32>
        %parallel_loop3A_806 = arith.constant 24 : i32
        %parallel_loop3A_807 = arith.constant 0 : i32
        %parallel_loop3A_808 = arith.constant 0 : i32
        %parallel_loop3A_809 = tpu.memref_slice %arg5[%rem3A_206, %parallel_loop3A_807, %parallel_loop3A_808] : memref<2x30x256xf32, #tpu.memory_space<vmem>> -> memref<1x30x256xf32, #tpu.memory_space<vmem>>
        %parallel_loop3A_810 = tpu.memref_squeeze %parallel_loop3A_809 : memref<1x30x256xf32, #tpu.memory_space<vmem>> -> memref<30x256xf32, #tpu.memory_space<vmem>>
        %parallel_loop3A_811 = arith.index_cast %parallel_loop3A_806 : i32 to index
        %parallel_loop3A_812 = arith.index_cast %parallel_loop3A_408 : i32 to index
        %parallel_loop3A_813 = tpu.vector_load %parallel_loop3A_810[%parallel_loop3A_811, %parallel_loop3A_812] {strides = array<i32>} : memref<30x256xf32, #tpu.memory_space<vmem>>, vector<16xf32>,
        %parallel_loop3A_814 = arith.constant 24 : i32
        %parallel_loop3A_815 = arith.constant 0 : i32
        %parallel_loop3A_816 = arith.constant 0 : i32
        %parallel_loop3A_817 = tpu.memref_slice %arg6[%rem3A_206, %parallel_loop3A_815, %parallel_loop3A_816] : memref<2x30x256xf32, #tpu.memory_space<vmem>> -> memref<1x30x256xf32, #tpu.memory_space<vmem>>
        %parallel_loop3A_818 = tpu.memref_squeeze %parallel_loop3A_817 : memref<1x30x256xf32, #tpu.memory_space<vmem>> -> memref<30x256xf32, #tpu.memory_space<vmem>>
        %parallel_loop3A_819 = arith.index_cast %parallel_loop3A_814 : i32 to index
        %parallel_loop3A_820 = arith.index_cast %parallel_loop3A_408 : i32 to index
        %parallel_loop3A_821 = tpu.vector_load %parallel_loop3A_818[%parallel_loop3A_819, %parallel_loop3A_820] {strides = array<i32>} : memref<30x256xf32, #tpu.memory_space<vmem>>, vector<16xf32>,
        %parallel_loop3A_822 = arith.subf %parallel_loop3A_813, %parallel_loop3A_821 : vector<16xf32>
        %parallel_loop3A_823 = arith.mulf %parallel_loop3A_822, %parallel_loop3A_822 : vector<16xf32>
        %parallel_loop3A_824 = arith.addf %parallel_loop3A_805, %parallel_loop3A_823 : vector<16xf32>
        %parallel_loop3A_825 = arith.constant 25 : i32
        %parallel_loop3A_826 = arith.constant 0 : i32
        %parallel_loop3A_827 = arith.constant 0 : i32
        %parallel_loop3A_828 = tpu.memref_slice %arg5[%rem3A_206, %parallel_loop3A_826, %parallel_loop3A_827] : memref<2x30x256xf32, #tpu.memory_space<vmem>> -> memref<1x30x256xf32, #tpu.memory_space<vmem>>
        %parallel_loop3A_829 = tpu.memref_squeeze %parallel_loop3A_828 : memref<1x30x256xf32, #tpu.memory_space<vmem>> -> memref<30x256xf32, #tpu.memory_space<vmem>>
        %parallel_loop3A_830 = arith.index_cast %parallel_loop3A_825 : i32 to index
        %parallel_loop3A_831 = arith.index_cast %parallel_loop3A_408 : i32 to index
        %parallel_loop3A_832 = tpu.vector_load %parallel_loop3A_829[%parallel_loop3A_830, %parallel_loop3A_831] {strides = array<i32>} : memref<30x256xf32, #tpu.memory_space<vmem>>, vector<16xf32>,
        %parallel_loop3A_833 = arith.constant 25 : i32
        %parallel_loop3A_834 = arith.constant 0 : i32
        %parallel_loop3A_835 = arith.constant 0 : i32
        %parallel_loop3A_836 = tpu.memref_slice %arg6[%rem3A_206, %parallel_loop3A_834, %parallel_loop3A_835] : memref<2x30x256xf32, #tpu.memory_space<vmem>> -> memref<1x30x256xf32, #tpu.memory_space<vmem>>
        %parallel_loop3A_837 = tpu.memref_squeeze %parallel_loop3A_836 : memref<1x30x256xf32, #tpu.memory_space<vmem>> -> memref<30x256xf32, #tpu.memory_space<vmem>>
        %parallel_loop3A_838 = arith.index_cast %parallel_loop3A_833 : i32 to index
        %parallel_loop3A_839 = arith.index_cast %parallel_loop3A_408 : i32 to index
        %parallel_loop3A_840 = tpu.vector_load %parallel_loop3A_837[%parallel_loop3A_838, %parallel_loop3A_839] {strides = array<i32>} : memref<30x256xf32, #tpu.memory_space<vmem>>, vector<16xf32>,
        %parallel_loop3A_841 = arith.subf %parallel_loop3A_832, %parallel_loop3A_840 : vector<16xf32>
        %parallel_loop3A_842 = arith.mulf %parallel_loop3A_841, %parallel_loop3A_841 : vector<16xf32>
        %parallel_loop3A_843 = arith.addf %parallel_loop3A_824, %parallel_loop3A_842 : vector<16xf32>
        %parallel_loop3A_844 = arith.constant 26 : i32
        %parallel_loop3A_845 = arith.constant 0 : i32
        %parallel_loop3A_846 = arith.constant 0 : i32
        %parallel_loop3A_847 = tpu.memref_slice %arg5[%rem3A_206, %parallel_loop3A_845, %parallel_loop3A_846] : memref<2x30x256xf32, #tpu.memory_space<vmem>> -> memref<1x30x256xf32, #tpu.memory_space<vmem>>
        %parallel_loop3A_848 = tpu.memref_squeeze %parallel_loop3A_847 : memref<1x30x256xf32, #tpu.memory_space<vmem>> -> memref<30x256xf32, #tpu.memory_space<vmem>>
        %parallel_loop3A_849 = arith.index_cast %parallel_loop3A_844 : i32 to index
        %parallel_loop3A_850 = arith.index_cast %parallel_loop3A_408 : i32 to index
        %parallel_loop3A_851 = tpu.vector_load %parallel_loop3A_848[%parallel_loop3A_849, %parallel_loop3A_850] {strides = array<i32>} : memref<30x256xf32, #tpu.memory_space<vmem>>, vector<16xf32>,
        %parallel_loop3A_852 = arith.constant 26 : i32
        %parallel_loop3A_853 = arith.constant 0 : i32
        %parallel_loop3A_854 = arith.constant 0 : i32
        %parallel_loop3A_855 = tpu.memref_slice %arg6[%rem3A_206, %parallel_loop3A_853, %parallel_loop3A_854] : memref<2x30x256xf32, #tpu.memory_space<vmem>> -> memref<1x30x256xf32, #tpu.memory_space<vmem>>
        %parallel_loop3A_856 = tpu.memref_squeeze %parallel_loop3A_855 : memref<1x30x256xf32, #tpu.memory_space<vmem>> -> memref<30x256xf32, #tpu.memory_space<vmem>>
        %parallel_loop3A_857 = arith.index_cast %parallel_loop3A_852 : i32 to index
        %parallel_loop3A_858 = arith.index_cast %parallel_loop3A_408 : i32 to index
        %parallel_loop3A_859 = tpu.vector_load %parallel_loop3A_856[%parallel_loop3A_857, %parallel_loop3A_858] {strides = array<i32>} : memref<30x256xf32, #tpu.memory_space<vmem>>, vector<16xf32>,
        %parallel_loop3A_860 = arith.subf %parallel_loop3A_851, %parallel_loop3A_859 : vector<16xf32>
        %parallel_loop3A_861 = arith.mulf %parallel_loop3A_860, %parallel_loop3A_860 : vector<16xf32>
        %parallel_loop3A_862 = arith.addf %parallel_loop3A_843, %parallel_loop3A_861 : vector<16xf32>
        %parallel_loop3A_863 = arith.constant 27 : i32
        %parallel_loop3A_864 = arith.constant 0 : i32
        %parallel_loop3A_865 = arith.constant 0 : i32
        %parallel_loop3A_866 = tpu.memref_slice %arg5[%rem3A_206, %parallel_loop3A_864, %parallel_loop3A_865] : memref<2x30x256xf32, #tpu.memory_space<vmem>> -> memref<1x30x256xf32, #tpu.memory_space<vmem>>
        %parallel_loop3A_867 = tpu.memref_squeeze %parallel_loop3A_866 : memref<1x30x256xf32, #tpu.memory_space<vmem>> -> memref<30x256xf32, #tpu.memory_space<vmem>>
        %parallel_loop3A_868 = arith.index_cast %parallel_loop3A_863 : i32 to index
        %parallel_loop3A_869 = arith.index_cast %parallel_loop3A_408 : i32 to index
        %parallel_loop3A_870 = tpu.vector_load %parallel_loop3A_867[%parallel_loop3A_868, %parallel_loop3A_869] {strides = array<i32>} : memref<30x256xf32, #tpu.memory_space<vmem>>, vector<16xf32>,
        %parallel_loop3A_871 = arith.constant 27 : i32
        %parallel_loop3A_872 = arith.constant 0 : i32
        %parallel_loop3A_873 = arith.constant 0 : i32
        %parallel_loop3A_874 = tpu.memref_slice %arg6[%rem3A_206, %parallel_loop3A_872, %parallel_loop3A_873] : memref<2x30x256xf32, #tpu.memory_space<vmem>> -> memref<1x30x256xf32, #tpu.memory_space<vmem>>
        %parallel_loop3A_875 = tpu.memref_squeeze %parallel_loop3A_874 : memref<1x30x256xf32, #tpu.memory_space<vmem>> -> memref<30x256xf32, #tpu.memory_space<vmem>>
        %parallel_loop3A_876 = arith.index_cast %parallel_loop3A_871 : i32 to index
        %parallel_loop3A_877 = arith.index_cast %parallel_loop3A_408 : i32 to index
        %parallel_loop3A_878 = tpu.vector_load %parallel_loop3A_875[%parallel_loop3A_876, %parallel_loop3A_877] {strides = array<i32>} : memref<30x256xf32, #tpu.memory_space<vmem>>, vector<16xf32>,
        %parallel_loop3A_879 = arith.subf %parallel_loop3A_870, %parallel_loop3A_878 : vector<16xf32>
        %parallel_loop3A_880 = arith.mulf %parallel_loop3A_879, %parallel_loop3A_879 : vector<16xf32>
        %parallel_loop3A_881 = arith.addf %parallel_loop3A_862, %parallel_loop3A_880 : vector<16xf32>
        %parallel_loop3A_882 = arith.constant 28 : i32
        %parallel_loop3A_883 = arith.constant 0 : i32
        %parallel_loop3A_884 = arith.constant 0 : i32
        %parallel_loop3A_885 = tpu.memref_slice %arg5[%rem3A_206, %parallel_loop3A_883, %parallel_loop3A_884] : memref<2x30x256xf32, #tpu.memory_space<vmem>> -> memref<1x30x256xf32, #tpu.memory_space<vmem>>
        %parallel_loop3A_886 = tpu.memref_squeeze %parallel_loop3A_885 : memref<1x30x256xf32, #tpu.memory_space<vmem>> -> memref<30x256xf32, #tpu.memory_space<vmem>>
        %parallel_loop3A_887 = arith.index_cast %parallel_loop3A_882 : i32 to index
        %parallel_loop3A_888 = arith.index_cast %parallel_loop3A_408 : i32 to index
        %parallel_loop3A_889 = tpu.vector_load %parallel_loop3A_886[%parallel_loop3A_887, %parallel_loop3A_888] {strides = array<i32>} : memref<30x256xf32, #tpu.memory_space<vmem>>, vector<16xf32>,
        %parallel_loop3A_890 = arith.constant 28 : i32
        %parallel_loop3A_891 = arith.constant 0 : i32
        %parallel_loop3A_892 = arith.constant 0 : i32
        %parallel_loop3A_893 = tpu.memref_slice %arg6[%rem3A_206, %parallel_loop3A_891, %parallel_loop3A_892] : memref<2x30x256xf32, #tpu.memory_space<vmem>> -> memref<1x30x256xf32, #tpu.memory_space<vmem>>
        %parallel_loop3A_894 = tpu.memref_squeeze %parallel_loop3A_893 : memref<1x30x256xf32, #tpu.memory_space<vmem>> -> memref<30x256xf32, #tpu.memory_space<vmem>>
        %parallel_loop3A_895 = arith.index_cast %parallel_loop3A_890 : i32 to index
        %parallel_loop3A_896 = arith.index_cast %parallel_loop3A_408 : i32 to index
        %parallel_loop3A_897 = tpu.vector_load %parallel_loop3A_894[%parallel_loop3A_895, %parallel_loop3A_896] {strides = array<i32>} : memref<30x256xf32, #tpu.memory_space<vmem>>, vector<16xf32>,
        %parallel_loop3A_898 = arith.subf %parallel_loop3A_889, %parallel_loop3A_897 : vector<16xf32>
        %parallel_loop3A_899 = arith.mulf %parallel_loop3A_898, %parallel_loop3A_898 : vector<16xf32>
        %parallel_loop3A_900 = arith.addf %parallel_loop3A_881, %parallel_loop3A_899 : vector<16xf32>
        %parallel_loop3A_901 = arith.constant 29 : i32
        %parallel_loop3A_902 = arith.constant 0 : i32
        %parallel_loop3A_903 = arith.constant 0 : i32
        %parallel_loop3A_904 = tpu.memref_slice %arg5[%rem3A_206, %parallel_loop3A_902, %parallel_loop3A_903] : memref<2x30x256xf32, #tpu.memory_space<vmem>> -> memref<1x30x256xf32, #tpu.memory_space<vmem>>
        %parallel_loop3A_905 = tpu.memref_squeeze %parallel_loop3A_904 : memref<1x30x256xf32, #tpu.memory_space<vmem>> -> memref<30x256xf32, #tpu.memory_space<vmem>>
        %parallel_loop3A_906 = arith.index_cast %parallel_loop3A_901 : i32 to index
        %parallel_loop3A_907 = arith.index_cast %parallel_loop3A_408 : i32 to index
        %parallel_loop3A_908 = tpu.vector_load %parallel_loop3A_905[%parallel_loop3A_906, %parallel_loop3A_907] {strides = array<i32>} : memref<30x256xf32, #tpu.memory_space<vmem>>, vector<16xf32>,
        %parallel_loop3A_909 = arith.constant 29 : i32
        %parallel_loop3A_910 = arith.constant 0 : i32
        %parallel_loop3A_911 = arith.constant 0 : i32
        %parallel_loop3A_912 = tpu.memref_slice %arg6[%rem3A_206, %parallel_loop3A_910, %parallel_loop3A_911] : memref<2x30x256xf32, #tpu.memory_space<vmem>> -> memref<1x30x256xf32, #tpu.memory_space<vmem>>
        %parallel_loop3A_913 = tpu.memref_squeeze %parallel_loop3A_912 : memref<1x30x256xf32, #tpu.memory_space<vmem>> -> memref<30x256xf32, #tpu.memory_space<vmem>>
        %parallel_loop3A_914 = arith.index_cast %parallel_loop3A_909 : i32 to index
        %parallel_loop3A_915 = arith.index_cast %parallel_loop3A_408 : i32 to index
        %parallel_loop3A_916 = tpu.vector_load %parallel_loop3A_913[%parallel_loop3A_914, %parallel_loop3A_915] {strides = array<i32>} : memref<30x256xf32, #tpu.memory_space<vmem>>, vector<16xf32>,
        %parallel_loop3A_917 = arith.subf %parallel_loop3A_908, %parallel_loop3A_916 : vector<16xf32>
        %parallel_loop3A_918 = arith.mulf %parallel_loop3A_917, %parallel_loop3A_917 : vector<16xf32>
        %parallel_loop3A_919 = arith.addf %parallel_loop3A_900, %parallel_loop3A_918 : vector<16xf32>
        %parallel_loop3A_920 = arith.constant 7.000000e+00 : f32
        %parallel_loop3A_921 = vector.broadcast %parallel_loop3A_920 : f32 to vector<16xf32>
        %parallel_loop3A_922 = arith.mulf %parallel_loop3A_921, %parallel_loop3A_513 : vector<16xf32>
        %parallel_loop3A_923 = arith.subf %parallel_loop3A_497, %parallel_loop3A_922 : vector<16xf32>
        %parallel_loop3A_924 = arith.constant 7.000000e+00 : f32
        %parallel_loop3A_925 = vector.broadcast %parallel_loop3A_924 : f32 to vector<16xf32>
        %parallel_loop3A_926 = arith.mulf %parallel_loop3A_925, %parallel_loop3A_513 : vector<16xf32>
        %parallel_loop3A_927 = arith.addf %parallel_loop3A_497, %parallel_loop3A_926 : vector<16xf32>
        %parallel_loop3A_928 = arith.constant 7.000000e+00 : f32
        %parallel_loop3A_929 = vector.broadcast %parallel_loop3A_928 : f32 to vector<16xf32>
        %parallel_loop3A_930 = arith.mulf %parallel_loop3A_929, %parallel_loop3A_521 : vector<16xf32>
        %parallel_loop3A_931 = arith.subf %parallel_loop3A_505, %parallel_loop3A_930 : vector<16xf32>
        %parallel_loop3A_932 = arith.constant 7.000000e+00 : f32
        %parallel_loop3A_933 = vector.broadcast %parallel_loop3A_932 : f32 to vector<16xf32>
        %parallel_loop3A_934 = arith.mulf %parallel_loop3A_933, %parallel_loop3A_521 : vector<16xf32>
        %parallel_loop3A_935 = arith.addf %parallel_loop3A_505, %parallel_loop3A_934 : vector<16xf32>
        %parallel_loop3A_936 = arith.subf %parallel_loop3A_927, %parallel_loop3A_923 : vector<16xf32>
        %parallel_loop3A_937 = arith.subf %parallel_loop3A_935, %parallel_loop3A_931 : vector<16xf32>
        %parallel_loop3A_938 = arith.mulf %parallel_loop3A_936, %parallel_loop3A_937 : vector<16xf32>
        %parallel_loop3A_939 = arith.constant 7.000000e+00 : f32
        %parallel_loop3A_940 = vector.broadcast %parallel_loop3A_939 : f32 to vector<16xf32>
        %parallel_loop3A_941 = arith.mulf %parallel_loop3A_940, %parallel_loop3A_433 : vector<16xf32>
        %parallel_loop3A_942 = arith.subf %parallel_loop3A_417, %parallel_loop3A_941 : vector<16xf32>
        %parallel_loop3A_943 = arith.constant 7.000000e+00 : f32
        %parallel_loop3A_944 = vector.broadcast %parallel_loop3A_943 : f32 to vector<16xf32>
        %parallel_loop3A_945 = arith.mulf %parallel_loop3A_944, %parallel_loop3A_433 : vector<16xf32>
        %parallel_loop3A_946 = arith.addf %parallel_loop3A_417, %parallel_loop3A_945 : vector<16xf32>
        %parallel_loop3A_947 = arith.constant 7.000000e+00 : f32
        %parallel_loop3A_948 = vector.broadcast %parallel_loop3A_947 : f32 to vector<16xf32>
        %parallel_loop3A_949 = arith.mulf %parallel_loop3A_948, %parallel_loop3A_441 : vector<16xf32>
        %parallel_loop3A_950 = arith.subf %parallel_loop3A_425, %parallel_loop3A_949 : vector<16xf32>
        %parallel_loop3A_951 = arith.constant 7.000000e+00 : f32
        %parallel_loop3A_952 = vector.broadcast %parallel_loop3A_951 : f32 to vector<16xf32>
        %parallel_loop3A_953 = arith.mulf %parallel_loop3A_952, %parallel_loop3A_441 : vector<16xf32>
        %parallel_loop3A_954 = arith.addf %parallel_loop3A_425, %parallel_loop3A_953 : vector<16xf32>
        %parallel_loop3A_955 = arith.minimumf %parallel_loop3A_946, %parallel_loop3A_927 : vector<16xf32>
        %parallel_loop3A_956 = arith.maximumf %parallel_loop3A_942, %parallel_loop3A_923 : vector<16xf32>
        %parallel_loop3A_957 = arith.subf %parallel_loop3A_955, %parallel_loop3A_956 : vector<16xf32>
        %parallel_loop3A_958 = arith.constant 0.000000e+00 : f32
        %parallel_loop3A_959 = vector.broadcast %parallel_loop3A_958 : f32 to vector<16xf32>
        %parallel_loop3A_960 = arith.maximumf %parallel_loop3A_957, %parallel_loop3A_959 : vector<16xf32>
        %parallel_loop3A_961 = arith.minimumf %parallel_loop3A_954, %parallel_loop3A_935 : vector<16xf32>
        %parallel_loop3A_962 = arith.maximumf %parallel_loop3A_950, %parallel_loop3A_931 : vector<16xf32>
        %parallel_loop3A_963 = arith.subf %parallel_loop3A_961, %parallel_loop3A_962 : vector<16xf32>
        %parallel_loop3A_964 = arith.constant 0.000000e+00 : f32
        %parallel_loop3A_965 = vector.broadcast %parallel_loop3A_964 : f32 to vector<16xf32>
        %parallel_loop3A_966 = arith.maximumf %parallel_loop3A_963, %parallel_loop3A_965 : vector<16xf32>
        %parallel_loop3A_967 = arith.mulf %parallel_loop3A_960, %parallel_loop3A_966 : vector<16xf32>
        %parallel_loop3A_968 = arith.subf %parallel_loop3A_946, %parallel_loop3A_942 : vector<16xf32>
        %parallel_loop3A_969 = arith.subf %parallel_loop3A_954, %parallel_loop3A_950 : vector<16xf32>
        %parallel_loop3A_970 = arith.mulf %parallel_loop3A_968, %parallel_loop3A_969 : vector<16xf32>
        %parallel_loop3A_971 = arith.addf %parallel_loop3A_970, %parallel_loop3A_938 : vector<16xf32>
        %parallel_loop3A_972 = arith.subf %parallel_loop3A_971, %parallel_loop3A_967 : vector<16xf32>
        %parallel_loop3A_973 = arith.constant 1.000000e-10 : f32
        %parallel_loop3A_974 = vector.broadcast %parallel_loop3A_973 : f32 to vector<16xf32>
        %parallel_loop3A_975 = arith.addf %parallel_loop3A_972, %parallel_loop3A_974 : vector<16xf32>
        %parallel_loop3A_976 = arith.constant 7.000000e+00 : f32
        %parallel_loop3A_977 = vector.broadcast %parallel_loop3A_976 : f32 to vector<16xf32>
        %parallel_loop3A_978 = arith.mulf %parallel_loop3A_977, %parallel_loop3A_473 : vector<16xf32>
        %parallel_loop3A_979 = arith.subf %parallel_loop3A_457, %parallel_loop3A_978 : vector<16xf32>
        %parallel_loop3A_980 = arith.constant 7.000000e+00 : f32
        %parallel_loop3A_981 = vector.broadcast %parallel_loop3A_980 : f32 to vector<16xf32>
        %parallel_loop3A_982 = arith.mulf %parallel_loop3A_981, %parallel_loop3A_473 : vector<16xf32>
        %parallel_loop3A_983 = arith.addf %parallel_loop3A_457, %parallel_loop3A_982 : vector<16xf32>
        %parallel_loop3A_984 = arith.constant 7.000000e+00 : f32
        %parallel_loop3A_985 = vector.broadcast %parallel_loop3A_984 : f32 to vector<16xf32>
        %parallel_loop3A_986 = arith.mulf %parallel_loop3A_985, %parallel_loop3A_481 : vector<16xf32>
        %parallel_loop3A_987 = arith.subf %parallel_loop3A_465, %parallel_loop3A_986 : vector<16xf32>
        %parallel_loop3A_988 = arith.constant 7.000000e+00 : f32
        %parallel_loop3A_989 = vector.broadcast %parallel_loop3A_988 : f32 to vector<16xf32>
        %parallel_loop3A_990 = arith.mulf %parallel_loop3A_989, %parallel_loop3A_481 : vector<16xf32>
        %parallel_loop3A_991 = arith.addf %parallel_loop3A_465, %parallel_loop3A_990 : vector<16xf32>
        %parallel_loop3A_992 = arith.minimumf %parallel_loop3A_983, %parallel_loop3A_927 : vector<16xf32>
        %parallel_loop3A_993 = arith.maximumf %parallel_loop3A_979, %parallel_loop3A_923 : vector<16xf32>
        %parallel_loop3A_994 = arith.subf %parallel_loop3A_992, %parallel_loop3A_993 : vector<16xf32>
        %parallel_loop3A_995 = arith.constant 0.000000e+00 : f32
        %parallel_loop3A_996 = vector.broadcast %parallel_loop3A_995 : f32 to vector<16xf32>
        %parallel_loop3A_997 = arith.maximumf %parallel_loop3A_994, %parallel_loop3A_996 : vector<16xf32>
        %parallel_loop3A_998 = arith.minimumf %parallel_loop3A_991, %parallel_loop3A_935 : vector<16xf32>
        %parallel_loop3A_999 = arith.maximumf %parallel_loop3A_987, %parallel_loop3A_931 : vector<16xf32>
        %parallel_loop3A_1000 = arith.subf %parallel_loop3A_998, %parallel_loop3A_999 : vector<16xf32>
        %parallel_loop3A_1001 = arith.constant 0.000000e+00 : f32
        %parallel_loop3A_1002 = vector.broadcast %parallel_loop3A_1001 : f32 to vector<16xf32>
        %parallel_loop3A_1003 = arith.maximumf %parallel_loop3A_1000, %parallel_loop3A_1002 : vector<16xf32>
        %parallel_loop3A_1004 = arith.mulf %parallel_loop3A_997, %parallel_loop3A_1003 : vector<16xf32>
        %parallel_loop3A_1005 = arith.subf %parallel_loop3A_983, %parallel_loop3A_979 : vector<16xf32>
        %parallel_loop3A_1006 = arith.subf %parallel_loop3A_991, %parallel_loop3A_987 : vector<16xf32>
        %parallel_loop3A_1007 = arith.mulf %parallel_loop3A_1005, %parallel_loop3A_1006 : vector<16xf32>
        %parallel_loop3A_1008 = arith.addf %parallel_loop3A_1007, %parallel_loop3A_938 : vector<16xf32>
        %parallel_loop3A_1009 = arith.subf %parallel_loop3A_1008, %parallel_loop3A_1004 : vector<16xf32>
        %parallel_loop3A_1010 = arith.constant 1.000000e-10 : f32
        %parallel_loop3A_1011 = vector.broadcast %parallel_loop3A_1010 : f32 to vector<16xf32>
        %parallel_loop3A_1012 = arith.addf %parallel_loop3A_1009, %parallel_loop3A_1011 : vector<16xf32>
        %parallel_loop3A_1013 = arith.mulf %parallel_loop3A_1004, %parallel_loop3A_975 : vector<16xf32>
        %parallel_loop3A_1014 = arith.mulf %parallel_loop3A_967, %parallel_loop3A_1012 : vector<16xf32>
        %parallel_loop3A_1015 = arith.cmpf ogt, %parallel_loop3A_1013, %parallel_loop3A_1014 : vector<16xf32>
        %parallel_loop3A_1016 = arith.select %parallel_loop3A_1015, %parallel_loop3A_457, %parallel_loop3A_417 : vector<16xi1>, vector<16xf32>
        %parallel_loop3A_1017 = arith.select %parallel_loop3A_1015, %parallel_loop3A_465, %parallel_loop3A_425 : vector<16xi1>, vector<16xf32>
        %parallel_loop3A_1018 = arith.select %parallel_loop3A_1015, %parallel_loop3A_473, %parallel_loop3A_433 : vector<16xi1>, vector<16xf32>
        %parallel_loop3A_1019 = arith.select %parallel_loop3A_1015, %parallel_loop3A_481, %parallel_loop3A_441 : vector<16xi1>, vector<16xf32>
        %parallel_loop3A_1020 = arith.select %parallel_loop3A_1015, %parallel_loop3A_489, %parallel_loop3A_449 : vector<16xi1>, vector<16xf32>
        %parallel_loop3A_1021 = arith.select %parallel_loop3A_1015, %parallel_loop3A_449, %parallel_loop3A_489 : vector<16xi1>, vector<16xf32>
        %parallel_loop3A_1022 = arith.select %parallel_loop3A_1015, %parallel_loop3A_1004, %parallel_loop3A_967 : vector<16xi1>, vector<16xf32>
        %parallel_loop3A_1023 = arith.select %parallel_loop3A_1015, %parallel_loop3A_1012, %parallel_loop3A_975 : vector<16xi1>, vector<16xf32>
        %parallel_loop3A_1024 = arith.divf %parallel_loop3A_1022, %parallel_loop3A_1023 : vector<16xf32>
        %parallel_loop3A_1025 = arith.subf %parallel_loop3A_1016, %parallel_loop3A_497 : vector<16xf32>
        %parallel_loop3A_1026 = arith.subf %parallel_loop3A_1017, %parallel_loop3A_505 : vector<16xf32>
        %parallel_loop3A_1027 = arith.mulf %parallel_loop3A_1025, %parallel_loop3A_1025 : vector<16xf32>
        %parallel_loop3A_1028 = arith.mulf %parallel_loop3A_1026, %parallel_loop3A_1026 : vector<16xf32>
        %parallel_loop3A_1029 = arith.addf %parallel_loop3A_1027, %parallel_loop3A_1028 : vector<16xf32>
        %parallel_loop3A_1030 = arith.addf %parallel_loop3A_1018, %parallel_loop3A_513 : vector<16xf32>
        %parallel_loop3A_1031 = arith.mulf %parallel_loop3A_1018, %parallel_loop3A_513 : vector<16xf32>
        %parallel_loop3A_1032 = vector.bitcast %parallel_loop3A_1031 : vector<16xf32> to vector<16xi32>
        %parallel_loop3A_1033 = arith.constant 1 : i32
        %parallel_loop3A_1034 = vector.broadcast %parallel_loop3A_1033 : i32 to vector<16xi32>
        %parallel_loop3A_1035 = arith.shrui %parallel_loop3A_1032, %parallel_loop3A_1034 : vector<16xi32>
        %parallel_loop3A_1036 = arith.constant 1597463007 : i32
        %parallel_loop3A_1037 = vector.broadcast %parallel_loop3A_1036 : i32 to vector<16xi32>
        %parallel_loop3A_1038 = arith.subi %parallel_loop3A_1037, %parallel_loop3A_1035 : vector<16xi32>
        %parallel_loop3A_1039 = vector.bitcast %parallel_loop3A_1038 : vector<16xi32> to vector<16xf32>
        %parallel_loop3A_1040 = arith.constant 5.000000e-01 : f32
        %parallel_loop3A_1041 = vector.broadcast %parallel_loop3A_1040 : f32 to vector<16xf32>
        %parallel_loop3A_1042 = arith.mulf %parallel_loop3A_1041, %parallel_loop3A_1031 : vector<16xf32>
        %parallel_loop3A_1043 = arith.mulf %parallel_loop3A_1042, %parallel_loop3A_1039 : vector<16xf32>
        %parallel_loop3A_1044 = arith.mulf %parallel_loop3A_1043, %parallel_loop3A_1039 : vector<16xf32>
        %parallel_loop3A_1045 = arith.constant 1.500000e+00 : f32
        %parallel_loop3A_1046 = vector.broadcast %parallel_loop3A_1045 : f32 to vector<16xf32>
        %parallel_loop3A_1047 = arith.subf %parallel_loop3A_1046, %parallel_loop3A_1044 : vector<16xf32>
        %parallel_loop3A_1048 = arith.mulf %parallel_loop3A_1039, %parallel_loop3A_1047 : vector<16xf32>
        %parallel_loop3A_1049 = arith.constant 5.000000e-01 : f32
        %parallel_loop3A_1050 = vector.broadcast %parallel_loop3A_1049 : f32 to vector<16xf32>
        %parallel_loop3A_1051 = arith.mulf %parallel_loop3A_1050, %parallel_loop3A_1031 : vector<16xf32>
        %parallel_loop3A_1052 = arith.mulf %parallel_loop3A_1051, %parallel_loop3A_1048 : vector<16xf32>
        %parallel_loop3A_1053 = arith.mulf %parallel_loop3A_1052, %parallel_loop3A_1048 : vector<16xf32>
        %parallel_loop3A_1054 = arith.constant 1.500000e+00 : f32
        %parallel_loop3A_1055 = vector.broadcast %parallel_loop3A_1054 : f32 to vector<16xf32>
        %parallel_loop3A_1056 = arith.subf %parallel_loop3A_1055, %parallel_loop3A_1053 : vector<16xf32>
        %parallel_loop3A_1057 = arith.mulf %parallel_loop3A_1048, %parallel_loop3A_1056 : vector<16xf32>
        %parallel_loop3A_1058 = arith.mulf %parallel_loop3A_1031, %parallel_loop3A_1057 : vector<16xf32>
        %parallel_loop3A_1059 = arith.constant 2.000000e+00 : f32
        %parallel_loop3A_1060 = vector.broadcast %parallel_loop3A_1059 : f32 to vector<16xf32>
        %parallel_loop3A_1061 = arith.mulf %parallel_loop3A_1060, %parallel_loop3A_1058 : vector<16xf32>
        %parallel_loop3A_1062 = arith.subf %parallel_loop3A_1030, %parallel_loop3A_1061 : vector<16xf32>
        %parallel_loop3A_1063 = arith.addf %parallel_loop3A_1029, %parallel_loop3A_1062 : vector<16xf32>
        %parallel_loop3A_1064 = arith.addf %parallel_loop3A_1019, %parallel_loop3A_521 : vector<16xf32>
        %parallel_loop3A_1065 = arith.mulf %parallel_loop3A_1019, %parallel_loop3A_521 : vector<16xf32>
        %parallel_loop3A_1066 = vector.bitcast %parallel_loop3A_1065 : vector<16xf32> to vector<16xi32>
        %parallel_loop3A_1067 = arith.constant 1 : i32
        %parallel_loop3A_1068 = vector.broadcast %parallel_loop3A_1067 : i32 to vector<16xi32>
        %parallel_loop3A_1069 = arith.shrui %parallel_loop3A_1066, %parallel_loop3A_1068 : vector<16xi32>
        %parallel_loop3A_1070 = arith.constant 1597463007 : i32
        %parallel_loop3A_1071 = vector.broadcast %parallel_loop3A_1070 : i32 to vector<16xi32>
        %parallel_loop3A_1072 = arith.subi %parallel_loop3A_1071, %parallel_loop3A_1069 : vector<16xi32>
        %parallel_loop3A_1073 = vector.bitcast %parallel_loop3A_1072 : vector<16xi32> to vector<16xf32>
        %parallel_loop3A_1074 = arith.constant 5.000000e-01 : f32
        %parallel_loop3A_1075 = vector.broadcast %parallel_loop3A_1074 : f32 to vector<16xf32>
        %parallel_loop3A_1076 = arith.mulf %parallel_loop3A_1075, %parallel_loop3A_1065 : vector<16xf32>
        %parallel_loop3A_1077 = arith.mulf %parallel_loop3A_1076, %parallel_loop3A_1073 : vector<16xf32>
        %parallel_loop3A_1078 = arith.mulf %parallel_loop3A_1077, %parallel_loop3A_1073 : vector<16xf32>
        %parallel_loop3A_1079 = arith.constant 1.500000e+00 : f32
        %parallel_loop3A_1080 = vector.broadcast %parallel_loop3A_1079 : f32 to vector<16xf32>
        %parallel_loop3A_1081 = arith.subf %parallel_loop3A_1080, %parallel_loop3A_1078 : vector<16xf32>
        %parallel_loop3A_1082 = arith.mulf %parallel_loop3A_1073, %parallel_loop3A_1081 : vector<16xf32>
        %parallel_loop3A_1083 = arith.constant 5.000000e-01 : f32
        %parallel_loop3A_1084 = vector.broadcast %parallel_loop3A_1083 : f32 to vector<16xf32>
        %parallel_loop3A_1085 = arith.mulf %parallel_loop3A_1084, %parallel_loop3A_1065 : vector<16xf32>
        %parallel_loop3A_1086 = arith.mulf %parallel_loop3A_1085, %parallel_loop3A_1082 : vector<16xf32>
        %parallel_loop3A_1087 = arith.mulf %parallel_loop3A_1086, %parallel_loop3A_1082 : vector<16xf32>
        %parallel_loop3A_1088 = arith.constant 1.500000e+00 : f32
        %parallel_loop3A_1089 = vector.broadcast %parallel_loop3A_1088 : f32 to vector<16xf32>
        %parallel_loop3A_1090 = arith.subf %parallel_loop3A_1089, %parallel_loop3A_1087 : vector<16xf32>
        %parallel_loop3A_1091 = arith.mulf %parallel_loop3A_1082, %parallel_loop3A_1090 : vector<16xf32>
        %parallel_loop3A_1092 = arith.mulf %parallel_loop3A_1065, %parallel_loop3A_1091 : vector<16xf32>
        %parallel_loop3A_1093 = arith.constant 2.000000e+00 : f32
        %parallel_loop3A_1094 = vector.broadcast %parallel_loop3A_1093 : f32 to vector<16xf32>
        %parallel_loop3A_1095 = arith.mulf %parallel_loop3A_1094, %parallel_loop3A_1092 : vector<16xf32>
        %parallel_loop3A_1096 = arith.subf %parallel_loop3A_1064, %parallel_loop3A_1095 : vector<16xf32>
        %parallel_loop3A_1097 = arith.addf %parallel_loop3A_1063, %parallel_loop3A_1096 : vector<16xf32>
        %parallel_loop3A_1098 = arith.subf %parallel_loop3A_1020, %parallel_loop3A_1024 : vector<16xf32>
        %parallel_loop3A_1099 = arith.mulf %parallel_loop3A_1098, %parallel_loop3A_1098 : vector<16xf32>
        %parallel_loop3A_1100 = arith.mulf %parallel_loop3A_1021, %parallel_loop3A_1021 : vector<16xf32>
        %parallel_loop3A_1101 = arith.subf %parallel_loop3A_449, %parallel_loop3A_529 : vector<16xf32>
        %parallel_loop3A_1102 = arith.subf %parallel_loop3A_489, %parallel_loop3A_537 : vector<16xf32>
        %parallel_loop3A_1103 = arith.mulf %parallel_loop3A_1101, %parallel_loop3A_1101 : vector<16xf32>
        %parallel_loop3A_1104 = arith.mulf %parallel_loop3A_1102, %parallel_loop3A_1102 : vector<16xf32>
        %parallel_loop3A_1105 = arith.addf %parallel_loop3A_1103, %parallel_loop3A_1104 : vector<16xf32>
        %parallel_loop3A_1106 = arith.constant 5.000000e+00 : f32
        %parallel_loop3A_1107 = vector.broadcast %parallel_loop3A_1106 : f32 to vector<16xf32>
        %parallel_loop3A_1108 = arith.mulf %parallel_loop3A_1107, %parallel_loop3A_1097 : vector<16xf32>
        %parallel_loop3A_1109 = arith.constant 2.000000e+00 : f32
        %parallel_loop3A_1110 = vector.broadcast %parallel_loop3A_1109 : f32 to vector<16xf32>
        %parallel_loop3A_1111 = arith.mulf %parallel_loop3A_1110, %parallel_loop3A_1099 : vector<16xf32>
        %parallel_loop3A_1112 = arith.addf %parallel_loop3A_1108, %parallel_loop3A_1111 : vector<16xf32>
        %parallel_loop3A_1113 = arith.addf %parallel_loop3A_1112, %parallel_loop3A_1100 : vector<16xf32>
        %parallel_loop3A_1114 = arith.addf %parallel_loop3A_1113, %parallel_loop3A_919 : vector<16xf32>
        %parallel_loop3A_1115 = arith.constant 0.000000e+00 : f32
        %parallel_loop3A_1116 = vector.broadcast %parallel_loop3A_1115 : f32 to vector<16xf32>
        %parallel_loop3A_1117 = arith.cmpf ogt, %parallel_loop3A_529, %parallel_loop3A_1116 : vector<16xf32>
        %parallel_loop3A_1118 = arith.constant 5.000000e-01 : f32
        %parallel_loop3A_1119 = vector.broadcast %parallel_loop3A_1118 : f32 to vector<16xf32>
        %parallel_loop3A_1120 = arith.mulf %parallel_loop3A_1119, %parallel_loop3A_1105 : vector<16xf32>
        %parallel_loop3A_1121 = arith.select %parallel_loop3A_1117, %parallel_loop3A_1114, %parallel_loop3A_1120 : vector<16xi1>, vector<16xf32>
        %parallel_loop3A_1122 = arith.addf %parallel_loop3A_409, %parallel_loop3A_1121 : vector<16xf32>
        scf.yield %parallel_loop3A_1122 : vector<16xf32>
      } {sc.loop_unroll_factor = 2 : i64, sc.parallel_access}
      %get3A_403 = arith.constant 0 : index
      %get3A_404 = tpu.vector_load %arg7[%get3A_403] {strides = array<i32>} : memref<16xf32, #tpu.memory_space<vmem>>, vector<16xf32>,
      %add3A_405 = arith.addf %get3A_404, %parallel_loop3A_402 : vector<16xf32>
      %swap3A_406 = arith.constant 0 : index
      %swap3A_407 = tpu.vector_load %arg7[%swap3A_406] {strides = array<i32>} : memref<16xf32, #tpu.memory_space<vmem>>, vector<16xf32>,
      tpu.vector_store %arg7[%swap3A_406], %add3A_405 {strides = array<i32>} : memref<16xf32, #tpu.memory_space<vmem>>, vector<16xf32>,
    }
    %scan3A_93 = arith.constant 6 : i32
    %add3A_94 = arith.constant 168 : i32
    %add3A_95 = arith.addi %add3A_94, %add3A : i32
    %add3A_96 = arith.constant 192 : i32
    %add3A_97 = arith.addi %add3A_95, %add3A_96 : i32
    %jit3A_98 = arith.constant 2 : i32
    %div3A_99 = arith.divsi %add3A_97, %jit3A_98 : i32
    %sign3A_100 = arith.constant 0 : i32
    %sign3A_101 = arith.cmpi sgt, %add3A_97, %sign3A_100 : i32
    %sign3A_102 = arith.extui %sign3A_101 : i1 to i32
    %sign3A_103 = arith.constant 0 : i32
    %sign3A_104 = arith.cmpi slt, %add3A_97, %sign3A_103 : i32
    %sign3A_105 = arith.extui %sign3A_104 : i1 to i32
    %sign3A_106 = arith.subi %sign3A_102, %sign3A_105 : i32
    %sign3A_107 = arith.constant 0 : i32
    %sign3A_108 = arith.cmpi sgt, %jit3A_98, %sign3A_107 : i32
    %sign3A_109 = arith.extui %sign3A_108 : i1 to i32
    %sign3A_110 = arith.constant 0 : i32
    %sign3A_111 = arith.cmpi slt, %jit3A_98, %sign3A_110 : i32
    %sign3A_112 = arith.extui %sign3A_111 : i1 to i32
    %sign3A_113 = arith.subi %sign3A_109, %sign3A_112 : i32
    %ne3A_114 = arith.cmpi ne, %sign3A_106, %sign3A_113 : i32
    %rem3A_115 = arith.remsi %add3A_97, %jit3A_98 : i32
    %ne3A_116 = arith.constant 0 : i32
    %ne3A_117 = arith.cmpi ne, %rem3A_115, %ne3A_116 : i32
    %and3A_118 = arith.andi %ne3A_114, %ne3A_117 : i1
    %sub3A_119 = arith.constant 1 : i32
    %sub3A_120 = arith.subi %div3A_99, %sub3A_119 : i32
    %select_n3A_121 = arith.select %and3A_118, %sub3A_120, %div3A_99 : i32
    %mul3A_122 = arith.constant 2 : i32
    %mul3A_123 = arith.muli %select_n3A_121, %mul3A_122 : i32
    %sub3A_124 = arith.subi %add3A_97, %mul3A_123 : i32
    %mul3A_125 = arith.constant 256 : i32
    %mul3A_126 = arith.muli %sub3A_124, %mul3A_125 : i32
    %jit3A_127 = arith.constant 14 : i32
    %div3A_128 = arith.divsi %select_n3A_121, %jit3A_127 : i32
    %sign3A_129 = arith.constant 0 : i32
    %sign3A_130 = arith.cmpi sgt, %select_n3A_121, %sign3A_129 : i32
    %sign3A_131 = arith.extui %sign3A_130 : i1 to i32
    %sign3A_132 = arith.constant 0 : i32
    %sign3A_133 = arith.cmpi slt, %select_n3A_121, %sign3A_132 : i32
    %sign3A_134 = arith.extui %sign3A_133 : i1 to i32
    %sign3A_135 = arith.subi %sign3A_131, %sign3A_134 : i32
    %sign3A_136 = arith.constant 0 : i32
    %sign3A_137 = arith.cmpi sgt, %jit3A_127, %sign3A_136 : i32
    %sign3A_138 = arith.extui %sign3A_137 : i1 to i32
    %sign3A_139 = arith.constant 0 : i32
    %sign3A_140 = arith.cmpi slt, %jit3A_127, %sign3A_139 : i32
    %sign3A_141 = arith.extui %sign3A_140 : i1 to i32
    %sign3A_142 = arith.subi %sign3A_138, %sign3A_141 : i32
    %ne3A_143 = arith.cmpi ne, %sign3A_135, %sign3A_142 : i32
    %rem3A_144 = arith.remsi %select_n3A_121, %jit3A_127 : i32
    %ne3A_145 = arith.constant 0 : i32
    %ne3A_146 = arith.cmpi ne, %rem3A_144, %ne3A_145 : i32
    %and3A_147 = arith.andi %ne3A_143, %ne3A_146 : i1
    %sub3A_148 = arith.constant 1 : i32
    %sub3A_149 = arith.subi %div3A_128, %sub3A_148 : i32
    %select_n3A_150 = arith.select %and3A_147, %sub3A_149, %div3A_128 : i32
    %mul3A_151 = arith.constant 14 : i32
    %mul3A_152 = arith.muli %select_n3A_150, %mul3A_151 : i32
    %sub3A_153 = arith.subi %select_n3A_121, %mul3A_152 : i32
    %dma_wait3A = arith.constant 0 : i32
    %dma_wait3A_154 = arith.constant 0 : i32
    %dma_wait3A_155 = arith.constant 0 : i32
    %dma_wait3A_156 = arith.constant 0 : i32
    %dma_wait3A_157 = tpu.memref_slice %arg5[%dma_wait3A, %dma_wait3A_155, %dma_wait3A_156] : memref<2x30x256xf32, #tpu.memory_space<vmem>> -> memref<1x30x256xf32, #tpu.memory_space<vmem>>
    %dma_wait3A_158 = tpu.memref_squeeze %dma_wait3A_157 : memref<1x30x256xf32, #tpu.memory_space<vmem>> -> memref<30x256xf32, #tpu.memory_space<vmem>>
    %dma_wait3A_159 = arith.constant 0 : i32
    %dma_wait3A_160 = tpu.memref_slice %arg2[%select_n3A_150, %sub3A_153, %dma_wait3A_159, %mul3A_126] : memref<14x14x30x512xf32, #tpu.memory_space<hbm>> -> memref<1x1x30x256xf32, #tpu.memory_space<hbm>>
    %dma_wait3A_161 = tpu.memref_squeeze %dma_wait3A_160 : memref<1x1x30x256xf32, #tpu.memory_space<hbm>> -> memref<30x256xf32, #tpu.memory_space<hbm>>
    %dma_wait3A_162 = tpu.memref_slice %arg8[%dma_wait3A_154] : memref<2x!tpu.dma_semaphore, #tpu.memory_space<semaphore_mem>> -> memref<1x!tpu.dma_semaphore, #tpu.memory_space<semaphore_mem>>
    %dma_wait3A_163 = tpu.memref_squeeze %dma_wait3A_162 : memref<1x!tpu.dma_semaphore, #tpu.memory_space<semaphore_mem>> -> memref<!tpu.dma_semaphore, #tpu.memory_space<semaphore_mem>>
    %dma_wait3A_164 = arith.constant 0 : i32
    %dma_wait3A_165 = arith.constant 0 : i32
    %dma_wait3A_166 = tpu.memref_slice %arg5[%dma_wait3A, %dma_wait3A_164, %dma_wait3A_165] : memref<2x30x256xf32, #tpu.memory_space<vmem>> -> memref<1x30x256xf32, #tpu.memory_space<vmem>>
    %dma_wait3A_167 = tpu.memref_squeeze %dma_wait3A_166 : memref<1x30x256xf32, #tpu.memory_space<vmem>> -> memref<30x256xf32, #tpu.memory_space<vmem>>
    %dma_wait3A_168 = arith.constant 0 : i32
    %dma_wait3A_169 = tpu.memref_slice %arg2[%select_n3A_150, %sub3A_153, %dma_wait3A_168, %mul3A_126] : memref<14x14x30x512xf32, #tpu.memory_space<hbm>> -> memref<1x1x30x256xf32, #tpu.memory_space<hbm>>
    %dma_wait3A_170 = tpu.memref_squeeze %dma_wait3A_169 : memref<1x1x30x256xf32, #tpu.memory_space<hbm>> -> memref<30x256xf32, #tpu.memory_space<hbm>>
    tpu.wait_dma2 semaphore(%dma_wait3A_163 : memref<!tpu.dma_semaphore, #tpu.memory_space<semaphore_mem>>) src(%dma_wait3A_170 : memref<30x256xf32, #tpu.memory_space<hbm>>) dst(%dma_wait3A_167 : memref<30x256xf32, #tpu.memory_space<vmem>>)
    %dma_wait3A_171 = arith.constant 0 : i32
    %dma_wait3A_172 = arith.constant 0 : i32
    %dma_wait3A_173 = arith.constant 0 : i32
    %dma_wait3A_174 = arith.constant 0 : i32
    %dma_wait3A_175 = tpu.memref_slice %arg6[%dma_wait3A_171, %dma_wait3A_173, %dma_wait3A_174] : memref<2x30x256xf32, #tpu.memory_space<vmem>> -> memref<1x30x256xf32, #tpu.memory_space<vmem>>
    %dma_wait3A_176 = tpu.memref_squeeze %dma_wait3A_175 : memref<1x30x256xf32, #tpu.memory_space<vmem>> -> memref<30x256xf32, #tpu.memory_space<vmem>>
    %dma_wait3A_177 = arith.constant 0 : i32
    %dma_wait3A_178 = tpu.memref_slice %arg3[%select_n3A_150, %sub3A_153, %dma_wait3A_177, %mul3A_126] : memref<14x14x30x512xf32, #tpu.memory_space<hbm>> -> memref<1x1x30x256xf32, #tpu.memory_space<hbm>>
    %dma_wait3A_179 = tpu.memref_squeeze %dma_wait3A_178 : memref<1x1x30x256xf32, #tpu.memory_space<hbm>> -> memref<30x256xf32, #tpu.memory_space<hbm>>
    %dma_wait3A_180 = tpu.memref_slice %arg8[%dma_wait3A_172] : memref<2x!tpu.dma_semaphore, #tpu.memory_space<semaphore_mem>> -> memref<1x!tpu.dma_semaphore, #tpu.memory_space<semaphore_mem>>
    %dma_wait3A_181 = tpu.memref_squeeze %dma_wait3A_180 : memref<1x!tpu.dma_semaphore, #tpu.memory_space<semaphore_mem>> -> memref<!tpu.dma_semaphore, #tpu.memory_space<semaphore_mem>>
    %dma_wait3A_182 = arith.constant 0 : i32
    %dma_wait3A_183 = arith.constant 0 : i32
    %dma_wait3A_184 = tpu.memref_slice %arg6[%dma_wait3A_171, %dma_wait3A_182, %dma_wait3A_183] : memref<2x30x256xf32, #tpu.memory_space<vmem>> -> memref<1x30x256xf32, #tpu.memory_space<vmem>>
    %dma_wait3A_185 = tpu.memref_squeeze %dma_wait3A_184 : memref<1x30x256xf32, #tpu.memory_space<vmem>> -> memref<30x256xf32, #tpu.memory_space<vmem>>
    %dma_wait3A_186 = arith.constant 0 : i32
    %dma_wait3A_187 = tpu.memref_slice %arg3[%select_n3A_150, %sub3A_153, %dma_wait3A_186, %mul3A_126] : memref<14x14x30x512xf32, #tpu.memory_space<hbm>> -> memref<1x1x30x256xf32, #tpu.memory_space<hbm>>
    %dma_wait3A_188 = tpu.memref_squeeze %dma_wait3A_187 : memref<1x1x30x256xf32, #tpu.memory_space<hbm>> -> memref<30x256xf32, #tpu.memory_space<hbm>>
    tpu.wait_dma2 semaphore(%dma_wait3A_181 : memref<!tpu.dma_semaphore, #tpu.memory_space<semaphore_mem>>) src(%dma_wait3A_188 : memref<30x256xf32, #tpu.memory_space<hbm>>) dst(%dma_wait3A_185 : memref<30x256xf32, #tpu.memory_space<vmem>>)
    %broadcast_in_dim3A_189 = arith.constant 0.000000e+00 : f32
    %broadcast_in_dim3A_190 = vector.broadcast %broadcast_in_dim3A_189 : f32 to vector<16xf32>
    %parallel_loop3A = arith.constant 0 : i32
    %parallel_loop3A_191 = arith.constant 256 : i32
    %parallel_loop3A_192 = arith.constant 16 : i32
    %parallel_loop3A_193 = arith.constant 0 : i32
    %parallel_loop3A_194 = arith.constant 0 : i32
    %parallel_loop3A_195 = scf.for %parallel_loop3A_200 = %parallel_loop3A to %parallel_loop3A_191 step %parallel_loop3A_192 iter_args(%parallel_loop3A_201 = %broadcast_in_dim3A_190) -> (vector<16xf32>)  : i32 {
      %parallel_loop3A_202 = arith.constant 0 : i32
      %parallel_loop3A_203 = arith.constant 0 : i32
      %parallel_loop3A_204 = arith.constant 0 : i32
      %parallel_loop3A_205 = tpu.memref_slice %arg5[%parallel_loop3A_193, %parallel_loop3A_203, %parallel_loop3A_204] : memref<2x30x256xf32, #tpu.memory_space<vmem>> -> memref<1x30x256xf32, #tpu.memory_space<vmem>>
      %parallel_loop3A_206 = tpu.memref_squeeze %parallel_loop3A_205 : memref<1x30x256xf32, #tpu.memory_space<vmem>> -> memref<30x256xf32, #tpu.memory_space<vmem>>
      %parallel_loop3A_207 = arith.index_cast %parallel_loop3A_202 : i32 to index
      %parallel_loop3A_208 = arith.index_cast %parallel_loop3A_200 : i32 to index
      %parallel_loop3A_209 = tpu.vector_load %parallel_loop3A_206[%parallel_loop3A_207, %parallel_loop3A_208] {strides = array<i32>} : memref<30x256xf32, #tpu.memory_space<vmem>>, vector<16xf32>,
      %parallel_loop3A_210 = arith.constant 1 : i32
      %parallel_loop3A_211 = arith.constant 0 : i32
      %parallel_loop3A_212 = arith.constant 0 : i32
      %parallel_loop3A_213 = tpu.memref_slice %arg5[%parallel_loop3A_193, %parallel_loop3A_211, %parallel_loop3A_212] : memref<2x30x256xf32, #tpu.memory_space<vmem>> -> memref<1x30x256xf32, #tpu.memory_space<vmem>>
      %parallel_loop3A_214 = tpu.memref_squeeze %parallel_loop3A_213 : memref<1x30x256xf32, #tpu.memory_space<vmem>> -> memref<30x256xf32, #tpu.memory_space<vmem>>
      %parallel_loop3A_215 = arith.index_cast %parallel_loop3A_210 : i32 to index
      %parallel_loop3A_216 = arith.index_cast %parallel_loop3A_200 : i32 to index
      %parallel_loop3A_217 = tpu.vector_load %parallel_loop3A_214[%parallel_loop3A_215, %parallel_loop3A_216] {strides = array<i32>} : memref<30x256xf32, #tpu.memory_space<vmem>>, vector<16xf32>,
      %parallel_loop3A_218 = arith.constant 2 : i32
      %parallel_loop3A_219 = arith.constant 0 : i32
      %parallel_loop3A_220 = arith.constant 0 : i32
      %parallel_loop3A_221 = tpu.memref_slice %arg5[%parallel_loop3A_193, %parallel_loop3A_219, %parallel_loop3A_220] : memref<2x30x256xf32, #tpu.memory_space<vmem>> -> memref<1x30x256xf32, #tpu.memory_space<vmem>>
      %parallel_loop3A_222 = tpu.memref_squeeze %parallel_loop3A_221 : memref<1x30x256xf32, #tpu.memory_space<vmem>> -> memref<30x256xf32, #tpu.memory_space<vmem>>
      %parallel_loop3A_223 = arith.index_cast %parallel_loop3A_218 : i32 to index
      %parallel_loop3A_224 = arith.index_cast %parallel_loop3A_200 : i32 to index
      %parallel_loop3A_225 = tpu.vector_load %parallel_loop3A_222[%parallel_loop3A_223, %parallel_loop3A_224] {strides = array<i32>} : memref<30x256xf32, #tpu.memory_space<vmem>>, vector<16xf32>,
      %parallel_loop3A_226 = arith.constant 3 : i32
      %parallel_loop3A_227 = arith.constant 0 : i32
      %parallel_loop3A_228 = arith.constant 0 : i32
      %parallel_loop3A_229 = tpu.memref_slice %arg5[%parallel_loop3A_193, %parallel_loop3A_227, %parallel_loop3A_228] : memref<2x30x256xf32, #tpu.memory_space<vmem>> -> memref<1x30x256xf32, #tpu.memory_space<vmem>>
      %parallel_loop3A_230 = tpu.memref_squeeze %parallel_loop3A_229 : memref<1x30x256xf32, #tpu.memory_space<vmem>> -> memref<30x256xf32, #tpu.memory_space<vmem>>
      %parallel_loop3A_231 = arith.index_cast %parallel_loop3A_226 : i32 to index
      %parallel_loop3A_232 = arith.index_cast %parallel_loop3A_200 : i32 to index
      %parallel_loop3A_233 = tpu.vector_load %parallel_loop3A_230[%parallel_loop3A_231, %parallel_loop3A_232] {strides = array<i32>} : memref<30x256xf32, #tpu.memory_space<vmem>>, vector<16xf32>,
      %parallel_loop3A_234 = arith.constant 4 : i32
      %parallel_loop3A_235 = arith.constant 0 : i32
      %parallel_loop3A_236 = arith.constant 0 : i32
      %parallel_loop3A_237 = tpu.memref_slice %arg5[%parallel_loop3A_193, %parallel_loop3A_235, %parallel_loop3A_236] : memref<2x30x256xf32, #tpu.memory_space<vmem>> -> memref<1x30x256xf32, #tpu.memory_space<vmem>>
      %parallel_loop3A_238 = tpu.memref_squeeze %parallel_loop3A_237 : memref<1x30x256xf32, #tpu.memory_space<vmem>> -> memref<30x256xf32, #tpu.memory_space<vmem>>
      %parallel_loop3A_239 = arith.index_cast %parallel_loop3A_234 : i32 to index
      %parallel_loop3A_240 = arith.index_cast %parallel_loop3A_200 : i32 to index
      %parallel_loop3A_241 = tpu.vector_load %parallel_loop3A_238[%parallel_loop3A_239, %parallel_loop3A_240] {strides = array<i32>} : memref<30x256xf32, #tpu.memory_space<vmem>>, vector<16xf32>,
      %parallel_loop3A_242 = arith.constant 5 : i32
      %parallel_loop3A_243 = arith.constant 0 : i32
      %parallel_loop3A_244 = arith.constant 0 : i32
      %parallel_loop3A_245 = tpu.memref_slice %arg5[%parallel_loop3A_193, %parallel_loop3A_243, %parallel_loop3A_244] : memref<2x30x256xf32, #tpu.memory_space<vmem>> -> memref<1x30x256xf32, #tpu.memory_space<vmem>>
      %parallel_loop3A_246 = tpu.memref_squeeze %parallel_loop3A_245 : memref<1x30x256xf32, #tpu.memory_space<vmem>> -> memref<30x256xf32, #tpu.memory_space<vmem>>
      %parallel_loop3A_247 = arith.index_cast %parallel_loop3A_242 : i32 to index
      %parallel_loop3A_248 = arith.index_cast %parallel_loop3A_200 : i32 to index
      %parallel_loop3A_249 = tpu.vector_load %parallel_loop3A_246[%parallel_loop3A_247, %parallel_loop3A_248] {strides = array<i32>} : memref<30x256xf32, #tpu.memory_space<vmem>>, vector<16xf32>,
      %parallel_loop3A_250 = arith.constant 6 : i32
      %parallel_loop3A_251 = arith.constant 0 : i32
      %parallel_loop3A_252 = arith.constant 0 : i32
      %parallel_loop3A_253 = tpu.memref_slice %arg5[%parallel_loop3A_193, %parallel_loop3A_251, %parallel_loop3A_252] : memref<2x30x256xf32, #tpu.memory_space<vmem>> -> memref<1x30x256xf32, #tpu.memory_space<vmem>>
      %parallel_loop3A_254 = tpu.memref_squeeze %parallel_loop3A_253 : memref<1x30x256xf32, #tpu.memory_space<vmem>> -> memref<30x256xf32, #tpu.memory_space<vmem>>
      %parallel_loop3A_255 = arith.index_cast %parallel_loop3A_250 : i32 to index
      %parallel_loop3A_256 = arith.index_cast %parallel_loop3A_200 : i32 to index
      %parallel_loop3A_257 = tpu.vector_load %parallel_loop3A_254[%parallel_loop3A_255, %parallel_loop3A_256] {strides = array<i32>} : memref<30x256xf32, #tpu.memory_space<vmem>>, vector<16xf32>,
      %parallel_loop3A_258 = arith.constant 7 : i32
      %parallel_loop3A_259 = arith.constant 0 : i32
      %parallel_loop3A_260 = arith.constant 0 : i32
      %parallel_loop3A_261 = tpu.memref_slice %arg5[%parallel_loop3A_193, %parallel_loop3A_259, %parallel_loop3A_260] : memref<2x30x256xf32, #tpu.memory_space<vmem>> -> memref<1x30x256xf32, #tpu.memory_space<vmem>>
      %parallel_loop3A_262 = tpu.memref_squeeze %parallel_loop3A_261 : memref<1x30x256xf32, #tpu.memory_space<vmem>> -> memref<30x256xf32, #tpu.memory_space<vmem>>
      %parallel_loop3A_263 = arith.index_cast %parallel_loop3A_258 : i32 to index
      %parallel_loop3A_264 = arith.index_cast %parallel_loop3A_200 : i32 to index
      %parallel_loop3A_265 = tpu.vector_load %parallel_loop3A_262[%parallel_loop3A_263, %parallel_loop3A_264] {strides = array<i32>} : memref<30x256xf32, #tpu.memory_space<vmem>>, vector<16xf32>,
      %parallel_loop3A_266 = arith.constant 8 : i32
      %parallel_loop3A_267 = arith.constant 0 : i32
      %parallel_loop3A_268 = arith.constant 0 : i32
      %parallel_loop3A_269 = tpu.memref_slice %arg5[%parallel_loop3A_193, %parallel_loop3A_267, %parallel_loop3A_268] : memref<2x30x256xf32, #tpu.memory_space<vmem>> -> memref<1x30x256xf32, #tpu.memory_space<vmem>>
      %parallel_loop3A_270 = tpu.memref_squeeze %parallel_loop3A_269 : memref<1x30x256xf32, #tpu.memory_space<vmem>> -> memref<30x256xf32, #tpu.memory_space<vmem>>
      %parallel_loop3A_271 = arith.index_cast %parallel_loop3A_266 : i32 to index
      %parallel_loop3A_272 = arith.index_cast %parallel_loop3A_200 : i32 to index
      %parallel_loop3A_273 = tpu.vector_load %parallel_loop3A_270[%parallel_loop3A_271, %parallel_loop3A_272] {strides = array<i32>} : memref<30x256xf32, #tpu.memory_space<vmem>>, vector<16xf32>,
      %parallel_loop3A_274 = arith.constant 9 : i32
      %parallel_loop3A_275 = arith.constant 0 : i32
      %parallel_loop3A_276 = arith.constant 0 : i32
      %parallel_loop3A_277 = tpu.memref_slice %arg5[%parallel_loop3A_193, %parallel_loop3A_275, %parallel_loop3A_276] : memref<2x30x256xf32, #tpu.memory_space<vmem>> -> memref<1x30x256xf32, #tpu.memory_space<vmem>>
      %parallel_loop3A_278 = tpu.memref_squeeze %parallel_loop3A_277 : memref<1x30x256xf32, #tpu.memory_space<vmem>> -> memref<30x256xf32, #tpu.memory_space<vmem>>
      %parallel_loop3A_279 = arith.index_cast %parallel_loop3A_274 : i32 to index
      %parallel_loop3A_280 = arith.index_cast %parallel_loop3A_200 : i32 to index
      %parallel_loop3A_281 = tpu.vector_load %parallel_loop3A_278[%parallel_loop3A_279, %parallel_loop3A_280] {strides = array<i32>} : memref<30x256xf32, #tpu.memory_space<vmem>>, vector<16xf32>,
      %parallel_loop3A_282 = arith.constant 0 : i32
      %parallel_loop3A_283 = arith.constant 0 : i32
      %parallel_loop3A_284 = arith.constant 0 : i32
      %parallel_loop3A_285 = tpu.memref_slice %arg6[%parallel_loop3A_194, %parallel_loop3A_283, %parallel_loop3A_284] : memref<2x30x256xf32, #tpu.memory_space<vmem>> -> memref<1x30x256xf32, #tpu.memory_space<vmem>>
      %parallel_loop3A_286 = tpu.memref_squeeze %parallel_loop3A_285 : memref<1x30x256xf32, #tpu.memory_space<vmem>> -> memref<30x256xf32, #tpu.memory_space<vmem>>
      %parallel_loop3A_287 = arith.index_cast %parallel_loop3A_282 : i32 to index
      %parallel_loop3A_288 = arith.index_cast %parallel_loop3A_200 : i32 to index
      %parallel_loop3A_289 = tpu.vector_load %parallel_loop3A_286[%parallel_loop3A_287, %parallel_loop3A_288] {strides = array<i32>} : memref<30x256xf32, #tpu.memory_space<vmem>>, vector<16xf32>,
      %parallel_loop3A_290 = arith.constant 1 : i32
      %parallel_loop3A_291 = arith.constant 0 : i32
      %parallel_loop3A_292 = arith.constant 0 : i32
      %parallel_loop3A_293 = tpu.memref_slice %arg6[%parallel_loop3A_194, %parallel_loop3A_291, %parallel_loop3A_292] : memref<2x30x256xf32, #tpu.memory_space<vmem>> -> memref<1x30x256xf32, #tpu.memory_space<vmem>>
      %parallel_loop3A_294 = tpu.memref_squeeze %parallel_loop3A_293 : memref<1x30x256xf32, #tpu.memory_space<vmem>> -> memref<30x256xf32, #tpu.memory_space<vmem>>
      %parallel_loop3A_295 = arith.index_cast %parallel_loop3A_290 : i32 to index
      %parallel_loop3A_296 = arith.index_cast %parallel_loop3A_200 : i32 to index
      %parallel_loop3A_297 = tpu.vector_load %parallel_loop3A_294[%parallel_loop3A_295, %parallel_loop3A_296] {strides = array<i32>} : memref<30x256xf32, #tpu.memory_space<vmem>>, vector<16xf32>,
      %parallel_loop3A_298 = arith.constant 2 : i32
      %parallel_loop3A_299 = arith.constant 0 : i32
      %parallel_loop3A_300 = arith.constant 0 : i32
      %parallel_loop3A_301 = tpu.memref_slice %arg6[%parallel_loop3A_194, %parallel_loop3A_299, %parallel_loop3A_300] : memref<2x30x256xf32, #tpu.memory_space<vmem>> -> memref<1x30x256xf32, #tpu.memory_space<vmem>>
      %parallel_loop3A_302 = tpu.memref_squeeze %parallel_loop3A_301 : memref<1x30x256xf32, #tpu.memory_space<vmem>> -> memref<30x256xf32, #tpu.memory_space<vmem>>
      %parallel_loop3A_303 = arith.index_cast %parallel_loop3A_298 : i32 to index
      %parallel_loop3A_304 = arith.index_cast %parallel_loop3A_200 : i32 to index
      %parallel_loop3A_305 = tpu.vector_load %parallel_loop3A_302[%parallel_loop3A_303, %parallel_loop3A_304] {strides = array<i32>} : memref<30x256xf32, #tpu.memory_space<vmem>>, vector<16xf32>,
      %parallel_loop3A_306 = arith.constant 3 : i32
      %parallel_loop3A_307 = arith.constant 0 : i32
      %parallel_loop3A_308 = arith.constant 0 : i32
      %parallel_loop3A_309 = tpu.memref_slice %arg6[%parallel_loop3A_194, %parallel_loop3A_307, %parallel_loop3A_308] : memref<2x30x256xf32, #tpu.memory_space<vmem>> -> memref<1x30x256xf32, #tpu.memory_space<vmem>>
      %parallel_loop3A_310 = tpu.memref_squeeze %parallel_loop3A_309 : memref<1x30x256xf32, #tpu.memory_space<vmem>> -> memref<30x256xf32, #tpu.memory_space<vmem>>
      %parallel_loop3A_311 = arith.index_cast %parallel_loop3A_306 : i32 to index
      %parallel_loop3A_312 = arith.index_cast %parallel_loop3A_200 : i32 to index
      %parallel_loop3A_313 = tpu.vector_load %parallel_loop3A_310[%parallel_loop3A_311, %parallel_loop3A_312] {strides = array<i32>} : memref<30x256xf32, #tpu.memory_space<vmem>>, vector<16xf32>,
      %parallel_loop3A_314 = arith.constant 4 : i32
      %parallel_loop3A_315 = arith.constant 0 : i32
      %parallel_loop3A_316 = arith.constant 0 : i32
      %parallel_loop3A_317 = tpu.memref_slice %arg6[%parallel_loop3A_194, %parallel_loop3A_315, %parallel_loop3A_316] : memref<2x30x256xf32, #tpu.memory_space<vmem>> -> memref<1x30x256xf32, #tpu.memory_space<vmem>>
      %parallel_loop3A_318 = tpu.memref_squeeze %parallel_loop3A_317 : memref<1x30x256xf32, #tpu.memory_space<vmem>> -> memref<30x256xf32, #tpu.memory_space<vmem>>
      %parallel_loop3A_319 = arith.index_cast %parallel_loop3A_314 : i32 to index
      %parallel_loop3A_320 = arith.index_cast %parallel_loop3A_200 : i32 to index
      %parallel_loop3A_321 = tpu.vector_load %parallel_loop3A_318[%parallel_loop3A_319, %parallel_loop3A_320] {strides = array<i32>} : memref<30x256xf32, #tpu.memory_space<vmem>>, vector<16xf32>,
      %parallel_loop3A_322 = arith.constant 9 : i32
      %parallel_loop3A_323 = arith.constant 0 : i32
      %parallel_loop3A_324 = arith.constant 0 : i32
      %parallel_loop3A_325 = tpu.memref_slice %arg6[%parallel_loop3A_194, %parallel_loop3A_323, %parallel_loop3A_324] : memref<2x30x256xf32, #tpu.memory_space<vmem>> -> memref<1x30x256xf32, #tpu.memory_space<vmem>>
      %parallel_loop3A_326 = tpu.memref_squeeze %parallel_loop3A_325 : memref<1x30x256xf32, #tpu.memory_space<vmem>> -> memref<30x256xf32, #tpu.memory_space<vmem>>
      %parallel_loop3A_327 = arith.index_cast %parallel_loop3A_322 : i32 to index
      %parallel_loop3A_328 = arith.index_cast %parallel_loop3A_200 : i32 to index
      %parallel_loop3A_329 = tpu.vector_load %parallel_loop3A_326[%parallel_loop3A_327, %parallel_loop3A_328] {strides = array<i32>} : memref<30x256xf32, #tpu.memory_space<vmem>>, vector<16xf32>,
      %parallel_loop3A_330 = arith.constant 0.000000e+00 : f32
      %parallel_loop3A_331 = vector.broadcast %parallel_loop3A_330 : f32 to vector<16xf32>
      %parallel_loop3A_332 = arith.constant 10 : i32
      %parallel_loop3A_333 = arith.constant 0 : i32
      %parallel_loop3A_334 = arith.constant 0 : i32
      %parallel_loop3A_335 = tpu.memref_slice %arg5[%parallel_loop3A_193, %parallel_loop3A_333, %parallel_loop3A_334] : memref<2x30x256xf32, #tpu.memory_space<vmem>> -> memref<1x30x256xf32, #tpu.memory_space<vmem>>
      %parallel_loop3A_336 = tpu.memref_squeeze %parallel_loop3A_335 : memref<1x30x256xf32, #tpu.memory_space<vmem>> -> memref<30x256xf32, #tpu.memory_space<vmem>>
      %parallel_loop3A_337 = arith.index_cast %parallel_loop3A_332 : i32 to index
      %parallel_loop3A_338 = arith.index_cast %parallel_loop3A_200 : i32 to index
      %parallel_loop3A_339 = tpu.vector_load %parallel_loop3A_336[%parallel_loop3A_337, %parallel_loop3A_338] {strides = array<i32>} : memref<30x256xf32, #tpu.memory_space<vmem>>, vector<16xf32>,
      %parallel_loop3A_340 = arith.constant 10 : i32
      %parallel_loop3A_341 = arith.constant 0 : i32
      %parallel_loop3A_342 = arith.constant 0 : i32
      %parallel_loop3A_343 = tpu.memref_slice %arg6[%parallel_loop3A_194, %parallel_loop3A_341, %parallel_loop3A_342] : memref<2x30x256xf32, #tpu.memory_space<vmem>> -> memref<1x30x256xf32, #tpu.memory_space<vmem>>
      %parallel_loop3A_344 = tpu.memref_squeeze %parallel_loop3A_343 : memref<1x30x256xf32, #tpu.memory_space<vmem>> -> memref<30x256xf32, #tpu.memory_space<vmem>>
      %parallel_loop3A_345 = arith.index_cast %parallel_loop3A_340 : i32 to index
      %parallel_loop3A_346 = arith.index_cast %parallel_loop3A_200 : i32 to index
      %parallel_loop3A_347 = tpu.vector_load %parallel_loop3A_344[%parallel_loop3A_345, %parallel_loop3A_346] {strides = array<i32>} : memref<30x256xf32, #tpu.memory_space<vmem>>, vector<16xf32>,
      %parallel_loop3A_348 = arith.subf %parallel_loop3A_339, %parallel_loop3A_347 : vector<16xf32>
      %parallel_loop3A_349 = arith.mulf %parallel_loop3A_348, %parallel_loop3A_348 : vector<16xf32>
      %parallel_loop3A_350 = arith.addf %parallel_loop3A_331, %parallel_loop3A_349 : vector<16xf32>
      %parallel_loop3A_351 = arith.constant 11 : i32
      %parallel_loop3A_352 = arith.constant 0 : i32
      %parallel_loop3A_353 = arith.constant 0 : i32
      %parallel_loop3A_354 = tpu.memref_slice %arg5[%parallel_loop3A_193, %parallel_loop3A_352, %parallel_loop3A_353] : memref<2x30x256xf32, #tpu.memory_space<vmem>> -> memref<1x30x256xf32, #tpu.memory_space<vmem>>
      %parallel_loop3A_355 = tpu.memref_squeeze %parallel_loop3A_354 : memref<1x30x256xf32, #tpu.memory_space<vmem>> -> memref<30x256xf32, #tpu.memory_space<vmem>>
      %parallel_loop3A_356 = arith.index_cast %parallel_loop3A_351 : i32 to index
      %parallel_loop3A_357 = arith.index_cast %parallel_loop3A_200 : i32 to index
      %parallel_loop3A_358 = tpu.vector_load %parallel_loop3A_355[%parallel_loop3A_356, %parallel_loop3A_357] {strides = array<i32>} : memref<30x256xf32, #tpu.memory_space<vmem>>, vector<16xf32>,
      %parallel_loop3A_359 = arith.constant 11 : i32
      %parallel_loop3A_360 = arith.constant 0 : i32
      %parallel_loop3A_361 = arith.constant 0 : i32
      %parallel_loop3A_362 = tpu.memref_slice %arg6[%parallel_loop3A_194, %parallel_loop3A_360, %parallel_loop3A_361] : memref<2x30x256xf32, #tpu.memory_space<vmem>> -> memref<1x30x256xf32, #tpu.memory_space<vmem>>
      %parallel_loop3A_363 = tpu.memref_squeeze %parallel_loop3A_362 : memref<1x30x256xf32, #tpu.memory_space<vmem>> -> memref<30x256xf32, #tpu.memory_space<vmem>>
      %parallel_loop3A_364 = arith.index_cast %parallel_loop3A_359 : i32 to index
      %parallel_loop3A_365 = arith.index_cast %parallel_loop3A_200 : i32 to index
      %parallel_loop3A_366 = tpu.vector_load %parallel_loop3A_363[%parallel_loop3A_364, %parallel_loop3A_365] {strides = array<i32>} : memref<30x256xf32, #tpu.memory_space<vmem>>, vector<16xf32>,
      %parallel_loop3A_367 = arith.subf %parallel_loop3A_358, %parallel_loop3A_366 : vector<16xf32>
      %parallel_loop3A_368 = arith.mulf %parallel_loop3A_367, %parallel_loop3A_367 : vector<16xf32>
      %parallel_loop3A_369 = arith.addf %parallel_loop3A_350, %parallel_loop3A_368 : vector<16xf32>
      %parallel_loop3A_370 = arith.constant 12 : i32
      %parallel_loop3A_371 = arith.constant 0 : i32
      %parallel_loop3A_372 = arith.constant 0 : i32
      %parallel_loop3A_373 = tpu.memref_slice %arg5[%parallel_loop3A_193, %parallel_loop3A_371, %parallel_loop3A_372] : memref<2x30x256xf32, #tpu.memory_space<vmem>> -> memref<1x30x256xf32, #tpu.memory_space<vmem>>
      %parallel_loop3A_374 = tpu.memref_squeeze %parallel_loop3A_373 : memref<1x30x256xf32, #tpu.memory_space<vmem>> -> memref<30x256xf32, #tpu.memory_space<vmem>>
      %parallel_loop3A_375 = arith.index_cast %parallel_loop3A_370 : i32 to index
      %parallel_loop3A_376 = arith.index_cast %parallel_loop3A_200 : i32 to index
      %parallel_loop3A_377 = tpu.vector_load %parallel_loop3A_374[%parallel_loop3A_375, %parallel_loop3A_376] {strides = array<i32>} : memref<30x256xf32, #tpu.memory_space<vmem>>, vector<16xf32>,
      %parallel_loop3A_378 = arith.constant 12 : i32
      %parallel_loop3A_379 = arith.constant 0 : i32
      %parallel_loop3A_380 = arith.constant 0 : i32
      %parallel_loop3A_381 = tpu.memref_slice %arg6[%parallel_loop3A_194, %parallel_loop3A_379, %parallel_loop3A_380] : memref<2x30x256xf32, #tpu.memory_space<vmem>> -> memref<1x30x256xf32, #tpu.memory_space<vmem>>
      %parallel_loop3A_382 = tpu.memref_squeeze %parallel_loop3A_381 : memref<1x30x256xf32, #tpu.memory_space<vmem>> -> memref<30x256xf32, #tpu.memory_space<vmem>>
      %parallel_loop3A_383 = arith.index_cast %parallel_loop3A_378 : i32 to index
      %parallel_loop3A_384 = arith.index_cast %parallel_loop3A_200 : i32 to index
      %parallel_loop3A_385 = tpu.vector_load %parallel_loop3A_382[%parallel_loop3A_383, %parallel_loop3A_384] {strides = array<i32>} : memref<30x256xf32, #tpu.memory_space<vmem>>, vector<16xf32>,
      %parallel_loop3A_386 = arith.subf %parallel_loop3A_377, %parallel_loop3A_385 : vector<16xf32>
      %parallel_loop3A_387 = arith.mulf %parallel_loop3A_386, %parallel_loop3A_386 : vector<16xf32>
      %parallel_loop3A_388 = arith.addf %parallel_loop3A_369, %parallel_loop3A_387 : vector<16xf32>
      %parallel_loop3A_389 = arith.constant 13 : i32
      %parallel_loop3A_390 = arith.constant 0 : i32
      %parallel_loop3A_391 = arith.constant 0 : i32
      %parallel_loop3A_392 = tpu.memref_slice %arg5[%parallel_loop3A_193, %parallel_loop3A_390, %parallel_loop3A_391] : memref<2x30x256xf32, #tpu.memory_space<vmem>> -> memref<1x30x256xf32, #tpu.memory_space<vmem>>
      %parallel_loop3A_393 = tpu.memref_squeeze %parallel_loop3A_392 : memref<1x30x256xf32, #tpu.memory_space<vmem>> -> memref<30x256xf32, #tpu.memory_space<vmem>>
      %parallel_loop3A_394 = arith.index_cast %parallel_loop3A_389 : i32 to index
      %parallel_loop3A_395 = arith.index_cast %parallel_loop3A_200 : i32 to index
      %parallel_loop3A_396 = tpu.vector_load %parallel_loop3A_393[%parallel_loop3A_394, %parallel_loop3A_395] {strides = array<i32>} : memref<30x256xf32, #tpu.memory_space<vmem>>, vector<16xf32>,
      %parallel_loop3A_397 = arith.constant 13 : i32
      %parallel_loop3A_398 = arith.constant 0 : i32
      %parallel_loop3A_399 = arith.constant 0 : i32
      %parallel_loop3A_400 = tpu.memref_slice %arg6[%parallel_loop3A_194, %parallel_loop3A_398, %parallel_loop3A_399] : memref<2x30x256xf32, #tpu.memory_space<vmem>> -> memref<1x30x256xf32, #tpu.memory_space<vmem>>
      %parallel_loop3A_401 = tpu.memref_squeeze %parallel_loop3A_400 : memref<1x30x256xf32, #tpu.memory_space<vmem>> -> memref<30x256xf32, #tpu.memory_space<vmem>>
      %parallel_loop3A_402 = arith.index_cast %parallel_loop3A_397 : i32 to index
      %parallel_loop3A_403 = arith.index_cast %parallel_loop3A_200 : i32 to index
      %parallel_loop3A_404 = tpu.vector_load %parallel_loop3A_401[%parallel_loop3A_402, %parallel_loop3A_403] {strides = array<i32>} : memref<30x256xf32, #tpu.memory_space<vmem>>, vector<16xf32>,
      %parallel_loop3A_405 = arith.subf %parallel_loop3A_396, %parallel_loop3A_404 : vector<16xf32>
      %parallel_loop3A_406 = arith.mulf %parallel_loop3A_405, %parallel_loop3A_405 : vector<16xf32>
      %parallel_loop3A_407 = arith.addf %parallel_loop3A_388, %parallel_loop3A_406 : vector<16xf32>
      %parallel_loop3A_408 = arith.constant 14 : i32
      %parallel_loop3A_409 = arith.constant 0 : i32
      %parallel_loop3A_410 = arith.constant 0 : i32
      %parallel_loop3A_411 = tpu.memref_slice %arg5[%parallel_loop3A_193, %parallel_loop3A_409, %parallel_loop3A_410] : memref<2x30x256xf32, #tpu.memory_space<vmem>> -> memref<1x30x256xf32, #tpu.memory_space<vmem>>
      %parallel_loop3A_412 = tpu.memref_squeeze %parallel_loop3A_411 : memref<1x30x256xf32, #tpu.memory_space<vmem>> -> memref<30x256xf32, #tpu.memory_space<vmem>>
      %parallel_loop3A_413 = arith.index_cast %parallel_loop3A_408 : i32 to index
      %parallel_loop3A_414 = arith.index_cast %parallel_loop3A_200 : i32 to index
      %parallel_loop3A_415 = tpu.vector_load %parallel_loop3A_412[%parallel_loop3A_413, %parallel_loop3A_414] {strides = array<i32>} : memref<30x256xf32, #tpu.memory_space<vmem>>, vector<16xf32>,
      %parallel_loop3A_416 = arith.constant 14 : i32
      %parallel_loop3A_417 = arith.constant 0 : i32
      %parallel_loop3A_418 = arith.constant 0 : i32
      %parallel_loop3A_419 = tpu.memref_slice %arg6[%parallel_loop3A_194, %parallel_loop3A_417, %parallel_loop3A_418] : memref<2x30x256xf32, #tpu.memory_space<vmem>> -> memref<1x30x256xf32, #tpu.memory_space<vmem>>
      %parallel_loop3A_420 = tpu.memref_squeeze %parallel_loop3A_419 : memref<1x30x256xf32, #tpu.memory_space<vmem>> -> memref<30x256xf32, #tpu.memory_space<vmem>>
      %parallel_loop3A_421 = arith.index_cast %parallel_loop3A_416 : i32 to index
      %parallel_loop3A_422 = arith.index_cast %parallel_loop3A_200 : i32 to index
      %parallel_loop3A_423 = tpu.vector_load %parallel_loop3A_420[%parallel_loop3A_421, %parallel_loop3A_422] {strides = array<i32>} : memref<30x256xf32, #tpu.memory_space<vmem>>, vector<16xf32>,
      %parallel_loop3A_424 = arith.subf %parallel_loop3A_415, %parallel_loop3A_423 : vector<16xf32>
      %parallel_loop3A_425 = arith.mulf %parallel_loop3A_424, %parallel_loop3A_424 : vector<16xf32>
      %parallel_loop3A_426 = arith.addf %parallel_loop3A_407, %parallel_loop3A_425 : vector<16xf32>
      %parallel_loop3A_427 = arith.constant 15 : i32
      %parallel_loop3A_428 = arith.constant 0 : i32
      %parallel_loop3A_429 = arith.constant 0 : i32
      %parallel_loop3A_430 = tpu.memref_slice %arg5[%parallel_loop3A_193, %parallel_loop3A_428, %parallel_loop3A_429] : memref<2x30x256xf32, #tpu.memory_space<vmem>> -> memref<1x30x256xf32, #tpu.memory_space<vmem>>
      %parallel_loop3A_431 = tpu.memref_squeeze %parallel_loop3A_430 : memref<1x30x256xf32, #tpu.memory_space<vmem>> -> memref<30x256xf32, #tpu.memory_space<vmem>>
      %parallel_loop3A_432 = arith.index_cast %parallel_loop3A_427 : i32 to index
      %parallel_loop3A_433 = arith.index_cast %parallel_loop3A_200 : i32 to index
      %parallel_loop3A_434 = tpu.vector_load %parallel_loop3A_431[%parallel_loop3A_432, %parallel_loop3A_433] {strides = array<i32>} : memref<30x256xf32, #tpu.memory_space<vmem>>, vector<16xf32>,
      %parallel_loop3A_435 = arith.constant 15 : i32
      %parallel_loop3A_436 = arith.constant 0 : i32
      %parallel_loop3A_437 = arith.constant 0 : i32
      %parallel_loop3A_438 = tpu.memref_slice %arg6[%parallel_loop3A_194, %parallel_loop3A_436, %parallel_loop3A_437] : memref<2x30x256xf32, #tpu.memory_space<vmem>> -> memref<1x30x256xf32, #tpu.memory_space<vmem>>
      %parallel_loop3A_439 = tpu.memref_squeeze %parallel_loop3A_438 : memref<1x30x256xf32, #tpu.memory_space<vmem>> -> memref<30x256xf32, #tpu.memory_space<vmem>>
      %parallel_loop3A_440 = arith.index_cast %parallel_loop3A_435 : i32 to index
      %parallel_loop3A_441 = arith.index_cast %parallel_loop3A_200 : i32 to index
      %parallel_loop3A_442 = tpu.vector_load %parallel_loop3A_439[%parallel_loop3A_440, %parallel_loop3A_441] {strides = array<i32>} : memref<30x256xf32, #tpu.memory_space<vmem>>, vector<16xf32>,
      %parallel_loop3A_443 = arith.subf %parallel_loop3A_434, %parallel_loop3A_442 : vector<16xf32>
      %parallel_loop3A_444 = arith.mulf %parallel_loop3A_443, %parallel_loop3A_443 : vector<16xf32>
      %parallel_loop3A_445 = arith.addf %parallel_loop3A_426, %parallel_loop3A_444 : vector<16xf32>
      %parallel_loop3A_446 = arith.constant 16 : i32
      %parallel_loop3A_447 = arith.constant 0 : i32
      %parallel_loop3A_448 = arith.constant 0 : i32
      %parallel_loop3A_449 = tpu.memref_slice %arg5[%parallel_loop3A_193, %parallel_loop3A_447, %parallel_loop3A_448] : memref<2x30x256xf32, #tpu.memory_space<vmem>> -> memref<1x30x256xf32, #tpu.memory_space<vmem>>
      %parallel_loop3A_450 = tpu.memref_squeeze %parallel_loop3A_449 : memref<1x30x256xf32, #tpu.memory_space<vmem>> -> memref<30x256xf32, #tpu.memory_space<vmem>>
      %parallel_loop3A_451 = arith.index_cast %parallel_loop3A_446 : i32 to index
      %parallel_loop3A_452 = arith.index_cast %parallel_loop3A_200 : i32 to index
      %parallel_loop3A_453 = tpu.vector_load %parallel_loop3A_450[%parallel_loop3A_451, %parallel_loop3A_452] {strides = array<i32>} : memref<30x256xf32, #tpu.memory_space<vmem>>, vector<16xf32>,
      %parallel_loop3A_454 = arith.constant 16 : i32
      %parallel_loop3A_455 = arith.constant 0 : i32
      %parallel_loop3A_456 = arith.constant 0 : i32
      %parallel_loop3A_457 = tpu.memref_slice %arg6[%parallel_loop3A_194, %parallel_loop3A_455, %parallel_loop3A_456] : memref<2x30x256xf32, #tpu.memory_space<vmem>> -> memref<1x30x256xf32, #tpu.memory_space<vmem>>
      %parallel_loop3A_458 = tpu.memref_squeeze %parallel_loop3A_457 : memref<1x30x256xf32, #tpu.memory_space<vmem>> -> memref<30x256xf32, #tpu.memory_space<vmem>>
      %parallel_loop3A_459 = arith.index_cast %parallel_loop3A_454 : i32 to index
      %parallel_loop3A_460 = arith.index_cast %parallel_loop3A_200 : i32 to index
      %parallel_loop3A_461 = tpu.vector_load %parallel_loop3A_458[%parallel_loop3A_459, %parallel_loop3A_460] {strides = array<i32>} : memref<30x256xf32, #tpu.memory_space<vmem>>, vector<16xf32>,
      %parallel_loop3A_462 = arith.subf %parallel_loop3A_453, %parallel_loop3A_461 : vector<16xf32>
      %parallel_loop3A_463 = arith.mulf %parallel_loop3A_462, %parallel_loop3A_462 : vector<16xf32>
      %parallel_loop3A_464 = arith.addf %parallel_loop3A_445, %parallel_loop3A_463 : vector<16xf32>
      %parallel_loop3A_465 = arith.constant 17 : i32
      %parallel_loop3A_466 = arith.constant 0 : i32
      %parallel_loop3A_467 = arith.constant 0 : i32
      %parallel_loop3A_468 = tpu.memref_slice %arg5[%parallel_loop3A_193, %parallel_loop3A_466, %parallel_loop3A_467] : memref<2x30x256xf32, #tpu.memory_space<vmem>> -> memref<1x30x256xf32, #tpu.memory_space<vmem>>
      %parallel_loop3A_469 = tpu.memref_squeeze %parallel_loop3A_468 : memref<1x30x256xf32, #tpu.memory_space<vmem>> -> memref<30x256xf32, #tpu.memory_space<vmem>>
      %parallel_loop3A_470 = arith.index_cast %parallel_loop3A_465 : i32 to index
      %parallel_loop3A_471 = arith.index_cast %parallel_loop3A_200 : i32 to index
      %parallel_loop3A_472 = tpu.vector_load %parallel_loop3A_469[%parallel_loop3A_470, %parallel_loop3A_471] {strides = array<i32>} : memref<30x256xf32, #tpu.memory_space<vmem>>, vector<16xf32>,
      %parallel_loop3A_473 = arith.constant 17 : i32
      %parallel_loop3A_474 = arith.constant 0 : i32
      %parallel_loop3A_475 = arith.constant 0 : i32
      %parallel_loop3A_476 = tpu.memref_slice %arg6[%parallel_loop3A_194, %parallel_loop3A_474, %parallel_loop3A_475] : memref<2x30x256xf32, #tpu.memory_space<vmem>> -> memref<1x30x256xf32, #tpu.memory_space<vmem>>
      %parallel_loop3A_477 = tpu.memref_squeeze %parallel_loop3A_476 : memref<1x30x256xf32, #tpu.memory_space<vmem>> -> memref<30x256xf32, #tpu.memory_space<vmem>>
      %parallel_loop3A_478 = arith.index_cast %parallel_loop3A_473 : i32 to index
      %parallel_loop3A_479 = arith.index_cast %parallel_loop3A_200 : i32 to index
      %parallel_loop3A_480 = tpu.vector_load %parallel_loop3A_477[%parallel_loop3A_478, %parallel_loop3A_479] {strides = array<i32>} : memref<30x256xf32, #tpu.memory_space<vmem>>, vector<16xf32>,
      %parallel_loop3A_481 = arith.subf %parallel_loop3A_472, %parallel_loop3A_480 : vector<16xf32>
      %parallel_loop3A_482 = arith.mulf %parallel_loop3A_481, %parallel_loop3A_481 : vector<16xf32>
      %parallel_loop3A_483 = arith.addf %parallel_loop3A_464, %parallel_loop3A_482 : vector<16xf32>
      %parallel_loop3A_484 = arith.constant 18 : i32
      %parallel_loop3A_485 = arith.constant 0 : i32
      %parallel_loop3A_486 = arith.constant 0 : i32
      %parallel_loop3A_487 = tpu.memref_slice %arg5[%parallel_loop3A_193, %parallel_loop3A_485, %parallel_loop3A_486] : memref<2x30x256xf32, #tpu.memory_space<vmem>> -> memref<1x30x256xf32, #tpu.memory_space<vmem>>
      %parallel_loop3A_488 = tpu.memref_squeeze %parallel_loop3A_487 : memref<1x30x256xf32, #tpu.memory_space<vmem>> -> memref<30x256xf32, #tpu.memory_space<vmem>>
      %parallel_loop3A_489 = arith.index_cast %parallel_loop3A_484 : i32 to index
      %parallel_loop3A_490 = arith.index_cast %parallel_loop3A_200 : i32 to index
      %parallel_loop3A_491 = tpu.vector_load %parallel_loop3A_488[%parallel_loop3A_489, %parallel_loop3A_490] {strides = array<i32>} : memref<30x256xf32, #tpu.memory_space<vmem>>, vector<16xf32>,
      %parallel_loop3A_492 = arith.constant 18 : i32
      %parallel_loop3A_493 = arith.constant 0 : i32
      %parallel_loop3A_494 = arith.constant 0 : i32
      %parallel_loop3A_495 = tpu.memref_slice %arg6[%parallel_loop3A_194, %parallel_loop3A_493, %parallel_loop3A_494] : memref<2x30x256xf32, #tpu.memory_space<vmem>> -> memref<1x30x256xf32, #tpu.memory_space<vmem>>
      %parallel_loop3A_496 = tpu.memref_squeeze %parallel_loop3A_495 : memref<1x30x256xf32, #tpu.memory_space<vmem>> -> memref<30x256xf32, #tpu.memory_space<vmem>>
      %parallel_loop3A_497 = arith.index_cast %parallel_loop3A_492 : i32 to index
      %parallel_loop3A_498 = arith.index_cast %parallel_loop3A_200 : i32 to index
      %parallel_loop3A_499 = tpu.vector_load %parallel_loop3A_496[%parallel_loop3A_497, %parallel_loop3A_498] {strides = array<i32>} : memref<30x256xf32, #tpu.memory_space<vmem>>, vector<16xf32>,
      %parallel_loop3A_500 = arith.subf %parallel_loop3A_491, %parallel_loop3A_499 : vector<16xf32>
      %parallel_loop3A_501 = arith.mulf %parallel_loop3A_500, %parallel_loop3A_500 : vector<16xf32>
      %parallel_loop3A_502 = arith.addf %parallel_loop3A_483, %parallel_loop3A_501 : vector<16xf32>
      %parallel_loop3A_503 = arith.constant 19 : i32
      %parallel_loop3A_504 = arith.constant 0 : i32
      %parallel_loop3A_505 = arith.constant 0 : i32
      %parallel_loop3A_506 = tpu.memref_slice %arg5[%parallel_loop3A_193, %parallel_loop3A_504, %parallel_loop3A_505] : memref<2x30x256xf32, #tpu.memory_space<vmem>> -> memref<1x30x256xf32, #tpu.memory_space<vmem>>
      %parallel_loop3A_507 = tpu.memref_squeeze %parallel_loop3A_506 : memref<1x30x256xf32, #tpu.memory_space<vmem>> -> memref<30x256xf32, #tpu.memory_space<vmem>>
      %parallel_loop3A_508 = arith.index_cast %parallel_loop3A_503 : i32 to index
      %parallel_loop3A_509 = arith.index_cast %parallel_loop3A_200 : i32 to index
      %parallel_loop3A_510 = tpu.vector_load %parallel_loop3A_507[%parallel_loop3A_508, %parallel_loop3A_509] {strides = array<i32>} : memref<30x256xf32, #tpu.memory_space<vmem>>, vector<16xf32>,
      %parallel_loop3A_511 = arith.constant 19 : i32
      %parallel_loop3A_512 = arith.constant 0 : i32
      %parallel_loop3A_513 = arith.constant 0 : i32
      %parallel_loop3A_514 = tpu.memref_slice %arg6[%parallel_loop3A_194, %parallel_loop3A_512, %parallel_loop3A_513] : memref<2x30x256xf32, #tpu.memory_space<vmem>> -> memref<1x30x256xf32, #tpu.memory_space<vmem>>
      %parallel_loop3A_515 = tpu.memref_squeeze %parallel_loop3A_514 : memref<1x30x256xf32, #tpu.memory_space<vmem>> -> memref<30x256xf32, #tpu.memory_space<vmem>>
      %parallel_loop3A_516 = arith.index_cast %parallel_loop3A_511 : i32 to index
      %parallel_loop3A_517 = arith.index_cast %parallel_loop3A_200 : i32 to index
      %parallel_loop3A_518 = tpu.vector_load %parallel_loop3A_515[%parallel_loop3A_516, %parallel_loop3A_517] {strides = array<i32>} : memref<30x256xf32, #tpu.memory_space<vmem>>, vector<16xf32>,
      %parallel_loop3A_519 = arith.subf %parallel_loop3A_510, %parallel_loop3A_518 : vector<16xf32>
      %parallel_loop3A_520 = arith.mulf %parallel_loop3A_519, %parallel_loop3A_519 : vector<16xf32>
      %parallel_loop3A_521 = arith.addf %parallel_loop3A_502, %parallel_loop3A_520 : vector<16xf32>
      %parallel_loop3A_522 = arith.constant 20 : i32
      %parallel_loop3A_523 = arith.constant 0 : i32
      %parallel_loop3A_524 = arith.constant 0 : i32
      %parallel_loop3A_525 = tpu.memref_slice %arg5[%parallel_loop3A_193, %parallel_loop3A_523, %parallel_loop3A_524] : memref<2x30x256xf32, #tpu.memory_space<vmem>> -> memref<1x30x256xf32, #tpu.memory_space<vmem>>
      %parallel_loop3A_526 = tpu.memref_squeeze %parallel_loop3A_525 : memref<1x30x256xf32, #tpu.memory_space<vmem>> -> memref<30x256xf32, #tpu.memory_space<vmem>>
      %parallel_loop3A_527 = arith.index_cast %parallel_loop3A_522 : i32 to index
      %parallel_loop3A_528 = arith.index_cast %parallel_loop3A_200 : i32 to index
      %parallel_loop3A_529 = tpu.vector_load %parallel_loop3A_526[%parallel_loop3A_527, %parallel_loop3A_528] {strides = array<i32>} : memref<30x256xf32, #tpu.memory_space<vmem>>, vector<16xf32>,
      %parallel_loop3A_530 = arith.constant 20 : i32
      %parallel_loop3A_531 = arith.constant 0 : i32
      %parallel_loop3A_532 = arith.constant 0 : i32
      %parallel_loop3A_533 = tpu.memref_slice %arg6[%parallel_loop3A_194, %parallel_loop3A_531, %parallel_loop3A_532] : memref<2x30x256xf32, #tpu.memory_space<vmem>> -> memref<1x30x256xf32, #tpu.memory_space<vmem>>
      %parallel_loop3A_534 = tpu.memref_squeeze %parallel_loop3A_533 : memref<1x30x256xf32, #tpu.memory_space<vmem>> -> memref<30x256xf32, #tpu.memory_space<vmem>>
      %parallel_loop3A_535 = arith.index_cast %parallel_loop3A_530 : i32 to index
      %parallel_loop3A_536 = arith.index_cast %parallel_loop3A_200 : i32 to index
      %parallel_loop3A_537 = tpu.vector_load %parallel_loop3A_534[%parallel_loop3A_535, %parallel_loop3A_536] {strides = array<i32>} : memref<30x256xf32, #tpu.memory_space<vmem>>, vector<16xf32>,
      %parallel_loop3A_538 = arith.subf %parallel_loop3A_529, %parallel_loop3A_537 : vector<16xf32>
      %parallel_loop3A_539 = arith.mulf %parallel_loop3A_538, %parallel_loop3A_538 : vector<16xf32>
      %parallel_loop3A_540 = arith.addf %parallel_loop3A_521, %parallel_loop3A_539 : vector<16xf32>
      %parallel_loop3A_541 = arith.constant 21 : i32
      %parallel_loop3A_542 = arith.constant 0 : i32
      %parallel_loop3A_543 = arith.constant 0 : i32
      %parallel_loop3A_544 = tpu.memref_slice %arg5[%parallel_loop3A_193, %parallel_loop3A_542, %parallel_loop3A_543] : memref<2x30x256xf32, #tpu.memory_space<vmem>> -> memref<1x30x256xf32, #tpu.memory_space<vmem>>
      %parallel_loop3A_545 = tpu.memref_squeeze %parallel_loop3A_544 : memref<1x30x256xf32, #tpu.memory_space<vmem>> -> memref<30x256xf32, #tpu.memory_space<vmem>>
      %parallel_loop3A_546 = arith.index_cast %parallel_loop3A_541 : i32 to index
      %parallel_loop3A_547 = arith.index_cast %parallel_loop3A_200 : i32 to index
      %parallel_loop3A_548 = tpu.vector_load %parallel_loop3A_545[%parallel_loop3A_546, %parallel_loop3A_547] {strides = array<i32>} : memref<30x256xf32, #tpu.memory_space<vmem>>, vector<16xf32>,
      %parallel_loop3A_549 = arith.constant 21 : i32
      %parallel_loop3A_550 = arith.constant 0 : i32
      %parallel_loop3A_551 = arith.constant 0 : i32
      %parallel_loop3A_552 = tpu.memref_slice %arg6[%parallel_loop3A_194, %parallel_loop3A_550, %parallel_loop3A_551] : memref<2x30x256xf32, #tpu.memory_space<vmem>> -> memref<1x30x256xf32, #tpu.memory_space<vmem>>
      %parallel_loop3A_553 = tpu.memref_squeeze %parallel_loop3A_552 : memref<1x30x256xf32, #tpu.memory_space<vmem>> -> memref<30x256xf32, #tpu.memory_space<vmem>>
      %parallel_loop3A_554 = arith.index_cast %parallel_loop3A_549 : i32 to index
      %parallel_loop3A_555 = arith.index_cast %parallel_loop3A_200 : i32 to index
      %parallel_loop3A_556 = tpu.vector_load %parallel_loop3A_553[%parallel_loop3A_554, %parallel_loop3A_555] {strides = array<i32>} : memref<30x256xf32, #tpu.memory_space<vmem>>, vector<16xf32>,
      %parallel_loop3A_557 = arith.subf %parallel_loop3A_548, %parallel_loop3A_556 : vector<16xf32>
      %parallel_loop3A_558 = arith.mulf %parallel_loop3A_557, %parallel_loop3A_557 : vector<16xf32>
      %parallel_loop3A_559 = arith.addf %parallel_loop3A_540, %parallel_loop3A_558 : vector<16xf32>
      %parallel_loop3A_560 = arith.constant 22 : i32
      %parallel_loop3A_561 = arith.constant 0 : i32
      %parallel_loop3A_562 = arith.constant 0 : i32
      %parallel_loop3A_563 = tpu.memref_slice %arg5[%parallel_loop3A_193, %parallel_loop3A_561, %parallel_loop3A_562] : memref<2x30x256xf32, #tpu.memory_space<vmem>> -> memref<1x30x256xf32, #tpu.memory_space<vmem>>
      %parallel_loop3A_564 = tpu.memref_squeeze %parallel_loop3A_563 : memref<1x30x256xf32, #tpu.memory_space<vmem>> -> memref<30x256xf32, #tpu.memory_space<vmem>>
      %parallel_loop3A_565 = arith.index_cast %parallel_loop3A_560 : i32 to index
      %parallel_loop3A_566 = arith.index_cast %parallel_loop3A_200 : i32 to index
      %parallel_loop3A_567 = tpu.vector_load %parallel_loop3A_564[%parallel_loop3A_565, %parallel_loop3A_566] {strides = array<i32>} : memref<30x256xf32, #tpu.memory_space<vmem>>, vector<16xf32>,
      %parallel_loop3A_568 = arith.constant 22 : i32
      %parallel_loop3A_569 = arith.constant 0 : i32
      %parallel_loop3A_570 = arith.constant 0 : i32
      %parallel_loop3A_571 = tpu.memref_slice %arg6[%parallel_loop3A_194, %parallel_loop3A_569, %parallel_loop3A_570] : memref<2x30x256xf32, #tpu.memory_space<vmem>> -> memref<1x30x256xf32, #tpu.memory_space<vmem>>
      %parallel_loop3A_572 = tpu.memref_squeeze %parallel_loop3A_571 : memref<1x30x256xf32, #tpu.memory_space<vmem>> -> memref<30x256xf32, #tpu.memory_space<vmem>>
      %parallel_loop3A_573 = arith.index_cast %parallel_loop3A_568 : i32 to index
      %parallel_loop3A_574 = arith.index_cast %parallel_loop3A_200 : i32 to index
      %parallel_loop3A_575 = tpu.vector_load %parallel_loop3A_572[%parallel_loop3A_573, %parallel_loop3A_574] {strides = array<i32>} : memref<30x256xf32, #tpu.memory_space<vmem>>, vector<16xf32>,
      %parallel_loop3A_576 = arith.subf %parallel_loop3A_567, %parallel_loop3A_575 : vector<16xf32>
      %parallel_loop3A_577 = arith.mulf %parallel_loop3A_576, %parallel_loop3A_576 : vector<16xf32>
      %parallel_loop3A_578 = arith.addf %parallel_loop3A_559, %parallel_loop3A_577 : vector<16xf32>
      %parallel_loop3A_579 = arith.constant 23 : i32
      %parallel_loop3A_580 = arith.constant 0 : i32
      %parallel_loop3A_581 = arith.constant 0 : i32
      %parallel_loop3A_582 = tpu.memref_slice %arg5[%parallel_loop3A_193, %parallel_loop3A_580, %parallel_loop3A_581] : memref<2x30x256xf32, #tpu.memory_space<vmem>> -> memref<1x30x256xf32, #tpu.memory_space<vmem>>
      %parallel_loop3A_583 = tpu.memref_squeeze %parallel_loop3A_582 : memref<1x30x256xf32, #tpu.memory_space<vmem>> -> memref<30x256xf32, #tpu.memory_space<vmem>>
      %parallel_loop3A_584 = arith.index_cast %parallel_loop3A_579 : i32 to index
      %parallel_loop3A_585 = arith.index_cast %parallel_loop3A_200 : i32 to index
      %parallel_loop3A_586 = tpu.vector_load %parallel_loop3A_583[%parallel_loop3A_584, %parallel_loop3A_585] {strides = array<i32>} : memref<30x256xf32, #tpu.memory_space<vmem>>, vector<16xf32>,
      %parallel_loop3A_587 = arith.constant 23 : i32
      %parallel_loop3A_588 = arith.constant 0 : i32
      %parallel_loop3A_589 = arith.constant 0 : i32
      %parallel_loop3A_590 = tpu.memref_slice %arg6[%parallel_loop3A_194, %parallel_loop3A_588, %parallel_loop3A_589] : memref<2x30x256xf32, #tpu.memory_space<vmem>> -> memref<1x30x256xf32, #tpu.memory_space<vmem>>
      %parallel_loop3A_591 = tpu.memref_squeeze %parallel_loop3A_590 : memref<1x30x256xf32, #tpu.memory_space<vmem>> -> memref<30x256xf32, #tpu.memory_space<vmem>>
      %parallel_loop3A_592 = arith.index_cast %parallel_loop3A_587 : i32 to index
      %parallel_loop3A_593 = arith.index_cast %parallel_loop3A_200 : i32 to index
      %parallel_loop3A_594 = tpu.vector_load %parallel_loop3A_591[%parallel_loop3A_592, %parallel_loop3A_593] {strides = array<i32>} : memref<30x256xf32, #tpu.memory_space<vmem>>, vector<16xf32>,
      %parallel_loop3A_595 = arith.subf %parallel_loop3A_586, %parallel_loop3A_594 : vector<16xf32>
      %parallel_loop3A_596 = arith.mulf %parallel_loop3A_595, %parallel_loop3A_595 : vector<16xf32>
      %parallel_loop3A_597 = arith.addf %parallel_loop3A_578, %parallel_loop3A_596 : vector<16xf32>
      %parallel_loop3A_598 = arith.constant 24 : i32
      %parallel_loop3A_599 = arith.constant 0 : i32
      %parallel_loop3A_600 = arith.constant 0 : i32
      %parallel_loop3A_601 = tpu.memref_slice %arg5[%parallel_loop3A_193, %parallel_loop3A_599, %parallel_loop3A_600] : memref<2x30x256xf32, #tpu.memory_space<vmem>> -> memref<1x30x256xf32, #tpu.memory_space<vmem>>
      %parallel_loop3A_602 = tpu.memref_squeeze %parallel_loop3A_601 : memref<1x30x256xf32, #tpu.memory_space<vmem>> -> memref<30x256xf32, #tpu.memory_space<vmem>>
      %parallel_loop3A_603 = arith.index_cast %parallel_loop3A_598 : i32 to index
      %parallel_loop3A_604 = arith.index_cast %parallel_loop3A_200 : i32 to index
      %parallel_loop3A_605 = tpu.vector_load %parallel_loop3A_602[%parallel_loop3A_603, %parallel_loop3A_604] {strides = array<i32>} : memref<30x256xf32, #tpu.memory_space<vmem>>, vector<16xf32>,
      %parallel_loop3A_606 = arith.constant 24 : i32
      %parallel_loop3A_607 = arith.constant 0 : i32
      %parallel_loop3A_608 = arith.constant 0 : i32
      %parallel_loop3A_609 = tpu.memref_slice %arg6[%parallel_loop3A_194, %parallel_loop3A_607, %parallel_loop3A_608] : memref<2x30x256xf32, #tpu.memory_space<vmem>> -> memref<1x30x256xf32, #tpu.memory_space<vmem>>
      %parallel_loop3A_610 = tpu.memref_squeeze %parallel_loop3A_609 : memref<1x30x256xf32, #tpu.memory_space<vmem>> -> memref<30x256xf32, #tpu.memory_space<vmem>>
      %parallel_loop3A_611 = arith.index_cast %parallel_loop3A_606 : i32 to index
      %parallel_loop3A_612 = arith.index_cast %parallel_loop3A_200 : i32 to index
      %parallel_loop3A_613 = tpu.vector_load %parallel_loop3A_610[%parallel_loop3A_611, %parallel_loop3A_612] {strides = array<i32>} : memref<30x256xf32, #tpu.memory_space<vmem>>, vector<16xf32>,
      %parallel_loop3A_614 = arith.subf %parallel_loop3A_605, %parallel_loop3A_613 : vector<16xf32>
      %parallel_loop3A_615 = arith.mulf %parallel_loop3A_614, %parallel_loop3A_614 : vector<16xf32>
      %parallel_loop3A_616 = arith.addf %parallel_loop3A_597, %parallel_loop3A_615 : vector<16xf32>
      %parallel_loop3A_617 = arith.constant 25 : i32
      %parallel_loop3A_618 = arith.constant 0 : i32
      %parallel_loop3A_619 = arith.constant 0 : i32
      %parallel_loop3A_620 = tpu.memref_slice %arg5[%parallel_loop3A_193, %parallel_loop3A_618, %parallel_loop3A_619] : memref<2x30x256xf32, #tpu.memory_space<vmem>> -> memref<1x30x256xf32, #tpu.memory_space<vmem>>
      %parallel_loop3A_621 = tpu.memref_squeeze %parallel_loop3A_620 : memref<1x30x256xf32, #tpu.memory_space<vmem>> -> memref<30x256xf32, #tpu.memory_space<vmem>>
      %parallel_loop3A_622 = arith.index_cast %parallel_loop3A_617 : i32 to index
      %parallel_loop3A_623 = arith.index_cast %parallel_loop3A_200 : i32 to index
      %parallel_loop3A_624 = tpu.vector_load %parallel_loop3A_621[%parallel_loop3A_622, %parallel_loop3A_623] {strides = array<i32>} : memref<30x256xf32, #tpu.memory_space<vmem>>, vector<16xf32>,
      %parallel_loop3A_625 = arith.constant 25 : i32
      %parallel_loop3A_626 = arith.constant 0 : i32
      %parallel_loop3A_627 = arith.constant 0 : i32
      %parallel_loop3A_628 = tpu.memref_slice %arg6[%parallel_loop3A_194, %parallel_loop3A_626, %parallel_loop3A_627] : memref<2x30x256xf32, #tpu.memory_space<vmem>> -> memref<1x30x256xf32, #tpu.memory_space<vmem>>
      %parallel_loop3A_629 = tpu.memref_squeeze %parallel_loop3A_628 : memref<1x30x256xf32, #tpu.memory_space<vmem>> -> memref<30x256xf32, #tpu.memory_space<vmem>>
      %parallel_loop3A_630 = arith.index_cast %parallel_loop3A_625 : i32 to index
      %parallel_loop3A_631 = arith.index_cast %parallel_loop3A_200 : i32 to index
      %parallel_loop3A_632 = tpu.vector_load %parallel_loop3A_629[%parallel_loop3A_630, %parallel_loop3A_631] {strides = array<i32>} : memref<30x256xf32, #tpu.memory_space<vmem>>, vector<16xf32>,
      %parallel_loop3A_633 = arith.subf %parallel_loop3A_624, %parallel_loop3A_632 : vector<16xf32>
      %parallel_loop3A_634 = arith.mulf %parallel_loop3A_633, %parallel_loop3A_633 : vector<16xf32>
      %parallel_loop3A_635 = arith.addf %parallel_loop3A_616, %parallel_loop3A_634 : vector<16xf32>
      %parallel_loop3A_636 = arith.constant 26 : i32
      %parallel_loop3A_637 = arith.constant 0 : i32
      %parallel_loop3A_638 = arith.constant 0 : i32
      %parallel_loop3A_639 = tpu.memref_slice %arg5[%parallel_loop3A_193, %parallel_loop3A_637, %parallel_loop3A_638] : memref<2x30x256xf32, #tpu.memory_space<vmem>> -> memref<1x30x256xf32, #tpu.memory_space<vmem>>
      %parallel_loop3A_640 = tpu.memref_squeeze %parallel_loop3A_639 : memref<1x30x256xf32, #tpu.memory_space<vmem>> -> memref<30x256xf32, #tpu.memory_space<vmem>>
      %parallel_loop3A_641 = arith.index_cast %parallel_loop3A_636 : i32 to index
      %parallel_loop3A_642 = arith.index_cast %parallel_loop3A_200 : i32 to index
      %parallel_loop3A_643 = tpu.vector_load %parallel_loop3A_640[%parallel_loop3A_641, %parallel_loop3A_642] {strides = array<i32>} : memref<30x256xf32, #tpu.memory_space<vmem>>, vector<16xf32>,
      %parallel_loop3A_644 = arith.constant 26 : i32
      %parallel_loop3A_645 = arith.constant 0 : i32
      %parallel_loop3A_646 = arith.constant 0 : i32
      %parallel_loop3A_647 = tpu.memref_slice %arg6[%parallel_loop3A_194, %parallel_loop3A_645, %parallel_loop3A_646] : memref<2x30x256xf32, #tpu.memory_space<vmem>> -> memref<1x30x256xf32, #tpu.memory_space<vmem>>
      %parallel_loop3A_648 = tpu.memref_squeeze %parallel_loop3A_647 : memref<1x30x256xf32, #tpu.memory_space<vmem>> -> memref<30x256xf32, #tpu.memory_space<vmem>>
      %parallel_loop3A_649 = arith.index_cast %parallel_loop3A_644 : i32 to index
      %parallel_loop3A_650 = arith.index_cast %parallel_loop3A_200 : i32 to index
      %parallel_loop3A_651 = tpu.vector_load %parallel_loop3A_648[%parallel_loop3A_649, %parallel_loop3A_650] {strides = array<i32>} : memref<30x256xf32, #tpu.memory_space<vmem>>, vector<16xf32>,
      %parallel_loop3A_652 = arith.subf %parallel_loop3A_643, %parallel_loop3A_651 : vector<16xf32>
      %parallel_loop3A_653 = arith.mulf %parallel_loop3A_652, %parallel_loop3A_652 : vector<16xf32>
      %parallel_loop3A_654 = arith.addf %parallel_loop3A_635, %parallel_loop3A_653 : vector<16xf32>
      %parallel_loop3A_655 = arith.constant 27 : i32
      %parallel_loop3A_656 = arith.constant 0 : i32
      %parallel_loop3A_657 = arith.constant 0 : i32
      %parallel_loop3A_658 = tpu.memref_slice %arg5[%parallel_loop3A_193, %parallel_loop3A_656, %parallel_loop3A_657] : memref<2x30x256xf32, #tpu.memory_space<vmem>> -> memref<1x30x256xf32, #tpu.memory_space<vmem>>
      %parallel_loop3A_659 = tpu.memref_squeeze %parallel_loop3A_658 : memref<1x30x256xf32, #tpu.memory_space<vmem>> -> memref<30x256xf32, #tpu.memory_space<vmem>>
      %parallel_loop3A_660 = arith.index_cast %parallel_loop3A_655 : i32 to index
      %parallel_loop3A_661 = arith.index_cast %parallel_loop3A_200 : i32 to index
      %parallel_loop3A_662 = tpu.vector_load %parallel_loop3A_659[%parallel_loop3A_660, %parallel_loop3A_661] {strides = array<i32>} : memref<30x256xf32, #tpu.memory_space<vmem>>, vector<16xf32>,
      %parallel_loop3A_663 = arith.constant 27 : i32
      %parallel_loop3A_664 = arith.constant 0 : i32
      %parallel_loop3A_665 = arith.constant 0 : i32
      %parallel_loop3A_666 = tpu.memref_slice %arg6[%parallel_loop3A_194, %parallel_loop3A_664, %parallel_loop3A_665] : memref<2x30x256xf32, #tpu.memory_space<vmem>> -> memref<1x30x256xf32, #tpu.memory_space<vmem>>
      %parallel_loop3A_667 = tpu.memref_squeeze %parallel_loop3A_666 : memref<1x30x256xf32, #tpu.memory_space<vmem>> -> memref<30x256xf32, #tpu.memory_space<vmem>>
      %parallel_loop3A_668 = arith.index_cast %parallel_loop3A_663 : i32 to index
      %parallel_loop3A_669 = arith.index_cast %parallel_loop3A_200 : i32 to index
      %parallel_loop3A_670 = tpu.vector_load %parallel_loop3A_667[%parallel_loop3A_668, %parallel_loop3A_669] {strides = array<i32>} : memref<30x256xf32, #tpu.memory_space<vmem>>, vector<16xf32>,
      %parallel_loop3A_671 = arith.subf %parallel_loop3A_662, %parallel_loop3A_670 : vector<16xf32>
      %parallel_loop3A_672 = arith.mulf %parallel_loop3A_671, %parallel_loop3A_671 : vector<16xf32>
      %parallel_loop3A_673 = arith.addf %parallel_loop3A_654, %parallel_loop3A_672 : vector<16xf32>
      %parallel_loop3A_674 = arith.constant 28 : i32
      %parallel_loop3A_675 = arith.constant 0 : i32
      %parallel_loop3A_676 = arith.constant 0 : i32
      %parallel_loop3A_677 = tpu.memref_slice %arg5[%parallel_loop3A_193, %parallel_loop3A_675, %parallel_loop3A_676] : memref<2x30x256xf32, #tpu.memory_space<vmem>> -> memref<1x30x256xf32, #tpu.memory_space<vmem>>
      %parallel_loop3A_678 = tpu.memref_squeeze %parallel_loop3A_677 : memref<1x30x256xf32, #tpu.memory_space<vmem>> -> memref<30x256xf32, #tpu.memory_space<vmem>>
      %parallel_loop3A_679 = arith.index_cast %parallel_loop3A_674 : i32 to index
      %parallel_loop3A_680 = arith.index_cast %parallel_loop3A_200 : i32 to index
      %parallel_loop3A_681 = tpu.vector_load %parallel_loop3A_678[%parallel_loop3A_679, %parallel_loop3A_680] {strides = array<i32>} : memref<30x256xf32, #tpu.memory_space<vmem>>, vector<16xf32>,
      %parallel_loop3A_682 = arith.constant 28 : i32
      %parallel_loop3A_683 = arith.constant 0 : i32
      %parallel_loop3A_684 = arith.constant 0 : i32
      %parallel_loop3A_685 = tpu.memref_slice %arg6[%parallel_loop3A_194, %parallel_loop3A_683, %parallel_loop3A_684] : memref<2x30x256xf32, #tpu.memory_space<vmem>> -> memref<1x30x256xf32, #tpu.memory_space<vmem>>
      %parallel_loop3A_686 = tpu.memref_squeeze %parallel_loop3A_685 : memref<1x30x256xf32, #tpu.memory_space<vmem>> -> memref<30x256xf32, #tpu.memory_space<vmem>>
      %parallel_loop3A_687 = arith.index_cast %parallel_loop3A_682 : i32 to index
      %parallel_loop3A_688 = arith.index_cast %parallel_loop3A_200 : i32 to index
      %parallel_loop3A_689 = tpu.vector_load %parallel_loop3A_686[%parallel_loop3A_687, %parallel_loop3A_688] {strides = array<i32>} : memref<30x256xf32, #tpu.memory_space<vmem>>, vector<16xf32>,
      %parallel_loop3A_690 = arith.subf %parallel_loop3A_681, %parallel_loop3A_689 : vector<16xf32>
      %parallel_loop3A_691 = arith.mulf %parallel_loop3A_690, %parallel_loop3A_690 : vector<16xf32>
      %parallel_loop3A_692 = arith.addf %parallel_loop3A_673, %parallel_loop3A_691 : vector<16xf32>
      %parallel_loop3A_693 = arith.constant 29 : i32
      %parallel_loop3A_694 = arith.constant 0 : i32
      %parallel_loop3A_695 = arith.constant 0 : i32
      %parallel_loop3A_696 = tpu.memref_slice %arg5[%parallel_loop3A_193, %parallel_loop3A_694, %parallel_loop3A_695] : memref<2x30x256xf32, #tpu.memory_space<vmem>> -> memref<1x30x256xf32, #tpu.memory_space<vmem>>
      %parallel_loop3A_697 = tpu.memref_squeeze %parallel_loop3A_696 : memref<1x30x256xf32, #tpu.memory_space<vmem>> -> memref<30x256xf32, #tpu.memory_space<vmem>>
      %parallel_loop3A_698 = arith.index_cast %parallel_loop3A_693 : i32 to index
      %parallel_loop3A_699 = arith.index_cast %parallel_loop3A_200 : i32 to index
      %parallel_loop3A_700 = tpu.vector_load %parallel_loop3A_697[%parallel_loop3A_698, %parallel_loop3A_699] {strides = array<i32>} : memref<30x256xf32, #tpu.memory_space<vmem>>, vector<16xf32>,
      %parallel_loop3A_701 = arith.constant 29 : i32
      %parallel_loop3A_702 = arith.constant 0 : i32
      %parallel_loop3A_703 = arith.constant 0 : i32
      %parallel_loop3A_704 = tpu.memref_slice %arg6[%parallel_loop3A_194, %parallel_loop3A_702, %parallel_loop3A_703] : memref<2x30x256xf32, #tpu.memory_space<vmem>> -> memref<1x30x256xf32, #tpu.memory_space<vmem>>
      %parallel_loop3A_705 = tpu.memref_squeeze %parallel_loop3A_704 : memref<1x30x256xf32, #tpu.memory_space<vmem>> -> memref<30x256xf32, #tpu.memory_space<vmem>>
      %parallel_loop3A_706 = arith.index_cast %parallel_loop3A_701 : i32 to index
      %parallel_loop3A_707 = arith.index_cast %parallel_loop3A_200 : i32 to index
      %parallel_loop3A_708 = tpu.vector_load %parallel_loop3A_705[%parallel_loop3A_706, %parallel_loop3A_707] {strides = array<i32>} : memref<30x256xf32, #tpu.memory_space<vmem>>, vector<16xf32>,
      %parallel_loop3A_709 = arith.subf %parallel_loop3A_700, %parallel_loop3A_708 : vector<16xf32>
      %parallel_loop3A_710 = arith.mulf %parallel_loop3A_709, %parallel_loop3A_709 : vector<16xf32>
      %parallel_loop3A_711 = arith.addf %parallel_loop3A_692, %parallel_loop3A_710 : vector<16xf32>
      %parallel_loop3A_712 = arith.constant 7.000000e+00 : f32
      %parallel_loop3A_713 = vector.broadcast %parallel_loop3A_712 : f32 to vector<16xf32>
      %parallel_loop3A_714 = arith.mulf %parallel_loop3A_713, %parallel_loop3A_305 : vector<16xf32>
      %parallel_loop3A_715 = arith.subf %parallel_loop3A_289, %parallel_loop3A_714 : vector<16xf32>
      %parallel_loop3A_716 = arith.constant 7.000000e+00 : f32
      %parallel_loop3A_717 = vector.broadcast %parallel_loop3A_716 : f32 to vector<16xf32>
      %parallel_loop3A_718 = arith.mulf %parallel_loop3A_717, %parallel_loop3A_305 : vector<16xf32>
      %parallel_loop3A_719 = arith.addf %parallel_loop3A_289, %parallel_loop3A_718 : vector<16xf32>
      %parallel_loop3A_720 = arith.constant 7.000000e+00 : f32
      %parallel_loop3A_721 = vector.broadcast %parallel_loop3A_720 : f32 to vector<16xf32>
      %parallel_loop3A_722 = arith.mulf %parallel_loop3A_721, %parallel_loop3A_313 : vector<16xf32>
      %parallel_loop3A_723 = arith.subf %parallel_loop3A_297, %parallel_loop3A_722 : vector<16xf32>
      %parallel_loop3A_724 = arith.constant 7.000000e+00 : f32
      %parallel_loop3A_725 = vector.broadcast %parallel_loop3A_724 : f32 to vector<16xf32>
      %parallel_loop3A_726 = arith.mulf %parallel_loop3A_725, %parallel_loop3A_313 : vector<16xf32>
      %parallel_loop3A_727 = arith.addf %parallel_loop3A_297, %parallel_loop3A_726 : vector<16xf32>
      %parallel_loop3A_728 = arith.subf %parallel_loop3A_719, %parallel_loop3A_715 : vector<16xf32>
      %parallel_loop3A_729 = arith.subf %parallel_loop3A_727, %parallel_loop3A_723 : vector<16xf32>
      %parallel_loop3A_730 = arith.mulf %parallel_loop3A_728, %parallel_loop3A_729 : vector<16xf32>
      %parallel_loop3A_731 = arith.constant 7.000000e+00 : f32
      %parallel_loop3A_732 = vector.broadcast %parallel_loop3A_731 : f32 to vector<16xf32>
      %parallel_loop3A_733 = arith.mulf %parallel_loop3A_732, %parallel_loop3A_225 : vector<16xf32>
      %parallel_loop3A_734 = arith.subf %parallel_loop3A_209, %parallel_loop3A_733 : vector<16xf32>
      %parallel_loop3A_735 = arith.constant 7.000000e+00 : f32
      %parallel_loop3A_736 = vector.broadcast %parallel_loop3A_735 : f32 to vector<16xf32>
      %parallel_loop3A_737 = arith.mulf %parallel_loop3A_736, %parallel_loop3A_225 : vector<16xf32>
      %parallel_loop3A_738 = arith.addf %parallel_loop3A_209, %parallel_loop3A_737 : vector<16xf32>
      %parallel_loop3A_739 = arith.constant 7.000000e+00 : f32
      %parallel_loop3A_740 = vector.broadcast %parallel_loop3A_739 : f32 to vector<16xf32>
      %parallel_loop3A_741 = arith.mulf %parallel_loop3A_740, %parallel_loop3A_233 : vector<16xf32>
      %parallel_loop3A_742 = arith.subf %parallel_loop3A_217, %parallel_loop3A_741 : vector<16xf32>
      %parallel_loop3A_743 = arith.constant 7.000000e+00 : f32
      %parallel_loop3A_744 = vector.broadcast %parallel_loop3A_743 : f32 to vector<16xf32>
      %parallel_loop3A_745 = arith.mulf %parallel_loop3A_744, %parallel_loop3A_233 : vector<16xf32>
      %parallel_loop3A_746 = arith.addf %parallel_loop3A_217, %parallel_loop3A_745 : vector<16xf32>
      %parallel_loop3A_747 = arith.minimumf %parallel_loop3A_738, %parallel_loop3A_719 : vector<16xf32>
      %parallel_loop3A_748 = arith.maximumf %parallel_loop3A_734, %parallel_loop3A_715 : vector<16xf32>
      %parallel_loop3A_749 = arith.subf %parallel_loop3A_747, %parallel_loop3A_748 : vector<16xf32>
      %parallel_loop3A_750 = arith.constant 0.000000e+00 : f32
      %parallel_loop3A_751 = vector.broadcast %parallel_loop3A_750 : f32 to vector<16xf32>
      %parallel_loop3A_752 = arith.maximumf %parallel_loop3A_749, %parallel_loop3A_751 : vector<16xf32>
      %parallel_loop3A_753 = arith.minimumf %parallel_loop3A_746, %parallel_loop3A_727 : vector<16xf32>
      %parallel_loop3A_754 = arith.maximumf %parallel_loop3A_742, %parallel_loop3A_723 : vector<16xf32>
      %parallel_loop3A_755 = arith.subf %parallel_loop3A_753, %parallel_loop3A_754 : vector<16xf32>
      %parallel_loop3A_756 = arith.constant 0.000000e+00 : f32
      %parallel_loop3A_757 = vector.broadcast %parallel_loop3A_756 : f32 to vector<16xf32>
      %parallel_loop3A_758 = arith.maximumf %parallel_loop3A_755, %parallel_loop3A_757 : vector<16xf32>
      %parallel_loop3A_759 = arith.mulf %parallel_loop3A_752, %parallel_loop3A_758 : vector<16xf32>
      %parallel_loop3A_760 = arith.subf %parallel_loop3A_738, %parallel_loop3A_734 : vector<16xf32>
      %parallel_loop3A_761 = arith.subf %parallel_loop3A_746, %parallel_loop3A_742 : vector<16xf32>
      %parallel_loop3A_762 = arith.mulf %parallel_loop3A_760, %parallel_loop3A_761 : vector<16xf32>
      %parallel_loop3A_763 = arith.addf %parallel_loop3A_762, %parallel_loop3A_730 : vector<16xf32>
      %parallel_loop3A_764 = arith.subf %parallel_loop3A_763, %parallel_loop3A_759 : vector<16xf32>
      %parallel_loop3A_765 = arith.constant 1.000000e-10 : f32
      %parallel_loop3A_766 = vector.broadcast %parallel_loop3A_765 : f32 to vector<16xf32>
      %parallel_loop3A_767 = arith.addf %parallel_loop3A_764, %parallel_loop3A_766 : vector<16xf32>
      %parallel_loop3A_768 = arith.constant 7.000000e+00 : f32
      %parallel_loop3A_769 = vector.broadcast %parallel_loop3A_768 : f32 to vector<16xf32>
      %parallel_loop3A_770 = arith.mulf %parallel_loop3A_769, %parallel_loop3A_265 : vector<16xf32>
      %parallel_loop3A_771 = arith.subf %parallel_loop3A_249, %parallel_loop3A_770 : vector<16xf32>
      %parallel_loop3A_772 = arith.constant 7.000000e+00 : f32
      %parallel_loop3A_773 = vector.broadcast %parallel_loop3A_772 : f32 to vector<16xf32>
      %parallel_loop3A_774 = arith.mulf %parallel_loop3A_773, %parallel_loop3A_265 : vector<16xf32>
      %parallel_loop3A_775 = arith.addf %parallel_loop3A_249, %parallel_loop3A_774 : vector<16xf32>
      %parallel_loop3A_776 = arith.constant 7.000000e+00 : f32
      %parallel_loop3A_777 = vector.broadcast %parallel_loop3A_776 : f32 to vector<16xf32>
      %parallel_loop3A_778 = arith.mulf %parallel_loop3A_777, %parallel_loop3A_273 : vector<16xf32>
      %parallel_loop3A_779 = arith.subf %parallel_loop3A_257, %parallel_loop3A_778 : vector<16xf32>
      %parallel_loop3A_780 = arith.constant 7.000000e+00 : f32
      %parallel_loop3A_781 = vector.broadcast %parallel_loop3A_780 : f32 to vector<16xf32>
      %parallel_loop3A_782 = arith.mulf %parallel_loop3A_781, %parallel_loop3A_273 : vector<16xf32>
      %parallel_loop3A_783 = arith.addf %parallel_loop3A_257, %parallel_loop3A_782 : vector<16xf32>
      %parallel_loop3A_784 = arith.minimumf %parallel_loop3A_775, %parallel_loop3A_719 : vector<16xf32>
      %parallel_loop3A_785 = arith.maximumf %parallel_loop3A_771, %parallel_loop3A_715 : vector<16xf32>
      %parallel_loop3A_786 = arith.subf %parallel_loop3A_784, %parallel_loop3A_785 : vector<16xf32>
      %parallel_loop3A_787 = arith.constant 0.000000e+00 : f32
      %parallel_loop3A_788 = vector.broadcast %parallel_loop3A_787 : f32 to vector<16xf32>
      %parallel_loop3A_789 = arith.maximumf %parallel_loop3A_786, %parallel_loop3A_788 : vector<16xf32>
      %parallel_loop3A_790 = arith.minimumf %parallel_loop3A_783, %parallel_loop3A_727 : vector<16xf32>
      %parallel_loop3A_791 = arith.maximumf %parallel_loop3A_779, %parallel_loop3A_723 : vector<16xf32>
      %parallel_loop3A_792 = arith.subf %parallel_loop3A_790, %parallel_loop3A_791 : vector<16xf32>
      %parallel_loop3A_793 = arith.constant 0.000000e+00 : f32
      %parallel_loop3A_794 = vector.broadcast %parallel_loop3A_793 : f32 to vector<16xf32>
      %parallel_loop3A_795 = arith.maximumf %parallel_loop3A_792, %parallel_loop3A_794 : vector<16xf32>
      %parallel_loop3A_796 = arith.mulf %parallel_loop3A_789, %parallel_loop3A_795 : vector<16xf32>
      %parallel_loop3A_797 = arith.subf %parallel_loop3A_775, %parallel_loop3A_771 : vector<16xf32>
      %parallel_loop3A_798 = arith.subf %parallel_loop3A_783, %parallel_loop3A_779 : vector<16xf32>
      %parallel_loop3A_799 = arith.mulf %parallel_loop3A_797, %parallel_loop3A_798 : vector<16xf32>
      %parallel_loop3A_800 = arith.addf %parallel_loop3A_799, %parallel_loop3A_730 : vector<16xf32>
      %parallel_loop3A_801 = arith.subf %parallel_loop3A_800, %parallel_loop3A_796 : vector<16xf32>
      %parallel_loop3A_802 = arith.constant 1.000000e-10 : f32
      %parallel_loop3A_803 = vector.broadcast %parallel_loop3A_802 : f32 to vector<16xf32>
      %parallel_loop3A_804 = arith.addf %parallel_loop3A_801, %parallel_loop3A_803 : vector<16xf32>
      %parallel_loop3A_805 = arith.mulf %parallel_loop3A_796, %parallel_loop3A_767 : vector<16xf32>
      %parallel_loop3A_806 = arith.mulf %parallel_loop3A_759, %parallel_loop3A_804 : vector<16xf32>
      %parallel_loop3A_807 = arith.cmpf ogt, %parallel_loop3A_805, %parallel_loop3A_806 : vector<16xf32>
      %parallel_loop3A_808 = arith.select %parallel_loop3A_807, %parallel_loop3A_249, %parallel_loop3A_209 : vector<16xi1>, vector<16xf32>
      %parallel_loop3A_809 = arith.select %parallel_loop3A_807, %parallel_loop3A_257, %parallel_loop3A_217 : vector<16xi1>, vector<16xf32>
      %parallel_loop3A_810 = arith.select %parallel_loop3A_807, %parallel_loop3A_265, %parallel_loop3A_225 : vector<16xi1>, vector<16xf32>
      %parallel_loop3A_811 = arith.select %parallel_loop3A_807, %parallel_loop3A_273, %parallel_loop3A_233 : vector<16xi1>, vector<16xf32>
      %parallel_loop3A_812 = arith.select %parallel_loop3A_807, %parallel_loop3A_281, %parallel_loop3A_241 : vector<16xi1>, vector<16xf32>
      %parallel_loop3A_813 = arith.select %parallel_loop3A_807, %parallel_loop3A_241, %parallel_loop3A_281 : vector<16xi1>, vector<16xf32>
      %parallel_loop3A_814 = arith.select %parallel_loop3A_807, %parallel_loop3A_796, %parallel_loop3A_759 : vector<16xi1>, vector<16xf32>
      %parallel_loop3A_815 = arith.select %parallel_loop3A_807, %parallel_loop3A_804, %parallel_loop3A_767 : vector<16xi1>, vector<16xf32>
      %parallel_loop3A_816 = arith.divf %parallel_loop3A_814, %parallel_loop3A_815 : vector<16xf32>
      %parallel_loop3A_817 = arith.subf %parallel_loop3A_808, %parallel_loop3A_289 : vector<16xf32>
      %parallel_loop3A_818 = arith.subf %parallel_loop3A_809, %parallel_loop3A_297 : vector<16xf32>
      %parallel_loop3A_819 = arith.mulf %parallel_loop3A_817, %parallel_loop3A_817 : vector<16xf32>
      %parallel_loop3A_820 = arith.mulf %parallel_loop3A_818, %parallel_loop3A_818 : vector<16xf32>
      %parallel_loop3A_821 = arith.addf %parallel_loop3A_819, %parallel_loop3A_820 : vector<16xf32>
      %parallel_loop3A_822 = arith.addf %parallel_loop3A_810, %parallel_loop3A_305 : vector<16xf32>
      %parallel_loop3A_823 = arith.mulf %parallel_loop3A_810, %parallel_loop3A_305 : vector<16xf32>
      %parallel_loop3A_824 = vector.bitcast %parallel_loop3A_823 : vector<16xf32> to vector<16xi32>
      %parallel_loop3A_825 = arith.constant 1 : i32
      %parallel_loop3A_826 = vector.broadcast %parallel_loop3A_825 : i32 to vector<16xi32>
      %parallel_loop3A_827 = arith.shrui %parallel_loop3A_824, %parallel_loop3A_826 : vector<16xi32>
      %parallel_loop3A_828 = arith.constant 1597463007 : i32
      %parallel_loop3A_829 = vector.broadcast %parallel_loop3A_828 : i32 to vector<16xi32>
      %parallel_loop3A_830 = arith.subi %parallel_loop3A_829, %parallel_loop3A_827 : vector<16xi32>
      %parallel_loop3A_831 = vector.bitcast %parallel_loop3A_830 : vector<16xi32> to vector<16xf32>
      %parallel_loop3A_832 = arith.constant 5.000000e-01 : f32
      %parallel_loop3A_833 = vector.broadcast %parallel_loop3A_832 : f32 to vector<16xf32>
      %parallel_loop3A_834 = arith.mulf %parallel_loop3A_833, %parallel_loop3A_823 : vector<16xf32>
      %parallel_loop3A_835 = arith.mulf %parallel_loop3A_834, %parallel_loop3A_831 : vector<16xf32>
      %parallel_loop3A_836 = arith.mulf %parallel_loop3A_835, %parallel_loop3A_831 : vector<16xf32>
      %parallel_loop3A_837 = arith.constant 1.500000e+00 : f32
      %parallel_loop3A_838 = vector.broadcast %parallel_loop3A_837 : f32 to vector<16xf32>
      %parallel_loop3A_839 = arith.subf %parallel_loop3A_838, %parallel_loop3A_836 : vector<16xf32>
      %parallel_loop3A_840 = arith.mulf %parallel_loop3A_831, %parallel_loop3A_839 : vector<16xf32>
      %parallel_loop3A_841 = arith.constant 5.000000e-01 : f32
      %parallel_loop3A_842 = vector.broadcast %parallel_loop3A_841 : f32 to vector<16xf32>
      %parallel_loop3A_843 = arith.mulf %parallel_loop3A_842, %parallel_loop3A_823 : vector<16xf32>
      %parallel_loop3A_844 = arith.mulf %parallel_loop3A_843, %parallel_loop3A_840 : vector<16xf32>
      %parallel_loop3A_845 = arith.mulf %parallel_loop3A_844, %parallel_loop3A_840 : vector<16xf32>
      %parallel_loop3A_846 = arith.constant 1.500000e+00 : f32
      %parallel_loop3A_847 = vector.broadcast %parallel_loop3A_846 : f32 to vector<16xf32>
      %parallel_loop3A_848 = arith.subf %parallel_loop3A_847, %parallel_loop3A_845 : vector<16xf32>
      %parallel_loop3A_849 = arith.mulf %parallel_loop3A_840, %parallel_loop3A_848 : vector<16xf32>
      %parallel_loop3A_850 = arith.mulf %parallel_loop3A_823, %parallel_loop3A_849 : vector<16xf32>
      %parallel_loop3A_851 = arith.constant 2.000000e+00 : f32
      %parallel_loop3A_852 = vector.broadcast %parallel_loop3A_851 : f32 to vector<16xf32>
      %parallel_loop3A_853 = arith.mulf %parallel_loop3A_852, %parallel_loop3A_850 : vector<16xf32>
      %parallel_loop3A_854 = arith.subf %parallel_loop3A_822, %parallel_loop3A_853 : vector<16xf32>
      %parallel_loop3A_855 = arith.addf %parallel_loop3A_821, %parallel_loop3A_854 : vector<16xf32>
      %parallel_loop3A_856 = arith.addf %parallel_loop3A_811, %parallel_loop3A_313 : vector<16xf32>
      %parallel_loop3A_857 = arith.mulf %parallel_loop3A_811, %parallel_loop3A_313 : vector<16xf32>
      %parallel_loop3A_858 = vector.bitcast %parallel_loop3A_857 : vector<16xf32> to vector<16xi32>
      %parallel_loop3A_859 = arith.constant 1 : i32
      %parallel_loop3A_860 = vector.broadcast %parallel_loop3A_859 : i32 to vector<16xi32>
      %parallel_loop3A_861 = arith.shrui %parallel_loop3A_858, %parallel_loop3A_860 : vector<16xi32>
      %parallel_loop3A_862 = arith.constant 1597463007 : i32
      %parallel_loop3A_863 = vector.broadcast %parallel_loop3A_862 : i32 to vector<16xi32>
      %parallel_loop3A_864 = arith.subi %parallel_loop3A_863, %parallel_loop3A_861 : vector<16xi32>
      %parallel_loop3A_865 = vector.bitcast %parallel_loop3A_864 : vector<16xi32> to vector<16xf32>
      %parallel_loop3A_866 = arith.constant 5.000000e-01 : f32
      %parallel_loop3A_867 = vector.broadcast %parallel_loop3A_866 : f32 to vector<16xf32>
      %parallel_loop3A_868 = arith.mulf %parallel_loop3A_867, %parallel_loop3A_857 : vector<16xf32>
      %parallel_loop3A_869 = arith.mulf %parallel_loop3A_868, %parallel_loop3A_865 : vector<16xf32>
      %parallel_loop3A_870 = arith.mulf %parallel_loop3A_869, %parallel_loop3A_865 : vector<16xf32>
      %parallel_loop3A_871 = arith.constant 1.500000e+00 : f32
      %parallel_loop3A_872 = vector.broadcast %parallel_loop3A_871 : f32 to vector<16xf32>
      %parallel_loop3A_873 = arith.subf %parallel_loop3A_872, %parallel_loop3A_870 : vector<16xf32>
      %parallel_loop3A_874 = arith.mulf %parallel_loop3A_865, %parallel_loop3A_873 : vector<16xf32>
      %parallel_loop3A_875 = arith.constant 5.000000e-01 : f32
      %parallel_loop3A_876 = vector.broadcast %parallel_loop3A_875 : f32 to vector<16xf32>
      %parallel_loop3A_877 = arith.mulf %parallel_loop3A_876, %parallel_loop3A_857 : vector<16xf32>
      %parallel_loop3A_878 = arith.mulf %parallel_loop3A_877, %parallel_loop3A_874 : vector<16xf32>
      %parallel_loop3A_879 = arith.mulf %parallel_loop3A_878, %parallel_loop3A_874 : vector<16xf32>
      %parallel_loop3A_880 = arith.constant 1.500000e+00 : f32
      %parallel_loop3A_881 = vector.broadcast %parallel_loop3A_880 : f32 to vector<16xf32>
      %parallel_loop3A_882 = arith.subf %parallel_loop3A_881, %parallel_loop3A_879 : vector<16xf32>
      %parallel_loop3A_883 = arith.mulf %parallel_loop3A_874, %parallel_loop3A_882 : vector<16xf32>
      %parallel_loop3A_884 = arith.mulf %parallel_loop3A_857, %parallel_loop3A_883 : vector<16xf32>
      %parallel_loop3A_885 = arith.constant 2.000000e+00 : f32
      %parallel_loop3A_886 = vector.broadcast %parallel_loop3A_885 : f32 to vector<16xf32>
      %parallel_loop3A_887 = arith.mulf %parallel_loop3A_886, %parallel_loop3A_884 : vector<16xf32>
      %parallel_loop3A_888 = arith.subf %parallel_loop3A_856, %parallel_loop3A_887 : vector<16xf32>
      %parallel_loop3A_889 = arith.addf %parallel_loop3A_855, %parallel_loop3A_888 : vector<16xf32>
      %parallel_loop3A_890 = arith.subf %parallel_loop3A_812, %parallel_loop3A_816 : vector<16xf32>
      %parallel_loop3A_891 = arith.mulf %parallel_loop3A_890, %parallel_loop3A_890 : vector<16xf32>
      %parallel_loop3A_892 = arith.mulf %parallel_loop3A_813, %parallel_loop3A_813 : vector<16xf32>
      %parallel_loop3A_893 = arith.subf %parallel_loop3A_241, %parallel_loop3A_321 : vector<16xf32>
      %parallel_loop3A_894 = arith.subf %parallel_loop3A_281, %parallel_loop3A_329 : vector<16xf32>
      %parallel_loop3A_895 = arith.mulf %parallel_loop3A_893, %parallel_loop3A_893 : vector<16xf32>
      %parallel_loop3A_896 = arith.mulf %parallel_loop3A_894, %parallel_loop3A_894 : vector<16xf32>
      %parallel_loop3A_897 = arith.addf %parallel_loop3A_895, %parallel_loop3A_896 : vector<16xf32>
      %parallel_loop3A_898 = arith.constant 5.000000e+00 : f32
      %parallel_loop3A_899 = vector.broadcast %parallel_loop3A_898 : f32 to vector<16xf32>
      %parallel_loop3A_900 = arith.mulf %parallel_loop3A_899, %parallel_loop3A_889 : vector<16xf32>
      %parallel_loop3A_901 = arith.constant 2.000000e+00 : f32
      %parallel_loop3A_902 = vector.broadcast %parallel_loop3A_901 : f32 to vector<16xf32>
      %parallel_loop3A_903 = arith.mulf %parallel_loop3A_902, %parallel_loop3A_891 : vector<16xf32>
      %parallel_loop3A_904 = arith.addf %parallel_loop3A_900, %parallel_loop3A_903 : vector<16xf32>
      %parallel_loop3A_905 = arith.addf %parallel_loop3A_904, %parallel_loop3A_892 : vector<16xf32>
      %parallel_loop3A_906 = arith.addf %parallel_loop3A_905, %parallel_loop3A_711 : vector<16xf32>
      %parallel_loop3A_907 = arith.constant 0.000000e+00 : f32
      %parallel_loop3A_908 = vector.broadcast %parallel_loop3A_907 : f32 to vector<16xf32>
      %parallel_loop3A_909 = arith.cmpf ogt, %parallel_loop3A_321, %parallel_loop3A_908 : vector<16xf32>
      %parallel_loop3A_910 = arith.constant 5.000000e-01 : f32
      %parallel_loop3A_911 = vector.broadcast %parallel_loop3A_910 : f32 to vector<16xf32>
      %parallel_loop3A_912 = arith.mulf %parallel_loop3A_911, %parallel_loop3A_897 : vector<16xf32>
      %parallel_loop3A_913 = arith.select %parallel_loop3A_909, %parallel_loop3A_906, %parallel_loop3A_912 : vector<16xi1>, vector<16xf32>
      %parallel_loop3A_914 = arith.addf %parallel_loop3A_201, %parallel_loop3A_913 : vector<16xf32>
      scf.yield %parallel_loop3A_914 : vector<16xf32>
    } {sc.loop_unroll_factor = 2 : i64, sc.parallel_access}
    %get3A = arith.constant 0 : index
    %get3A_196 = tpu.vector_load %arg7[%get3A] {strides = array<i32>} : memref<16xf32, #tpu.memory_space<vmem>>, vector<16xf32>,
    %add3A_197 = arith.addf %get3A_196, %parallel_loop3A_195 : vector<16xf32>
    %swap3A_198 = arith.constant 0 : index
    %swap3A_199 = tpu.vector_load %arg7[%swap3A_198] {strides = array<i32>} : memref<16xf32, #tpu.memory_space<vmem>>, vector<16xf32>,
    tpu.vector_store %arg7[%swap3A_198], %add3A_197 {strides = array<i32>} : memref<16xf32, #tpu.memory_space<vmem>>, vector<16xf32>,
    "tpu.region"() ({
      %run_scoped3A = tpu.sem_alloc : memref<!tpu.dma_semaphore, #tpu.memory_space<semaphore_mem>>
      %dma_start3A_200 = arith.constant 0 : i32
      %dma_start3A_201 = tpu.memref_slice %arg4[%add3A, %dma_start3A_200] : memref<32x16xf32, #tpu.memory_space<hbm>> -> memref<1x16xf32, #tpu.memory_space<hbm>>
      %dma_start3A_202 = tpu.memref_squeeze %dma_start3A_201 : memref<1x16xf32, #tpu.memory_space<hbm>> -> memref<16xf32, #tpu.memory_space<hbm>>
      %dma_start3A_203 = arith.constant 0 : i32
      %dma_start3A_204 = tpu.memref_slice %arg4[%add3A, %dma_start3A_203] : memref<32x16xf32, #tpu.memory_space<hbm>> -> memref<1x16xf32, #tpu.memory_space<hbm>>
      %dma_start3A_205 = tpu.memref_squeeze %dma_start3A_204 : memref<1x16xf32, #tpu.memory_space<hbm>> -> memref<16xf32, #tpu.memory_space<hbm>>
      tpu.enqueue_dma source(%arg7 : memref<16xf32, #tpu.memory_space<vmem>>) target(%dma_start3A_205 : memref<16xf32, #tpu.memory_space<hbm>>) target_semaphore(%run_scoped3A : memref<!tpu.dma_semaphore, #tpu.memory_space<semaphore_mem>>)
      %dma_wait3A_206 = arith.constant 0 : i32
      %dma_wait3A_207 = tpu.memref_slice %arg4[%add3A, %dma_wait3A_206] : memref<32x16xf32, #tpu.memory_space<hbm>> -> memref<1x16xf32, #tpu.memory_space<hbm>>
      %dma_wait3A_208 = tpu.memref_squeeze %dma_wait3A_207 : memref<1x16xf32, #tpu.memory_space<hbm>> -> memref<16xf32, #tpu.memory_space<hbm>>
      %dma_wait3A_209 = arith.constant 0 : i32
      %dma_wait3A_210 = tpu.memref_slice %arg4[%add3A, %dma_wait3A_209] : memref<32x16xf32, #tpu.memory_space<hbm>> -> memref<1x16xf32, #tpu.memory_space<hbm>>
      %dma_wait3A_211 = tpu.memref_squeeze %dma_wait3A_210 : memref<1x16xf32, #tpu.memory_space<hbm>> -> memref<16xf32, #tpu.memory_space<hbm>>
      tpu.wait_dma2 semaphore(%run_scoped3A : memref<!tpu.dma_semaphore, #tpu.memory_space<semaphore_mem>>) src(%arg7 : memref<16xf32, #tpu.memory_space<vmem>>) dst(%dma_wait3A_211 : memref<16xf32, #tpu.memory_space<hbm>>)
      tpu.yield
    }) : () -> ()
    return
  }
}

module attributes {stable_mosaic.version = 14 : i64} {
  func.func @_tc_loss_kernel(%arg0: i32, %arg1: memref<1x14x30x512xf32, #tpu.memory_space<vmem>>, %arg2: memref<1x14x30x512xf32, #tpu.memory_space<vmem>>, %arg3: memref<1x1xf32, #tpu.memory_space<smem>>) attributes {dimension_semantics = [#tpu.dimension_semantics<arbitrary>], iteration_bounds = array<i64: 6>, scalar_prefetch = 0 : i64, scratch_operands = 0 : i64, tpu.core_type = #tpu.core_type<tc>, window_params = [{transform_indices = @transform_0, window_bounds = array<i64: 1, 14, 30, 512>}, {transform_indices = @transform_1, window_bounds = array<i64: 1, 14, 30, 512>}, {transform_indices = @transform_2, window_bounds = array<i64: 1, 1>}]} {
    %eq3A = arith.constant 0 : i32
    %eq3A_0 = arith.cmpi eq, %arg0, %eq3A : i32
    %convert_element_type3A = arith.extui %eq3A_0 : i1 to i32
    %cond3A = arith.constant 0 : i32
    %cond3A_1 = arith.cmpi ne, %convert_element_type3A, %cond3A : i32
    scf.if %cond3A_1 {
      %swap3A_200 = arith.constant 0.000000e+00 : f32
      %swap3A_201 = arith.constant 0 : index
      %swap3A_202 = arith.constant 0 : index
      %swap3A_203 = memref.load %arg3[%swap3A_201, %swap3A_202] : memref<1x1xf32, #tpu.memory_space<smem>>
      memref.store %swap3A_200, %arg3[%swap3A_201, %swap3A_202] : memref<1x1xf32, #tpu.memory_space<smem>>
    } else {
    }
    %get3A = arith.constant 0 : index
    %get3A_2 = arith.constant 0 : index
    %get3A_3 = arith.constant 0 : index
    %get3A_4 = arith.constant 0 : index
    %get3A_5 = vector.load %arg1[%get3A, %get3A_2, %get3A_3, %get3A_4] : memref<1x14x30x512xf32, #tpu.memory_space<vmem>>, vector<1x14x30x512xf32>
    %get3A_6 = vector.shape_cast %get3A_5 : vector<1x14x30x512xf32> to vector<14x30x512xf32>
    %get3A_7 = arith.constant 0 : index
    %get3A_8 = arith.constant 0 : index
    %get3A_9 = arith.constant 0 : index
    %get3A_10 = arith.constant 0 : index
    %get3A_11 = vector.load %arg2[%get3A_7, %get3A_8, %get3A_9, %get3A_10] : memref<1x14x30x512xf32, #tpu.memory_space<vmem>>, vector<1x14x30x512xf32>
    %get3A_12 = vector.shape_cast %get3A_11 : vector<1x14x30x512xf32> to vector<14x30x512xf32>
    %slice3A = vector.extract_strided_slice %get3A_6 {offsets = [0, 0, 0], sizes = [14, 1, 512], strides = [1, 1, 1]} : vector<14x30x512xf32> to vector<14x1x512xf32>
    %squeeze3A = vector.shape_cast %slice3A : vector<14x1x512xf32> to vector<14x512xf32>
    %slice3A_13 = vector.extract_strided_slice %get3A_6 {offsets = [0, 1, 0], sizes = [14, 1, 512], strides = [1, 1, 1]} : vector<14x30x512xf32> to vector<14x1x512xf32>
    %squeeze3A_14 = vector.shape_cast %slice3A_13 : vector<14x1x512xf32> to vector<14x512xf32>
    %slice3A_15 = vector.extract_strided_slice %get3A_6 {offsets = [0, 2, 0], sizes = [14, 1, 512], strides = [1, 1, 1]} : vector<14x30x512xf32> to vector<14x1x512xf32>
    %squeeze3A_16 = vector.shape_cast %slice3A_15 : vector<14x1x512xf32> to vector<14x512xf32>
    %slice3A_17 = vector.extract_strided_slice %get3A_6 {offsets = [0, 3, 0], sizes = [14, 1, 512], strides = [1, 1, 1]} : vector<14x30x512xf32> to vector<14x1x512xf32>
    %squeeze3A_18 = vector.shape_cast %slice3A_17 : vector<14x1x512xf32> to vector<14x512xf32>
    %slice3A_19 = vector.extract_strided_slice %get3A_6 {offsets = [0, 4, 0], sizes = [14, 1, 512], strides = [1, 1, 1]} : vector<14x30x512xf32> to vector<14x1x512xf32>
    %squeeze3A_20 = vector.shape_cast %slice3A_19 : vector<14x1x512xf32> to vector<14x512xf32>
    %slice3A_21 = vector.extract_strided_slice %get3A_6 {offsets = [0, 5, 0], sizes = [14, 1, 512], strides = [1, 1, 1]} : vector<14x30x512xf32> to vector<14x1x512xf32>
    %squeeze3A_22 = vector.shape_cast %slice3A_21 : vector<14x1x512xf32> to vector<14x512xf32>
    %slice3A_23 = vector.extract_strided_slice %get3A_6 {offsets = [0, 6, 0], sizes = [14, 1, 512], strides = [1, 1, 1]} : vector<14x30x512xf32> to vector<14x1x512xf32>
    %squeeze3A_24 = vector.shape_cast %slice3A_23 : vector<14x1x512xf32> to vector<14x512xf32>
    %slice3A_25 = vector.extract_strided_slice %get3A_6 {offsets = [0, 7, 0], sizes = [14, 1, 512], strides = [1, 1, 1]} : vector<14x30x512xf32> to vector<14x1x512xf32>
    %squeeze3A_26 = vector.shape_cast %slice3A_25 : vector<14x1x512xf32> to vector<14x512xf32>
    %slice3A_27 = vector.extract_strided_slice %get3A_6 {offsets = [0, 8, 0], sizes = [14, 1, 512], strides = [1, 1, 1]} : vector<14x30x512xf32> to vector<14x1x512xf32>
    %squeeze3A_28 = vector.shape_cast %slice3A_27 : vector<14x1x512xf32> to vector<14x512xf32>
    %slice3A_29 = vector.extract_strided_slice %get3A_6 {offsets = [0, 9, 0], sizes = [14, 1, 512], strides = [1, 1, 1]} : vector<14x30x512xf32> to vector<14x1x512xf32>
    %squeeze3A_30 = vector.shape_cast %slice3A_29 : vector<14x1x512xf32> to vector<14x512xf32>
    %slice3A_31 = vector.extract_strided_slice %get3A_12 {offsets = [0, 0, 0], sizes = [14, 1, 512], strides = [1, 1, 1]} : vector<14x30x512xf32> to vector<14x1x512xf32>
    %squeeze3A_32 = vector.shape_cast %slice3A_31 : vector<14x1x512xf32> to vector<14x512xf32>
    %slice3A_33 = vector.extract_strided_slice %get3A_12 {offsets = [0, 1, 0], sizes = [14, 1, 512], strides = [1, 1, 1]} : vector<14x30x512xf32> to vector<14x1x512xf32>
    %squeeze3A_34 = vector.shape_cast %slice3A_33 : vector<14x1x512xf32> to vector<14x512xf32>
    %slice3A_35 = vector.extract_strided_slice %get3A_12 {offsets = [0, 2, 0], sizes = [14, 1, 512], strides = [1, 1, 1]} : vector<14x30x512xf32> to vector<14x1x512xf32>
    %squeeze3A_36 = vector.shape_cast %slice3A_35 : vector<14x1x512xf32> to vector<14x512xf32>
    %slice3A_37 = vector.extract_strided_slice %get3A_12 {offsets = [0, 3, 0], sizes = [14, 1, 512], strides = [1, 1, 1]} : vector<14x30x512xf32> to vector<14x1x512xf32>
    %squeeze3A_38 = vector.shape_cast %slice3A_37 : vector<14x1x512xf32> to vector<14x512xf32>
    %slice3A_39 = vector.extract_strided_slice %get3A_12 {offsets = [0, 4, 0], sizes = [14, 1, 512], strides = [1, 1, 1]} : vector<14x30x512xf32> to vector<14x1x512xf32>
    %squeeze3A_40 = vector.shape_cast %slice3A_39 : vector<14x1x512xf32> to vector<14x512xf32>
    %slice3A_41 = vector.extract_strided_slice %get3A_12 {offsets = [0, 9, 0], sizes = [14, 1, 512], strides = [1, 1, 1]} : vector<14x30x512xf32> to vector<14x1x512xf32>
    %squeeze3A_42 = vector.shape_cast %slice3A_41 : vector<14x1x512xf32> to vector<14x512xf32>
    %slice3A_43 = vector.extract_strided_slice %get3A_6 {offsets = [0, 10, 0], sizes = [14, 20, 512], strides = [1, 1, 1]} : vector<14x30x512xf32> to vector<14x20x512xf32>
    %slice3A_44 = vector.extract_strided_slice %get3A_12 {offsets = [0, 10, 0], sizes = [14, 20, 512], strides = [1, 1, 1]} : vector<14x30x512xf32> to vector<14x20x512xf32>
    %sub3A = arith.subf %slice3A_43, %slice3A_44 : vector<14x20x512xf32>
    %mul3A = arith.mulf %sub3A, %sub3A : vector<14x20x512xf32>
    %reduce_sum3A = arith.constant dense<0.000000e+00> : vector<14x512xf32>
    %reduce_sum3A_45 = vector.multi_reduction <add>, %mul3A, %reduce_sum3A [1] : vector<14x20x512xf32> to vector<14x512xf32>
    %mul3A_46 = arith.constant 7.000000e+00 : f32
    %mul3A_47 = vector.broadcast %mul3A_46 : f32 to vector<14x512xf32>
    %mul3A_48 = arith.mulf %mul3A_47, %squeeze3A_36 : vector<14x512xf32>
    %sub3A_49 = arith.subf %squeeze3A_32, %mul3A_48 : vector<14x512xf32>
    %mul3A_50 = arith.constant 7.000000e+00 : f32
    %mul3A_51 = vector.broadcast %mul3A_50 : f32 to vector<14x512xf32>
    %mul3A_52 = arith.mulf %mul3A_51, %squeeze3A_36 : vector<14x512xf32>
    %add3A = arith.addf %squeeze3A_32, %mul3A_52 : vector<14x512xf32>
    %mul3A_53 = arith.constant 7.000000e+00 : f32
    %mul3A_54 = vector.broadcast %mul3A_53 : f32 to vector<14x512xf32>
    %mul3A_55 = arith.mulf %mul3A_54, %squeeze3A_38 : vector<14x512xf32>
    %sub3A_56 = arith.subf %squeeze3A_34, %mul3A_55 : vector<14x512xf32>
    %mul3A_57 = arith.constant 7.000000e+00 : f32
    %mul3A_58 = vector.broadcast %mul3A_57 : f32 to vector<14x512xf32>
    %mul3A_59 = arith.mulf %mul3A_58, %squeeze3A_38 : vector<14x512xf32>
    %add3A_60 = arith.addf %squeeze3A_34, %mul3A_59 : vector<14x512xf32>
    %sub3A_61 = arith.subf %add3A, %sub3A_49 : vector<14x512xf32>
    %sub3A_62 = arith.subf %add3A_60, %sub3A_56 : vector<14x512xf32>
    %mul3A_63 = arith.mulf %sub3A_61, %sub3A_62 : vector<14x512xf32>
    %mul3A_64 = arith.constant 7.000000e+00 : f32
    %mul3A_65 = vector.broadcast %mul3A_64 : f32 to vector<14x512xf32>
    %mul3A_66 = arith.mulf %mul3A_65, %squeeze3A_16 : vector<14x512xf32>
    %sub3A_67 = arith.subf %squeeze3A, %mul3A_66 : vector<14x512xf32>
    %mul3A_68 = arith.constant 7.000000e+00 : f32
    %mul3A_69 = vector.broadcast %mul3A_68 : f32 to vector<14x512xf32>
    %mul3A_70 = arith.mulf %mul3A_69, %squeeze3A_16 : vector<14x512xf32>
    %add3A_71 = arith.addf %squeeze3A, %mul3A_70 : vector<14x512xf32>
    %mul3A_72 = arith.constant 7.000000e+00 : f32
    %mul3A_73 = vector.broadcast %mul3A_72 : f32 to vector<14x512xf32>
    %mul3A_74 = arith.mulf %mul3A_73, %squeeze3A_18 : vector<14x512xf32>
    %sub3A_75 = arith.subf %squeeze3A_14, %mul3A_74 : vector<14x512xf32>
    %mul3A_76 = arith.constant 7.000000e+00 : f32
    %mul3A_77 = vector.broadcast %mul3A_76 : f32 to vector<14x512xf32>
    %mul3A_78 = arith.mulf %mul3A_77, %squeeze3A_18 : vector<14x512xf32>
    %add3A_79 = arith.addf %squeeze3A_14, %mul3A_78 : vector<14x512xf32>
    %min3A = arith.minimumf %add3A_71, %add3A : vector<14x512xf32>
    %max3A = arith.maximumf %sub3A_67, %sub3A_49 : vector<14x512xf32>
    %sub3A_80 = arith.subf %min3A, %max3A : vector<14x512xf32>
    %max3A_81 = arith.constant 0.000000e+00 : f32
    %max3A_82 = vector.broadcast %max3A_81 : f32 to vector<14x512xf32>
    %max3A_83 = arith.maximumf %sub3A_80, %max3A_82 : vector<14x512xf32>
    %min3A_84 = arith.minimumf %add3A_79, %add3A_60 : vector<14x512xf32>
    %max3A_85 = arith.maximumf %sub3A_75, %sub3A_56 : vector<14x512xf32>
    %sub3A_86 = arith.subf %min3A_84, %max3A_85 : vector<14x512xf32>
    %max3A_87 = arith.constant 0.000000e+00 : f32
    %max3A_88 = vector.broadcast %max3A_87 : f32 to vector<14x512xf32>
    %max3A_89 = arith.maximumf %sub3A_86, %max3A_88 : vector<14x512xf32>
    %mul3A_90 = arith.mulf %max3A_83, %max3A_89 : vector<14x512xf32>
    %sub3A_91 = arith.subf %add3A_71, %sub3A_67 : vector<14x512xf32>
    %sub3A_92 = arith.subf %add3A_79, %sub3A_75 : vector<14x512xf32>
    %mul3A_93 = arith.mulf %sub3A_91, %sub3A_92 : vector<14x512xf32>
    %add3A_94 = arith.addf %mul3A_93, %mul3A_63 : vector<14x512xf32>
    %sub3A_95 = arith.subf %add3A_94, %mul3A_90 : vector<14x512xf32>
    %add3A_96 = arith.constant 1.000000e-10 : f32
    %add3A_97 = vector.broadcast %add3A_96 : f32 to vector<14x512xf32>
    %add3A_98 = arith.addf %sub3A_95, %add3A_97 : vector<14x512xf32>
    %mul3A_99 = arith.constant 7.000000e+00 : f32
    %mul3A_100 = vector.broadcast %mul3A_99 : f32 to vector<14x512xf32>
    %mul3A_101 = arith.mulf %mul3A_100, %squeeze3A_26 : vector<14x512xf32>
    %sub3A_102 = arith.subf %squeeze3A_22, %mul3A_101 : vector<14x512xf32>
    %mul3A_103 = arith.constant 7.000000e+00 : f32
    %mul3A_104 = vector.broadcast %mul3A_103 : f32 to vector<14x512xf32>
    %mul3A_105 = arith.mulf %mul3A_104, %squeeze3A_26 : vector<14x512xf32>
    %add3A_106 = arith.addf %squeeze3A_22, %mul3A_105 : vector<14x512xf32>
    %mul3A_107 = arith.constant 7.000000e+00 : f32
    %mul3A_108 = vector.broadcast %mul3A_107 : f32 to vector<14x512xf32>
    %mul3A_109 = arith.mulf %mul3A_108, %squeeze3A_28 : vector<14x512xf32>
    %sub3A_110 = arith.subf %squeeze3A_24, %mul3A_109 : vector<14x512xf32>
    %mul3A_111 = arith.constant 7.000000e+00 : f32
    %mul3A_112 = vector.broadcast %mul3A_111 : f32 to vector<14x512xf32>
    %mul3A_113 = arith.mulf %mul3A_112, %squeeze3A_28 : vector<14x512xf32>
    %add3A_114 = arith.addf %squeeze3A_24, %mul3A_113 : vector<14x512xf32>
    %min3A_115 = arith.minimumf %add3A_106, %add3A : vector<14x512xf32>
    %max3A_116 = arith.maximumf %sub3A_102, %sub3A_49 : vector<14x512xf32>
    %sub3A_117 = arith.subf %min3A_115, %max3A_116 : vector<14x512xf32>
    %max3A_118 = arith.constant 0.000000e+00 : f32
    %max3A_119 = vector.broadcast %max3A_118 : f32 to vector<14x512xf32>
    %max3A_120 = arith.maximumf %sub3A_117, %max3A_119 : vector<14x512xf32>
    %min3A_121 = arith.minimumf %add3A_114, %add3A_60 : vector<14x512xf32>
    %max3A_122 = arith.maximumf %sub3A_110, %sub3A_56 : vector<14x512xf32>
    %sub3A_123 = arith.subf %min3A_121, %max3A_122 : vector<14x512xf32>
    %max3A_124 = arith.constant 0.000000e+00 : f32
    %max3A_125 = vector.broadcast %max3A_124 : f32 to vector<14x512xf32>
    %max3A_126 = arith.maximumf %sub3A_123, %max3A_125 : vector<14x512xf32>
    %mul3A_127 = arith.mulf %max3A_120, %max3A_126 : vector<14x512xf32>
    %sub3A_128 = arith.subf %add3A_106, %sub3A_102 : vector<14x512xf32>
    %sub3A_129 = arith.subf %add3A_114, %sub3A_110 : vector<14x512xf32>
    %mul3A_130 = arith.mulf %sub3A_128, %sub3A_129 : vector<14x512xf32>
    %add3A_131 = arith.addf %mul3A_130, %mul3A_63 : vector<14x512xf32>
    %sub3A_132 = arith.subf %add3A_131, %mul3A_127 : vector<14x512xf32>
    %add3A_133 = arith.constant 1.000000e-10 : f32
    %add3A_134 = vector.broadcast %add3A_133 : f32 to vector<14x512xf32>
    %add3A_135 = arith.addf %sub3A_132, %add3A_134 : vector<14x512xf32>
    %mul3A_136 = arith.mulf %mul3A_127, %add3A_98 : vector<14x512xf32>
    %mul3A_137 = arith.mulf %mul3A_90, %add3A_135 : vector<14x512xf32>
    %gt3A = arith.cmpf ogt, %mul3A_136, %mul3A_137 : vector<14x512xf32>
    %select_n3A = arith.select %gt3A, %squeeze3A_22, %squeeze3A : vector<14x512xi1>, vector<14x512xf32>
    %select_n3A_138 = arith.select %gt3A, %squeeze3A_24, %squeeze3A_14 : vector<14x512xi1>, vector<14x512xf32>
    %select_n3A_139 = arith.select %gt3A, %squeeze3A_26, %squeeze3A_16 : vector<14x512xi1>, vector<14x512xf32>
    %select_n3A_140 = arith.select %gt3A, %squeeze3A_28, %squeeze3A_18 : vector<14x512xi1>, vector<14x512xf32>
    %select_n3A_141 = arith.select %gt3A, %squeeze3A_30, %squeeze3A_20 : vector<14x512xi1>, vector<14x512xf32>
    %select_n3A_142 = arith.select %gt3A, %squeeze3A_20, %squeeze3A_30 : vector<14x512xi1>, vector<14x512xf32>
    %select_n3A_143 = arith.select %gt3A, %mul3A_127, %mul3A_90 : vector<14x512xi1>, vector<14x512xf32>
    %select_n3A_144 = arith.select %gt3A, %add3A_135, %add3A_98 : vector<14x512xi1>, vector<14x512xf32>
    %div3A = arith.divf %select_n3A_143, %select_n3A_144 : vector<14x512xf32>
    %sub3A_145 = arith.subf %select_n3A, %squeeze3A_32 : vector<14x512xf32>
    %sub3A_146 = arith.subf %select_n3A_138, %squeeze3A_34 : vector<14x512xf32>
    %mul3A_147 = arith.mulf %sub3A_145, %sub3A_145 : vector<14x512xf32>
    %mul3A_148 = arith.mulf %sub3A_146, %sub3A_146 : vector<14x512xf32>
    %add3A_149 = arith.addf %mul3A_147, %mul3A_148 : vector<14x512xf32>
    %add3A_150 = arith.addf %select_n3A_139, %squeeze3A_36 : vector<14x512xf32>
    %mul3A_151 = arith.mulf %select_n3A_139, %squeeze3A_36 : vector<14x512xf32>
    %sqrt3A = math.sqrt %mul3A_151 : vector<14x512xf32>
    %mul3A_152 = arith.constant 2.000000e+00 : f32
    %mul3A_153 = vector.broadcast %mul3A_152 : f32 to vector<14x512xf32>
    %mul3A_154 = arith.mulf %mul3A_153, %sqrt3A : vector<14x512xf32>
    %sub3A_155 = arith.subf %add3A_150, %mul3A_154 : vector<14x512xf32>
    %add3A_156 = arith.addf %add3A_149, %sub3A_155 : vector<14x512xf32>
    %add3A_157 = arith.addf %select_n3A_140, %squeeze3A_38 : vector<14x512xf32>
    %mul3A_158 = arith.mulf %select_n3A_140, %squeeze3A_38 : vector<14x512xf32>
    %sqrt3A_159 = math.sqrt %mul3A_158 : vector<14x512xf32>
    %mul3A_160 = arith.constant 2.000000e+00 : f32
    %mul3A_161 = vector.broadcast %mul3A_160 : f32 to vector<14x512xf32>
    %mul3A_162 = arith.mulf %mul3A_161, %sqrt3A_159 : vector<14x512xf32>
    %sub3A_163 = arith.subf %add3A_157, %mul3A_162 : vector<14x512xf32>
    %add3A_164 = arith.addf %add3A_156, %sub3A_163 : vector<14x512xf32>
    %sub3A_165 = arith.subf %select_n3A_141, %div3A : vector<14x512xf32>
    %mul3A_166 = arith.mulf %sub3A_165, %sub3A_165 : vector<14x512xf32>
    %mul3A_167 = arith.mulf %select_n3A_142, %select_n3A_142 : vector<14x512xf32>
    %sub3A_168 = arith.subf %squeeze3A_20, %squeeze3A_40 : vector<14x512xf32>
    %sub3A_169 = arith.subf %squeeze3A_30, %squeeze3A_42 : vector<14x512xf32>
    %mul3A_170 = arith.mulf %sub3A_168, %sub3A_168 : vector<14x512xf32>
    %mul3A_171 = arith.mulf %sub3A_169, %sub3A_169 : vector<14x512xf32>
    %add3A_172 = arith.addf %mul3A_170, %mul3A_171 : vector<14x512xf32>
    %mul3A_173 = arith.constant 5.000000e+00 : f32
    %mul3A_174 = vector.broadcast %mul3A_173 : f32 to vector<14x512xf32>
    %mul3A_175 = arith.mulf %mul3A_174, %add3A_164 : vector<14x512xf32>
    %mul3A_176 = arith.constant 2.000000e+00 : f32
    %mul3A_177 = vector.broadcast %mul3A_176 : f32 to vector<14x512xf32>
    %mul3A_178 = arith.mulf %mul3A_177, %mul3A_166 : vector<14x512xf32>
    %add3A_179 = arith.addf %mul3A_175, %mul3A_178 : vector<14x512xf32>
    %add3A_180 = arith.addf %add3A_179, %mul3A_167 : vector<14x512xf32>
    %add3A_181 = arith.addf %add3A_180, %reduce_sum3A_45 : vector<14x512xf32>
    %gt3A_182 = arith.constant 0.000000e+00 : f32
    %gt3A_183 = vector.broadcast %gt3A_182 : f32 to vector<14x512xf32>
    %gt3A_184 = arith.cmpf ogt, %squeeze3A_40, %gt3A_183 : vector<14x512xf32>
    %mul3A_185 = arith.constant 5.000000e-01 : f32
    %mul3A_186 = vector.broadcast %mul3A_185 : f32 to vector<14x512xf32>
    %mul3A_187 = arith.mulf %mul3A_186, %add3A_172 : vector<14x512xf32>
    %select_n3A_188 = arith.select %gt3A_184, %add3A_181, %mul3A_187 : vector<14x512xi1>, vector<14x512xf32>
    %get3A_189 = arith.constant 0 : index
    %get3A_190 = arith.constant 0 : index
    %get3A_191 = memref.load %arg3[%get3A_189, %get3A_190] : memref<1x1xf32, #tpu.memory_space<smem>>
    %reduce_sum3A_192 = vector.shape_cast %select_n3A_188 : vector<14x512xf32> to vector<1x14x512xf32>
    %reduce_sum3A_193 = arith.constant dense<0.000000e+00> : vector<1xf32>
    %reduce_sum3A_194 = vector.multi_reduction <add>, %reduce_sum3A_192, %reduce_sum3A_193 [1, 2] : vector<1x14x512xf32> to vector<1xf32>
    %reduce_sum3A_195 = vector.shape_cast %reduce_sum3A_194 : vector<1xf32> to vector<1x1x1xf32>
    %reduce_sum3A_196 = vector.extract %reduce_sum3A_195[0, 0, 0] : f32 from vector<1x1x1xf32>
    %add3A_197 = arith.addf %get3A_191, %reduce_sum3A_196 : f32
    %swap3A = arith.constant 0 : index
    %swap3A_198 = arith.constant 0 : index
    %swap3A_199 = memref.load %arg3[%swap3A, %swap3A_198] : memref<1x1xf32, #tpu.memory_space<smem>>
    memref.store %add3A_197, %arg3[%swap3A, %swap3A_198] : memref<1x1xf32, #tpu.memory_space<smem>>
    return
  }
  func.func @transform_0(%arg0: i32) -> (i32, i32, i32, i32) {
    %c0_i32 = arith.constant 0 : i32
    %c0_i32_0 = arith.constant 0 : i32
    %c0_i32_1 = arith.constant 0 : i32
    %c0_i32_2 = arith.constant 0 : i32
    return %arg0, %c0_i32, %c0_i32_0, %c0_i32_1 : i32, i32, i32, i32
  }
  func.func @transform_1(%arg0: i32) -> (i32, i32, i32, i32) {
    %c0_i32 = arith.constant 0 : i32
    %c0_i32_0 = arith.constant 0 : i32
    %c0_i32_1 = arith.constant 0 : i32
    %c0_i32_2 = arith.constant 0 : i32
    return %arg0, %c0_i32, %c0_i32_0, %c0_i32_1 : i32, i32, i32, i32
  }
  func.func @transform_2(%arg0: i32) -> (i32, i32) {
    %c0_i32 = arith.constant 0 : i32
    %c0_i32_0 = arith.constant 0 : i32
    %c0_i32_1 = arith.constant 0 : i32
    return %c0_i32, %c0_i32_0 : i32, i32
  }
}

</mosaic_0001>

<sc_bundles>
// kernel: kernel.4.cloned.1.call-start
scs
__scs_entry_jumppad:
0x0: {  	(pc) =	sbr.rel $0x88, $3  }
0x1: {  	(tag) =	ssettag $0x0;
	lr =	simm.s32 $0x1  }
0x2: {  	[smem:$0x3F9F] =	sst lr;
	_ =	strace $0xD0000000  }
0x3: {  	_ = 	snop  }
0x4: {  	_ = 	snop  }
0x5: {  	_ = 	snop  }
0x6: {  	_ = 	snop  }
0x7: {  	_ = 	snop  }
__scs_overlays_trampoline_lowered:
0x8: {  	[smem:$0x3FAE] =	sst s0  }
0x9: {  	[smem:$0x3FAF] =	sst s1  }
0xa: {  	[smem:$0x3FB0] =	sst s2  }
0xb: {  	[smem:$0x3FB1] =	sst s3  }
0xc: {  	[smem:$0x3FB2] =	sst s4  }
0xd: {  	[smem:$0x3FB3] =	sst s5  }
0xe: {  	[smem:$0x3FB4] =	sst s6  }
0xf: {  	[smem:$0x3FB5] =	sst s7  }
0x10: {  	[smem:$0x3FB6] =	sst s8  }
0x11: {  	[smem:$0x3FB7] =	sst s9;
	s0 =	simm.s32 @!p0 $0x0  }
0x12: {  	s1 =	sld [smem:$0x3F9D];
	s0 =	simm.s32 @p0 $0x1  }
0x13: {  	[smem:$0x3FB8] =	sst s0;
	s0 =	simm.s32 @!p1 $0x0  }
0x14: {  	s2 =	sld [smem:$0x3F9C];
	s0 =	simm.s32 @p1 $0x1  }
0x15: {  	[smem:$0x3FB9] =	sst s0;
	s0 =	simm.s32 @!p2 $0x0  }
0x16: {  	s3 =	sld [smem:$0x3FDB];
	s0 =	simm.s32 @p2 $0x1  }
0x17: {  	s4 =	simm.s32 $0x1BF5;
	[smem:$0x3FBB] =	sst s0  }
0x18: {  	s0 =	sld [smem:$0x3F9E];
	_ =	swait.ge [sflag:s4], $0x0  }
0x19: {  	s7 =	sld [smem:$0x3F9F]  }
0x1a: {  	s8 =	sadd.s32 $0xFFFFE003, lr  }
0x1b: {  	s9 =	sadd.s32 $0xFFFFFEF7, lr;
	s5 =	simm.s32 $0xFFFFFFFF;
	p2 =	slt.u32 s8, $0xFFFFF086  }
0x1c: {  	p1 =	slt.u32 s9, $0xF7A;
	s5 =	simm.s32 @!p2 $0x0  }
0x1d: {  	s5 =	simm.s32 @p1 $0x1;
	p0 =	seq.s32 s7, s2  }
0x1e: {  	s7 =	smul.u32 @!p0 $0xF7A, s2;
	p2 =	seq.s32 @!p0 s5, $0x0  }
0x1f: {  	s9 =	smul.u32 $0xF7A, s1;
	s8 =	simm.s32 @!p0 $0x1BF5;
	p2 =	por !p2, p0  }
0x20: {  	[sflag:s8] =	ssyncset.s32 @!p0 $0xFFFFF086;
	s6 =	sadd.s32 @!p0 s3, s7;
	s7 =	simm.s32 @!p0 $0x108  }
0x21: {  	s3 =	sadd.s32 s3, s9;
	s6 =	sadd.s32 @!p0 $0x88, s6;
	s7 =	simm.s32 @p2 $0x1082  }
0x22: {  	[simem:s7], [sflag:s8] =	dma.local @!p0 [hbm:s6], $0xF7A  }
0x23: {  	s9 =	sor.u32 $0xD0000000, s2;
	s6 =	simm.s32 $0x108;
	_ =	swait.ge @!p0 [sflag:s8], $0x0  }
0x24: {  	s3 =	sadd.s32 $0x88, s3;
	s6 =	simm.s32 @!p1 $0x1082;
	[sflag:s4] =	ssyncset.s32 $0xFFFFF086  }
0x25: {  	[simem:s6], [sflag:s4] =	dma.local [hbm:s3], $0xF7A  }
0x26: {  	[smem:$0x3F9F] =	sst s1;
	(tag) =	ssettag s2;
	_ =	strace s9  }
0x27: {  	s1 =	sld [smem:$0x3FAF]  }
0x28: {  	s2 =	sld [smem:$0x3FB0]  }
0x29: {  	s4 =	sld [smem:$0x3FB2]  }
0x2a: {  	p0 =	seq.s32 s5, $0x0;
	s5 =	sld [smem:$0x3FB3]  }
0x2b: {  	s6 =	sld [smem:$0x3FB4]  }
0x2c: {  	s7 =	sld [smem:$0x3FB5]  }
0x2d: {  	s3 =	simm.s32 $0x108;
	s8 =	sld [smem:$0x3FB6]  }
0x2e: {  	s3 =	simm.s32 @!p0 $0x1082;
	s9 =	sld [smem:$0x3FB7]  }
0x2f: {  	lr =	sadd.s32 s0, s3;
	s0 =	sld [smem:$0x3FAE]  }
0x30: {  	s3 =	sld [smem:$0x3FB1]  }
0x31: {  	[smem:$0x3FBA] =	sst s10  }
0x32: {  	s10 =	sld [smem:$0x3FB8];
	_ =	sdelay $0x3  }
0x33: {  	p0 =	seq.s32 s10, $0x1;
	s10 =	sld [smem:$0x3FBA];
	_ =	sdelay $0x3  }
0x34: {  	[smem:$0x3FBA] =	sst s10  }
0x35: {  	s10 =	sld [smem:$0x3FB9];
	_ =	sdelay $0x3  }
0x36: {  	p1 =	seq.s32 s10, $0x1;
	s10 =	sld [smem:$0x3FBA];
	_ =	sdelay $0x3  }
0x37: {  	[smem:$0x3FBA] =	sst s10  }
0x38: {  	s10 =	sld [smem:$0x3FBB]  }
0x39: {  	_ = 	snop;
	(pc) =	sbr.ind lr, $3  }
0x3a: {  	_ = 	snop  }
0x3b: {  	_ = 	snop  }
0x3c: {  	p2 =	seq.s32 s10, $0x1;
	s10 =	sld [smem:$0x3FBA]  }
0x3d: {  	_ =	shalt  }
0x3e: {  	_ =	shalt  }
0x3f: {  	_ =	shalt  }
0x40: {  	_ =	shalt  }
0x41: {  	_ =	shalt  }
0x42: {  	_ =	shalt  }
0x43: {  	_ =	shalt  }
0x44: {  	_ =	shalt  }
0x45: {  	_ =	shalt  }
0x46: {  	_ =	shalt  }
0x47: {  	_ =	shalt  }
0x48: {  	_ =	shalt  }
0x49: {  	_ =	shalt  }
0x4a: {  	_ =	shalt  }
0x4b: {  	_ =	shalt  }
0x4c: {  	_ =	shalt  }
0x4d: {  	_ =	shalt  }
0x4e: {  	_ =	shalt  }
0x4f: {  	_ =	shalt  }
0x50: {  	_ =	shalt  }
0x51: {  	_ =	shalt  }
0x52: {  	_ =	shalt  }
0x53: {  	_ =	shalt  }
0x54: {  	_ =	shalt  }
0x55: {  	_ =	shalt  }
0x56: {  	_ =	shalt  }
0x57: {  	_ =	shalt  }
0x58: {  	_ =	shalt  }
0x59: {  	_ =	shalt  }
0x5a: {  	_ =	shalt  }
0x5b: {  	_ =	shalt  }
0x5c: {  	_ =	shalt  }
0x5d: {  	_ =	shalt  }
0x5e: {  	_ =	shalt  }
0x5f: {  	_ =	shalt  }
0x60: {  	_ =	shalt  }
0x61: {  	_ =	shalt  }
0x62: {  	_ =	shalt  }
0x63: {  	_ =	shalt  }
0x64: {  	_ =	shalt  }
0x65: {  	_ =	shalt  }
0x66: {  	_ =	shalt  }
0x67: {  	_ =	shalt  }
0x68: {  	_ =	shalt  }
0x69: {  	_ =	shalt  }
0x6a: {  	_ =	shalt  }
0x6b: {  	_ =	shalt  }
0x6c: {  	_ =	shalt  }
0x6d: {  	_ =	shalt  }
0x6e: {  	_ =	shalt  }
0x6f: {  	_ =	shalt  }
0x70: {  	_ =	shalt  }
0x71: {  	_ =	shalt  }
0x72: {  	_ =	shalt  }
0x73: {  	_ =	shalt  }
0x74: {  	_ =	shalt  }
0x75: {  	_ =	shalt  }
0x76: {  	_ =	shalt  }
0x77: {  	_ =	shalt  }
0x78: {  	_ =	shalt  }
0x79: {  	_ =	shalt  }
0x7a: {  	_ =	shalt  }
0x7b: {  	_ =	shalt  }
0x7c: {  	_ =	shalt  }
0x7d: {  	_ =	shalt  }
0x7e: {  	_ =	shalt  }
0x7f: {  	_ =	shalt  }
0x80: {  	_ =	shalt  }
0x81: {  	_ =	shalt  }
0x82: {  	_ =	shalt  }
0x83: {  	_ =	shalt  }
0x84: {  	_ =	shalt  }
0x85: {  	_ =	shalt  }
0x86: {  	_ =	shalt  }
0x87: {  	_ =	shalt  }
.Lfunc_end0:
.L_simem_size_0:
called_computation_lowered:
.L_overlay_start_0:
0x88: {  	s2 =	sld [smem:$0x3FD9]  }
0x89: {  	s3 =	sld [smem:$0x3FFE];
	_ =	sdelay $0x1  }
0x8a: {  	s1 =	srdreg.scid  }
0x8b: {  	s0 =	sand.u32 $0x1, s1  }
0x8c: {  	s17 =	sshll.u32 s0, $0xA;
	s2 =	sadd.s32 s3, s2  }
0x8d: {  	s2 =	sadd.s32 s2, s17  }
0x8e: {  	[smem:$0x3FC6] =	sst s2  }
0x8f: {  	_ = 	snop  }
0x90: {  	s2 =	sld [smem:$0x3FC9]  }
0x91: {  	s18 =	sld [smem:$0x3FC8];
	(tm) =	ssettm $0x1  }
0x92: {  	s4 =	sld [smem:$0x3FFB];
	_ =	sdelay $0x3  }
0x93: {  	_ =	strace s4  }
0x94: {  	s4 =	sld [smem:$0x3FFC];
	_ =	sdelay $0x3  }
0x95: {  	_ =	strace s4  }
0x96: {  	s4 =	sld [smem:$0x3FFD];
	_ =	sdelay $0x3  }
0x97: {  	_ =	strace s4  }
0x98: {  	_ =	strace $0x8FFFFFFF  }
0x99: {  	s19 =	sld [smem:$0x3FDB];
	_ =	sdelay $0x1  }
0x9a: {  	s5 =	simm.s32 $_scs_section_size  }
0x9b: {  	s6 =	simm.s32 $_size__tile_overlayer_lowered;
	s7 =	simm.s32 $_tile_overlayer_lowered  }
0x9c: {  	s22 =	simm.s32 $0x1BFF;
	s21 =	sshll.u32 s7, $0x1;
	s4 =	sadd.s32 s5, s19  }
0x9d: {  	s8 =	simm.s32 $0x0;
	s20 =	sshll.u32 s6, $0x1;
	s6 =	sadd.s32 s21, s4  }
0x9e: {  	[timem:s8], [sflag:s22] =	dma.local [hbm:s6], s20  }
0x9f: {  	_ =	swait.ge [sflag:s22], s20  }
0xa0: {  	s5 =	ssub.s32 $0x0, s20;
	[sflag:s22] =	ssyncset.done $0x0  }
0xa1: {  	[sflag:s22] =	ssyncadd.s32 s5;
	_ =	sdelay $0x1  }
0xa2: {  	s23 =	simm.s32 $0x1B8B  }
0xa3: {  	_ =	swait.ge [sflag:s23], $0x1  }
0xa4: {  	[sflag:s23] =	ssyncset.done $0x0  }
0xa5: {  	s25 =	simm.s32 $0x1B8E;
	s24 =	sld [smem:$0x3FFE];
	[sflag:s23] =	ssyncadd.s32 $0xFFFFFFFF  }
0xa6: {  	s26 =	simm.s32 $execute0_lowered;
	[smem:$0x3FD2] =	sst s25  }
0xa7: {  	s6 =	sshll.u32 s26, $0x1;
	_ =	strace $0x80000046;
	[dreg:$0x1] =	wrdreg $0xFFFFFFFF  }
0xa8: {  	s28 =	simm.s32 $_size_execute0_lowered;
	s4 =	sadd.s32 s4, s6;
	[dreg:$0x0] =	wrdreg $0x0  }
0xa9: {  	s6 =	sshll.u32 s28, $0x1;
	[dreg:$0x2] =	wrdreg s4  }
0xaa: {  	[dreg:$0x3] =	wrdreg s6  }
0xab: {  	[dreg:$0x4] =	wrdreg $0xC0  }
0xac: {  	_ =	task [dreg:s8], $0x5FFFF  }
0xad: {  	[dreg:$0x1] =	wrdreg $0xFFFFFFFF  }
0xae: {  	[dreg:$0x0] =	wrdreg $0x60  }
0xaf: {  	[dreg:$0x2] =	wrdreg s2  }
0xb0: {  	[dreg:$0x3] =	wrdreg s18  }
0xb1: {  	[dreg:$0x4] =	wrdreg s24  }
0xb2: {  	[dreg:$0x5] =	wrdreg $0x9  }
0xb3: {  	_ =	task.clear_ibuf [dreg:s8], $0x6FFFF;
	_ =	strace $0x90000046  }
0xb4: {  	s29 =	simm.s32 $0x9;
	_ =	strace $0x80000048  }
0xb5: {  	_ =	swait.ge [sflag:s29], $0x1  }
0xb6: {  	[sflag:s29] =	ssyncadd.s32 $0xFFFFFFFF  }
0xb7: {  	_ =	strace $0x90000048  }
0xb8: {  	_ =	sfence  }
0xb9: {  	s30 =	sld [smem:$0x0];
	_ =	sdelay $0x2  }
0xba: {  	s31 =	sshll.u32 s1, $0xD;
	s1 =	sshrl.u32 s1, $0x2  }
0xbb: {  	s3 =	sand.u32 $0x4000, s31;
	s1 =	sadd.s32 s1, s30  }
0xbc: {  	s0 =	sor.u32 s3, s0;
	s1 =	sshll.u32 s1, $0x11  }
0xbd: {  	s0 =	sor.u32 s1, s0  }
0xbe: {  	s0 =	sadd.s32 $0x8F2B, s0  }
0xbf: {  	[sflag:s0] =	ssyncadd.remote.s32 $0x1  }
0xc0: {  	_ =	sfence.sel $0xFFFF  }
0xc1: {  	[dreg:$0x0] =	wrdreg $0xFFFFFFFF;
	(pc) =	sbr.abs _section_cstart, $3  }
0xc2: {  	[dreg:$0x1] =	wrdreg $0xFFFFFFFF  }
0xc3: {  	_ =	task.clear_ibuf [dreg:s8], $0x2FFFF;
	_ =	strace $0x9FFFFFFF  }
0xc4: {  	(tm) =	ssettm $0x7FFFFFFF  }
0xc5: {  	_ =	shalt  }
tec
execute0_lowered:
.L_overlay_start_1:
0x0: {  	(tag) =	ssettag $0x1  }
0x1: {  	s1 =	srdreg.scid;
	s0 =	stileid.u32  }
0x2: {  	s3 =	rddreg [dreg:$0x0];
	s6 =	sand.u32 $0x1, s1;
	s26 =	sshll.u32 s0, $0x1  }
0x3: {  	s4 =	rddreg [dreg:$0x1];
	s7 =	sor.u32 s6, s26  }
0x4: {  	s8 =	rddreg [dreg:$0x2];
	s2 =	sadd.s32 $0xA8, s7  }
0x5: {  	s14 =	simm.s32 $0x8000;
	s15 =	simm.s32 $0x3;
	s28 =	sshrl.u32 s2, $0x2  }
0x6: {  	s16 =	simm.s32 $0x0;
	s6 =	ssub.s32 $0x2, s6;
	s5 =	smul.u32 $0x25, s28  }
0x7: {  	s7 =	sshll.u32 s7, $0x4;
	s30 =	sshrl.u32 s6, $0x1;
	s11 =	sshrl.u32 s2, $0x1  }
0x8: {  	s12 =	sshll.u32 s2, $0xB;
	s8 =	sadd.s32 s7, s8;
	s9 =	sshrl.u32 s5, $0x8  }
0x9: {  	s31 =	ssub.s32 s6, s30;
	s13 =	sshll.u32 s11, $0xC;
	s10 =	smul.u32 $0xFFFFFFF2, s9  }
0xa: {  	s8 =	sadd.s32 $0x200, s8;
	s29 =	ssub.s32 s12, s13;
	s9 =	smul.u32 $0x38000, s9  }
0xb: {  	s12 =	simm.s32 $0x4000;
	s5 =	simm.s32 $0x0;
	s10 =	sadd.s32 s11, s10  }
0xc: {  	[smem:$0x7FF] =	sst s5;
	s9 =	sadd.s32 s9, s29;
	s10 =	sshll.u32 s10, $0xE  }
0xd: {  	s13 =	simm.s32 $0x1;
	_ =	strace $0x80000047;
	s9 =	sadd.s32 s10, s9  }
0xe: {  	s11 =	simm.s32 $0x1000;
	s10 =	simm.s32 $0x800;
	s9 =	sshrl.u32 s9, $0x3  }
0xf: {  	v0 =	vimm.f32 $0.0e+00;
	s6 =	sadd.s32 s3, s9;
	s7 =	sadd.s32 s4, s9;
	s9 =	smax.u32 s31, $0x1  }
.LBB2_1:
0x10: {  	[tilespmem:$0x8000] =	vst v0  }
0x11: {  	[tilespmem:s5], [sflag:$0x1] =	stream.strided.gather [hbm4b:s6+s10], $0x2000, s11, s10, $0x38;
	[tilespmem:$0x8080] =	vst v63  }
0x12: {  	s17 =	simm.s32 $0x0  }
0x13: {  	[tilespmem:s12], [sflag:$0x1] =	stream.strided.gather [hbm4b:s7+s10], $0x2000, s11, s10, $0x38;
	[tilespmem:$0x8080] =	vst v63  }
.LBB2_2:
0x14: {  	s18 =	sand.u32 $0x1, s17;
	s17 =	sadd.s32 $0x1, s17  }
0x15: {  	s19 =	sshll.u32 s17, $0x5  }
0x16: {  	s20 =	sadd.s32 s2, s19  }
0x17: {  	s19 =	sadd.s32 $0xFFFFFFFF, s19;
	s21 =	smulhi.u32 $0x92492493, s20  }
0x18: {  	s22 =	sxor.u32 s19, s2  }
0x19: {  	s19 =	sor.u32 s19, s2;
	s22 =	sshrl.u32 s22, $0x1;
	s21 =	sshrl.u32 s21, $0x4  }
0x1a: {  	s19 =	ssub.s32 s19, s22;
	s23 =	smul.u32 $0xFFFFFFF2, s21  }
0x1b: {  	s20 =	sshll.u32 s20, $0xB;
	s21 =	smul.u32 $0x38000, s21;
	s22 =	sshll.u32 s19, $0xC  }
0x1c: {  	s20 =	ssub.s32 s20, s22;
	s19 =	sadd.s32 s19, s23  }
0x1d: {  	s20 =	sadd.s32 s21, s20;
	s19 =	sshll.u32 s19, $0xE  }
0x1e: {  	s19 =	sadd.s32 s19, s20  }
0x1f: {  	s26 =	sxor.u32 $0x1, s18;
	s19 =	sshrl.u32 s19, $0x3  }
0x20: {  	s28 =	sadd.s32 $0x1, s26;
	s20 =	sshll.u32 s26, $0xD;
	s29 =	sadd.s32 s3, s19  }
0x21: {  	[tilespmem:s20], [sflag:s28] =	stream.strided.gather [hbm4b:s29+s10], $0x2000, s11, s10, $0x38;
	[tilespmem:$0x8080] =	vst v63  }
0x22: {  	s30 =	sadd.s32 $0x1, s18;
	s19 =	sadd.s32 s4, s19;
	s20 =	sor.u32 $0x4000, s20  }
0x23: {  	[tilespmem:s20], [sflag:s28] =	stream.strided.gather [hbm4b:s19+s10], $0x2000, s11, s10, $0x38;
	[tilespmem:$0x8080] =	vst v63  }
0x24: {  	_ =	swait.ge [sflag:s30], $0x2000  }
0x25: {  	s18 =	sshll.u32 s18, $0xD;
	[sflag:s30] =	ssyncset.done $0x0  }
0x26: {  	s31 =	sor.u32 $0x4000, s18;
	[sflag:s30] =	ssyncadd.s32 $0xFFFFE000  }
0x27: {  	v2 =	vmov s31;
	_ =	swait.ge [sflag:s30], $0x2000  }
0x28: {  	v1 =	vmov s18;
	s22 =	simm.s32 $0x0;
	s21 =	simm.s32 $0x0;
	[sflag:s30] =	ssyncset.done $0x0  }
0x29: {  	v3 =	vimm.f32 $0.0e+00;
	s19 =	simm.s32 $0x0;
	s20 =	simm.s32 $0x0;
	[sflag:s30] =	ssyncadd.s32 $0xFFFFE000  }
.LBB2_3:
0x2a: {  	s30 =	sand.u32 $0x60, s21;
	s25 =	sand.u32 $0x400, s22  }
0x2b: {  	s24 =	sor.u32 s30, s25  }
0x2c: {  	s23 =	sand.u32 $0xFFFFFC00, s22;
	v8 =	vld.idx.msk [tilespmem:v2+s24+$0x0 ss:$0x1], $0xffff  }
0x2d: {  	s23 =	sadd.s32 s23, s21;
	s29 =	sor.u32 $0x100, s24;
	v17 =	vld.idx.msk [tilespmem:v1+s24+$0x0 ss:$0x1], $0xffff  }
0x2e: {  	s28 =	sor.u32 $0x80, s23;
	v11 =	vld.idx.msk [tilespmem:v1+s29+$0x0 ss:$0x1], $0xffff  }
0x2f: {  	s26 =	sor.u32 $0x900, s24;
	v7 =	vld.idx.msk [tilespmem:v2+s28+$0x0 ss:$0x1], $0xffff  }
0x30: {  	v4 =	vld.idx.msk [tilespmem:v1+s26+$0x0 ss:$0x1], $0xffff  }
0x31: {  	s31 =	sor.u32 $0x980, s23;
	v5 =	vld.idx.msk [tilespmem:v2+s26+$0x0 ss:$0x1], $0xffff  }
0x32: {  	v6 =	vld.idx.msk [tilespmem:v1+s31+$0x0 ss:$0x1], $0xffff  }
0x33: {  	s1 =	sor.u32 $0xA00, s24;
	v9 =	vld.idx.msk [tilespmem:v2+s31+$0x0 ss:$0x1], $0xffff  }
0x34: {  	s31 =	sand.u32 $0x3, s20;
	v10 =	vld.idx.msk [tilespmem:v1+s1+$0x0 ss:$0x1], $0xffff  }
0x35: {  	v12 =	vld.idx.msk [tilespmem:v2+s1+$0x0 ss:$0x1], $0xffff;
	s1 =	sor.u32 $0xA80, s23;
	s31 =	sshll.u32 s31, $0x5  }
0x36: {  	v13 =	vld.idx.msk [tilespmem:v1+s1+$0x0 ss:$0x1], $0xffff;
	s26 =	sadd.s32 s31, s22  }
0x37: {  	v14 =	vld.idx.msk [tilespmem:v2+s1+$0x0 ss:$0x1], $0xffff;
	s31 =	sor.u32 $0xB00, s26  }
0x38: {  	v59 =	vld.idx.msk [tilespmem:v1+s31+$0x0 ss:$0x1], $0xffff  }
0x39: {  	v60 =	vld.idx.msk [tilespmem:v2+s31+$0x0 ss:$0x1], $0xffff;
	s31 =	sor.u32 $0xB80, s19  }
0x3a: {  	v61 =	vld.idx.msk [tilespmem:v1+s31+$0x0 ss:$0x1], $0xffff  }
0x3b: {  	v15 =	vld.idx.msk [tilespmem:v2+s31+$0x0 ss:$0x1], $0xffff;
	s31 =	sor.u32 $0x1000, s24  }
0x3c: {  	v63 =	vld.idx.msk [tilespmem:v1+s31+$0x0 ss:$0x1], $0xffff  }
0x3d: {  	v18 =	vld.idx.msk [tilespmem:v2+s31+$0x0 ss:$0x1], $0xffff  }
0x3e: {  	s1 =	sor.u32 $0x180, s23;
	v62 =	vsub.f32 v13, v14;
	v13 =	vld.idx.msk [tilespmem:v2+s29+$0x0 ss:$0x1], $0xffff  }
0x3f: {  	s31 =	sor.u32 $0x1080, s23;
	v14 =	vld.idx.msk [tilespmem:v1+s1+$0x0 ss:$0x1], $0xffff  }
0x40: {  	v19 =	vld.idx.msk [tilespmem:v1+s31+$0x0 ss:$0x1], $0xffff  }
0x41: {  	v20 =	vld.idx.msk [tilespmem:v2+s31+$0x0 ss:$0x1], $0xffff;
	s31 =	sor.u32 $0x1100, s24  }
0x42: {  	v22 =	vld.idx.msk [tilespmem:v1+s31+$0x0 ss:$0x1], $0xffff  }
0x43: {  	v4 =	vsub.f32 v4, v5;
	v5 =	vsub.f32 v6, v9;
	v23 =	vld.idx.msk [tilespmem:v2+s31+$0x0 ss:$0x1], $0xffff;
	s31 =	sor.u32 $0x1180, s23  }
0x44: {  	v25 =	vld.idx.msk [tilespmem:v1+s31+$0x0 ss:$0x1], $0xffff  }
0x45: {  	v10 =	vsub.f32 v10, v12;
	v4 =	vmul.f32 v4, v4;
	v5 =	vmul.f32 v5, v5;
	v26 =	vld.idx.msk [tilespmem:v2+s31+$0x0 ss:$0x1], $0xffff;
	s31 =	sor.u32 $0x1200, s24  }
0x46: {  	v28 =	vld.idx.msk [tilespmem:v1+s31+$0x0 ss:$0x1], $0xffff  }
0x47: {  	v4 =	vadd.f32 v5, v4;
	v5 =	vmul.f32 v10, v10;
	v29 =	vld.idx.msk [tilespmem:v2+s31+$0x0 ss:$0x1], $0xffff;
	s31 =	sor.u32 $0x1280, s23  }
0x48: {  	v31 =	vld.idx.msk [tilespmem:v1+s31+$0x0 ss:$0x1], $0xffff  }
0x49: {  	v6 =	vsub.f32 v59, v60;
	v4 =	vadd.f32 v5, v4;
	v5 =	vmul.f32 v62, v62;
	v32 =	vld.idx.msk [tilespmem:v2+s31+$0x0 ss:$0x1], $0xffff;
	s31 =	sor.u32 $0x1300, s26  }
0x4a: {  	v34 =	vld.idx.msk [tilespmem:v1+s31+$0x0 ss:$0x1], $0xffff  }
0x4b: {  	v21 =	vsub.f32 v61, v15;
	v16 =	vld.idx.msk [tilespmem:v2+s31+$0x0 ss:$0x1], $0xffff;
	s31 =	sor.u32 $0x1380, s19;
	v4 =	vadd.f32 v5, v4;
	v5 =	vmul.f32 v6, v6  }
0x4c: {  	v24 =	vsub.f32 v63, v18;
	v44 =	vmul.f32 $7.000000000e+00, v13;
	v37 =	vld.idx.msk [tilespmem:v1+s31+$0x0 ss:$0x1], $0xffff  }
0x4d: {  	v27 =	vsub.f32 v19, v20;
	v38 =	vld.idx.msk [tilespmem:v2+s31+$0x0 ss:$0x1], $0xffff;
	s31 =	sor.u32 $0x1800, s24;
	v4 =	vadd.f32 v5, v4;
	v5 =	vmul.f32 v21, v21  }
0x4e: {  	v20 =	vmul.f32 $7.000000000e+00, v11;
	v30 =	vsub.f32 v22, v23;
	v47 =	vsub.f32 v8, v44;
	v41 =	vld.idx.msk [tilespmem:v1+s31+$0x0 ss:$0x1], $0xffff  }
0x4f: {  	v33 =	vsub.f32 v25, v26;
	v42 =	vld.idx.msk [tilespmem:v2+s31+$0x0 ss:$0x1], $0xffff;
	v4 =	vadd.f32 v5, v4;
	v5 =	vmul.f32 v24, v24  }
0x50: {  	v18 =	vld.idx.msk [tilespmem:v1+s28+$0x0 ss:$0x1], $0xffff;
	s31 =	sor.u32 $0x380, s19;
	v25 =	vsub.f32 v17, v20;
	v9 =	vsub.f32 v28, v29  }
0x51: {  	s28 =	sadd.s32 s25, s18;
	v20 =	vadd.f32 v20, v17;
	v19 =	vld.idx.msk [tilespmem:v1+s31+$0x0 ss:$0x1], $0xffff;
	v4 =	vadd.f32 v5, v4;
	v5 =	vmul.f32 v27, v27  }
0x52: {  	s31 =	sadd.s32 s30, s28;
	v36 =	vsub.f32 v31, v32;
	v35 =	vmul.f32 v9, v9;
	v40 =	vsub.f32 v34, v16  }
0x53: {  	v9 =	vadd.f32 v44, v8;
	v24 =	vld [tilespmem:s31+$0x280];
	v4 =	vadd.f32 v5, v4;
	v5 =	vmul.f32 v30, v30  }
0x54: {  	s29 =	sadd.s32 $0x800, s28;
	v23 =	vmul.f32 $7.000000000e+00, v14;
	v45 =	vsub.f32 v37, v38;
	v16 =	vsub.f32 v41, v42  }
0x55: {  	v6 =	vmul.f32 v33, v33;
	v22 =	vsub.f32 v9, v47;
	v5 =	vadd.f32 v5, v4;
	v4 =	vld.idx.msk [tilespmem:v2+s1+$0x0 ss:$0x1], $0xffff;
	s1 =	sadd.s32 s30, s29  }
0x56: {  	v27 =	vsub.f32 v18, v23;
	v23 =	vadd.f32 v23, v18;
	v33 =	vmul.f32 $7.000000000e+00, v19;
	v21 =	vld [tilespmem:s1+$0x0]  }
0x57: {  	s31 =	sor.u32 $0x300, s26;
	v29 =	vmin.f32 v20, v9;
	v20 =	vsub.f32 v20, v25;
	v5 =	vadd.f32 v6, v5  }
0x58: {  	v26 =	vld.idx.msk [tilespmem:v1+s31+$0x0 ss:$0x1], $0xffff;
	s31 =	sor.u32 $0x1880, s23;
	v30 =	vmax.f32 v25, v47;
	v51 =	vsub.f32 v24, v33;
	v33 =	vadd.f32 v33, v24  }
0x59: {  	v39 =	vmul.f32 v36, v36;
	v52 =	vld.idx.msk [tilespmem:v1+s31+$0x0 ss:$0x1], $0xffff;
	v29 =	vsub.f32 v29, v30;
	v5 =	vadd.f32 v35, v5  }
0x5a: {  	v9 =	vmin.f32 v33, v9;
	v12 =	vmax.f32 v51, v47;
	v35 =	vld.idx.msk [tilespmem:v2+s31+$0x0 ss:$0x1], $0xffff;
	s31 =	sor.u32 $0x1900, s24;
	v46 =	vmul.f32 $7.000000000e+00, v4  }
0x5b: {  	v9 =	vsub.f32 v9, v12;
	v54 =	vld.idx.msk [tilespmem:v1+s31+$0x0 ss:$0x1], $0xffff;
	v5 =	vadd.f32 v39, v5;
	v50 =	vmul.f32 $7.000000000e+00, v21  }
0x5c: {  	v43 =	vmul.f32 v40, v40;
	v55 =	vld.idx.msk [tilespmem:v2+s31+$0x0 ss:$0x1], $0xffff;
	s31 =	sor.u32 $0x1980, s23;
	v48 =	vsub.f32 v7, v46;
	v10 =	vadd.f32 v46, v7  }
0x5d: {  	v6 =	vmul.f32 v45, v45;
	v56 =	vld.idx.msk [tilespmem:v1+s31+$0x0 ss:$0x1], $0xffff;
	v34 =	vadd.f32 v50, v26;
	v53 =	vsub.f32 v26, v50  }
0x5e: {  	v57 =	vld.idx.msk [tilespmem:v2+s31+$0x0 ss:$0x1], $0xffff;
	s31 =	sor.u32 $0x1A00, s24;
	v5 =	vadd.f32 v43, v5;
	v28 =	vsub.f32 v10, v48;
	v31 =	vmin.f32 v23, v10  }
0x5f: {  	v61 =	vld.idx.msk [tilespmem:v1+s31+$0x0 ss:$0x1], $0xffff;
	v36 =	vsub.f32 v52, v35;
	v10 =	vmin.f32 v34, v10;
	v15 =	vmax.f32 v53, v48  }
0x60: {  	v30 =	vmul.f32 v16, v16;
	s30 =	sor.u32 $0x10, s30;
	v62 =	vld.idx.msk [tilespmem:v2+s31+$0x0 ss:$0x1], $0xffff;
	s31 =	sor.u32 $0x1A80, s23;
	v5 =	vadd.f32 v6, v5;
	v10 =	vsub.f32 v10, v15  }
0x61: {  	v25 =	vsub.f32 v33, v51;
	s25 =	sor.u32 s30, s25;
	v9 =	vmax.f32 v9, $0.0e+00;
	v37 =	vld.idx.msk [tilespmem:v1+s31+$0x0 ss:$0x1], $0xffff;
	v32 =	vmax.f32 v27, v48  }
0x62: {  	s1 =	sor.u32 $0x100, s25;
	v38 =	vld.idx.msk [tilespmem:v2+s31+$0x0 ss:$0x1], $0xffff;
	v40 =	vmul.f32 v36, v36;
	v5 =	vadd.f32 v30, v5;
	v10 =	vmax.f32 v10, $0.0e+00  }
0x63: {  	v23 =	vsub.f32 v23, v27;
	v27 =	vsub.f32 v34, v53;
	v15 =	vmul.f32 v10, v9;
	v10 =	vld.idx.msk [tilespmem:v1+s1+$0x0 ss:$0x1], $0xffff  }
0x64: {  	v49 =	vsub.f32 v31, v32;
	v22 =	vmul.f32 v28, v22;
	v42 =	vadd.f32 v40, v5;
	v5 =	vld.idx.msk [tilespmem:v2+s1+$0x0 ss:$0x1], $0xffff;
	s1 =	sor.u32 $0x900, s25  }
0x65: {  	v59 =	vmul.f32 v23, v20;
	v60 =	vmul.f32 v27, v25;
	v47 =	vld.idx.msk [tilespmem:v1+s1+$0x0 ss:$0x1], $0xffff  }
0x66: {  	v29 =	vmax.f32 v29, $0.0e+00;
	v41 =	vsub.f32 v54, v55;
	v58 =	vmax.f32 v49, $0.0e+00;
	v48 =	vld.idx.msk [tilespmem:v2+s1+$0x0 ss:$0x1], $0xffff;
	s1 =	sor.u32 $0x980, s25  }
0x67: {  	v12 =	vmul.f32 v58, v29;
	v63 =	vadd.f32 v22, v59;
	v29 =	vadd.f32 v22, v60;
	v49 =	vld.idx.msk [tilespmem:v1+s1+$0x0 ss:$0x1], $0xffff  }
0x68: {  	v43 =	vsub.f32 v56, v57;
	v27 =	vmul.f32 v41, v41;
	v50 =	vld.idx.msk [tilespmem:v2+s1+$0x0 ss:$0x1], $0xffff;
	s1 =	sor.u32 $0xA00, s25  }
0x69: {  	v39 =	vsub.f32 v63, v12;
	v9 =	vsub.f32 v29, v15;
	v51 =	vld.idx.msk [tilespmem:v1+s1+$0x0 ss:$0x1], $0xffff  }
0x6a: {  	s31 =	sor.u32 $0x180, s25;
	v23 =	vsub.f32 v61, v62;
	v46 =	vmul.f32 v43, v43;
	v27 =	vadd.f32 v27, v42;
	v54 =	vld.idx.msk [tilespmem:v2+s1+$0x0 ss:$0x1], $0xffff  }
0x6b: {  	v22 =	vadd.f32 $1.000000010e-10, v39;
	s1 =	sor.u32 $0xA80, s25;
	v28 =	vadd.f32 $1.000000010e-10, v9;
	v9 =	vld.idx.msk [tilespmem:v1+s31+$0x0 ss:$0x1], $0xffff  }
0x6c: {  	s26 =	sadd.s32 $0x10, s26;
	v16 =	vsub.f32 v37, v38;
	v23 =	vmul.f32 v23, v23;
	v27 =	vadd.f32 v46, v27;
	v56 =	vld.idx.msk [tilespmem:v1+s1+$0x0 ss:$0x1], $0xffff  }
0x6d: {  	v59 =	vld.idx.msk [tilespmem:v2+s1+$0x0 ss:$0x1], $0xffff;
	s1 =	sor.u32 $0xB00, s26;
	v44 =	vmul.f32 v22, v15;
	v45 =	vmul.f32 v28, v12;
	v61 =	vsub.f32 v47, v48  }
0x6e: {  	v16 =	vmul.f32 v16, v16;
	v62 =	vld.idx.msk [tilespmem:v1+s1+$0x0 ss:$0x1], $0xffff  }
0x6f: {  	v63 =	vld.idx.msk [tilespmem:v2+s1+$0x0 ss:$0x1], $0xffff;
	v23 =	vadd.f32 v23, v27;
	vm0 =	vgt.f32 v44, v45;
	v39 =	vmul.f32 v61, v61  }
0x70: {  	v27 =	vsub.f32 v51, v54;
	v19 =	vsel vm0, v19, v11;
	v17 =	vsel vm0, v24, v17  }
0x71: {  	v57 =	vsel vm0, v26, v18;
	v18 =	vsel vm0, v21, v14;
	v11 =	vsub.f32 v49, v50  }
0x72: {  	v21 =	vsub.f32 v56, v59;
	v38 =	vmul.f32 $7.000000000e+00, v9;
	v29 =	vmul.f32 v19, v13  }
0x73: {  	v8 =	vsub.f32 v17, v8;
	v7 =	vsub.f32 v57, v7;
	v20 =	vmul.f32 v18, v4  }
0x74: {  	v6 =	vld.idx.msk [tilespmem:v2+s25+$0x0 ss:$0x1], $0xffff;
	v27 =	vmul.f32 v27, v27;
	v47 =	vsub.f32 v62, v63;
	v26 =	vadd.f32 v19, v13  }
0x75: {  	s1 =	sor.u32 $0xB80, s26;
	v57 =	vmul.f32 $7.000000000e+00, v5;
	v62 =	vsel vm0, v28, v22;
	v11 =	vmul.f32 v11, v11  }
0x76: {  	v40 =	vld.idx.msk [tilespmem:v1+s1+$0x0 ss:$0x1], $0xffff;
	v4 =	vadd.f32 v18, v4;
	v46 =	vmul.f32 v21, v21;
	(erf) = vrcp.f32 v62  }
0x77: {  	v44 =	vld.idx.msk [tilespmem:v2+s1+$0x0 ss:$0x1], $0xffff;
	v52 =	vshrl.u32 v29, $0x1;
	v53 =	vmul.f32 $5.000000000e-01, v29;
	v60 =	vmul.f32 v8, v8  }
0x78: {  	s29 =	sadd.s32 s30, s29;
	v13 =	vld.idx.msk [tilespmem:v1+s25+$0x0 ss:$0x1], $0xffff;
	v41 =	vmul.f32 v7, v7;
	v43 =	vshrl.u32 v20, $0x1;
	v36 =	vmul.f32 $5.000000000e-01, v20  }
0x79: {  	v28 =	vld [tilespmem:s29+$0x0];
	v7 =	vadd.f32 v16, v23;
	v21 =	vmul.f32 v47, v47;
	v59 =	vsub.f32 v6, v57  }
0x7a: {  	v8 =	vld.idx.msk [tilespmem:v2+s31+$0x0 ss:$0x1], $0xffff;
	v61 =	vadd.f32 v57, v6;
	v55 =	vsub.s32 $0x5F3759DF, v52;
	v33 =	vsub.s32 $0x5F3759DF, v43  }
0x7b: {  	s31 =	sor.u32 $0x1000, s25;
	v11 =	vadd.f32 v11, v39;
	v58 =	vmul.f32 v55, v53;
	v50 =	vmul.f32 v33, v36  }
0x7c: {  	v45 =	vld.idx.msk [tilespmem:v1+s31+$0x0 ss:$0x1], $0xffff;
	v52 =	vsub.f32 v40, v44;
	v23 =	vadd.f32 v41, v60;
	v60 =	vmul.f32 $7.000000000e+00, v10  }
0x7d: {  	v48 =	vld.idx.msk [tilespmem:v2+s31+$0x0 ss:$0x1], $0xffff;
	v11 =	vadd.f32 v27, v11;
	v14 =	vmul.f32 v55, v58;
	v24 =	vmul.f32 v33, v50  }
0x7e: {  	s1 =	sor.u32 $0x1080, s25;
	v63 =	vsub.f32 v13, v60;
	v27 =	vadd.f32 v60, v13;
	v50 =	vmul.f32 $7.000000000e+00, v28  }
0x7f: {  	v51 =	vld.idx.msk [tilespmem:v1+s1+$0x0 ss:$0x1], $0xffff;
	s31 =	sor.u32 $0x80, s25;
	v58 =	vmul.f32 $7.000000000e+00, v8;
	v42 =	vsub.f32 $1.500000000e+00, v14;
	v14 =	vadd.f32 v46, v11  }
0x80: {  	v11 =	vld.idx.msk [tilespmem:v2+s31+$0x0 ss:$0x1], $0xffff;
	v24 =	vsub.f32 $1.500000000e+00, v24;
	v41 =	vmin.f32 v27, v61;
	v27 =	vsub.f32 v27, v63  }
0x81: {  	v31 =	vmul.f32 v55, v42;
	v54 =	vadd.f32 v21, v14;
	v55 =	vmul.f32 v52, v52;
	v14 =	vld.idx.msk [tilespmem:v1+s31+$0x0 ss:$0x1], $0xffff;
	s31 =	sor.u32 $0x380, s26  }
0x82: {  	v21 =	vsub.f32 v45, v48;
	v42 =	vmax.f32 v63, v59;
	v33 =	vmul.f32 v33, v24;
	v32 =	vld.idx.msk [tilespmem:v1+s31+$0x0 ss:$0x1], $0xffff  }
0x83: {  	v48 =	vsub.f32 v61, v59;
	s31 =	sor.u32 $0x300, s26;
	v41 =	vsub.f32 v41, v42;
	v49 =	vmul.f32 v31, v53;
	v53 =	vld.idx.msk [tilespmem:v2+s1+$0x0 ss:$0x1], $0xffff  }
0x84: {  	v34 =	vadd.f32 v55, v54;
	v17 =	vld.idx.msk [tilespmem:v1+s31+$0x0 ss:$0x1], $0xffff;
	v36 =	vmul.f32 v33, v36;
	v63 =	vmul.f32 v21, v21  }
0x85: {  	v37 =	vsub.f32 v11, v58;
	v39 =	vadd.f32 v58, v11;
	v16 =	vmul.f32 v49, v31  }
0x86: {  	s28 =	sadd.s32 s30, s28;
	v36 =	vmul.f32 v36, v33;
	v40 =	vsub.f32 v14, v38;
	v38 =	vadd.f32 v38, v14  }
0x87: {  	v57 =	vmax.f32 v41, $0.0e+00;
	v45 =	vsub.f32 v39, v37;
	v56 =	vsub.f32 $1.500000000e+00, v16;
	v16 =	vld [tilespmem:s28+$0x280]  }
0x88: {  	v44 =	vmul.f32 $7.000000000e+00, v32;
	v36 =	vsub.f32 $1.500000000e+00, v36;
	v25 =	vsub.f32 v51, v53  }
0x89: {  	v49 =	vmin.f32 v38, v39;
	v43 =	vmax.f32 v40, v37;
	v46 =	vsub.f32 v17, v50  }
0x8a: {  	v53 =	vsub.f32 v38, v40;
	v30 =	vmul.f32 v56, v31;
	v42 =	vsub.f32 v49, v43  }
0x8b: {  	v43 =	vadd.f32 v50, v17;
	v31 =	vmul.f32 v45, v48;
	v48 =	vmul.f32 v36, v33  }
0x8c: {  	s29 =	sor.u32 $0x1180, s25;
	v37 =	vmax.f32 v46, v37;
	v51 =	vsub.f32 v16, v44;
	v44 =	vadd.f32 v44, v16  }
0x8d: {  	s23 =	sor.u32 $0x880, s23;
	v62 =	vld.idx.msk [tilespmem:v2+s29+$0x0 ss:$0x1], $0xffff;
	v27 =	vmul.f32 v53, v27;
	v29 =	vmul.f32 v30, v29;
	v55 =	vmin.f32 v43, v39  }
0x8e: {  	v24 =	vld.idx.msk [tilespmem:v1+s23+$0x0 ss:$0x1], $0xffff;
	s1 =	sor.u32 $0x200, s24;
	v58 =	vmax.f32 v42, $0.0e+00;
	v42 =	vadd.f32 v63, v34;
	v52 =	vmin.f32 v44, v61  }
0x8f: {  	v22 =	vld.idx.msk [tilespmem:v1+s1+$0x0 ss:$0x1], $0xffff;
	s28 =	sor.u32 $0x1100, s25;
	v19 =	vmax.f32 v51, v59;
	v30 =	vsub.f32 v44, v51;
	v59 =	vsub.f32 v43, v46  }
0x90: {  	v60 =	vld.idx.msk [tilespmem:v2+s28+$0x0 ss:$0x1], $0xffff;
	v25 =	vmul.f32 v25, v25;
	v37 =	vsub.f32 v55, v37;
	v54 =	vsub.f32 v52, v19  }
0x91: {  	s30 =	sor.u32 $0x1200, s25;
	v56 =	vld.idx.msk [tilespmem:v1+s28+$0x0 ss:$0x1], $0xffff;
	v20 =	vmul.f32 v48, v20;
	v27 =	vadd.f32 v31, v27;
	v30 =	vmul.f32 v59, v30  }
0x92: {  	s31 =	sor.u32 $0x1280, s25;
	v45 =	vld.idx.msk [tilespmem:v2+s30+$0x0 ss:$0x1], $0xffff;
	v29 =	vadd.f32 v29, v29;
	v37 =	vmax.f32 v37, $0.0e+00;
	v38 =	vmax.f32 v54, $0.0e+00  }
0x93: {  	v50 =	vld.idx.msk [tilespmem:v1+s31+$0x0 ss:$0x1], $0xffff;
	v19 =	vmul.f32 v58, v57;
	v21 =	vmul.f32 v37, v38;
	v30 =	vadd.f32 v31, v30  }
0x94: {  	v25 =	vadd.f32 v25, v42;
	v20 =	vadd.f32 v20, v20;
	v61 =	vld.idx.msk [tilespmem:v1+s29+$0x0 ss:$0x1], $0xffff  }
0x95: {  	v44 =	vld.idx.msk [tilespmem:v1+s30+$0x0 ss:$0x1], $0xffff;
	v46 =	vsub.f32 v27, v19;
	v47 =	vsub.f32 v30, v21  }
0x96: {  	v43 =	vsub.f32 v56, v60;
	v51 =	vld.idx.msk [tilespmem:v2+s31+$0x0 ss:$0x1], $0xffff;
	v26 =	vsub.f32 v26, v29  }
0x97: {  	v15 =	vsel vm0, v15, v12;
	v12 =	vld.idx.msk [tilespmem:v2+s1+$0x0 ss:$0x1], $0xffff;
	s28 =	sor.u32 $0x1300, s26;
	v53 =	vpop (erf);
	v36 =	vadd.f32 $1.000000010e-10, v46;
	v27 =	vadd.f32 $1.000000010e-10, v47  }
0x98: {  	v15 =	vmul.f32 v53, v15;
	v57 =	vld.idx.msk [tilespmem:v1+s28+$0x0 ss:$0x1], $0xffff;
	v4 =	vsub.f32 v4, v20;
	v34 =	vmul.f32 v43, v43  }
0x99: {  	v58 =	vld.idx.msk [tilespmem:v2+s28+$0x0 ss:$0x1], $0xffff;
	v23 =	vadd.f32 v26, v23;
	v54 =	vmul.f32 v36, v21;
	v55 =	vmul.f32 v27, v19  }
0x9a: {  	v37 =	vsel vm0, v24, v22;
	v25 =	vadd.f32 v34, v25;
	v49 =	vsub.f32 v61, v62  }
0x9b: {  	v56 =	vsub.f32 v44, v45;
	v33 =	vsub.f32 v50, v51;
	vm1 =	vgt.f32 v54, v55  }
0x9c: {  	s29 =	sor.u32 $0x1380, s26;
	v61 =	vsub.f32 v22, v12;
	v4 =	vadd.f32 v23, v4;
	v10 =	vsel vm1, v32, v10  }
0x9d: {  	v60 =	vld.idx.msk [tilespmem:v1+s29+$0x0 ss:$0x1], $0xffff;
	v15 =	vsub.f32 v37, v15;
	v22 =	vsel vm0, v22, v24;
	v26 =	vmul.f32 v10, v5  }
0x9e: {  	v63 =	vld.idx.msk [tilespmem:v2+s29+$0x0 ss:$0x1], $0xffff;
	v29 =	vsub.f32 v57, v58;
	v22 =	vmul.f32 v22, v22;
	v9 =	vsel vm1, v28, v9  }
0x9f: {  	v59 =	vld.idx.msk [tilespmem:v2+s23+$0x0 ss:$0x1], $0xffff;
	v46 =	vmul.f32 v9, v8;
	v44 =	vshrl.u32 v26, $0x1;
	v45 =	vmul.f32 $5.000000000e-01, v26  }
0xa0: {  	s31 =	sor.u32 $0x1880, s25;
	v52 =	vmul.f32 v49, v49;
	v18 =	vmul.f32 v56, v56;
	v28 =	vsub.s32 $0x5F3759DF, v44  }
0xa1: {  	v53 =	vld.idx.msk [tilespmem:v2+s31+$0x0 ss:$0x1], $0xffff;
	s23 =	sor.u32 $0x1900, s25;
	v50 =	vshrl.u32 v46, $0x1;
	v51 =	vmul.f32 $5.000000000e-01, v46;
	v48 =	vmul.f32 v28, v45  }
0xa2: {  	v58 =	vld.idx.msk [tilespmem:v1+s23+$0x0 ss:$0x1], $0xffff;
	v62 =	vmul.f32 v33, v33;
	v15 =	vmul.f32 v15, v15;
	v39 =	vsub.s32 $0x5F3759DF, v50  }
0xa3: {  	s26 =	sor.u32 $0x200, s25;
	v20 =	vsub.f32 v60, v63;
	v60 =	vld.idx.msk [tilespmem:v2+s23+$0x0 ss:$0x1], $0xffff;
	v54 =	vmul.f32 v39, v51;
	v35 =	vmul.f32 v28, v48  }
0xa4: {  	v43 =	vld.idx.msk [tilespmem:v2+s26+$0x0 ss:$0x1], $0xffff;
	v31 =	vsub.f32 v24, v59;
	v4 =	vmul.f32 $5.000000000e+00, v4;
	v29 =	vmul.f32 v29, v29  }
0xa5: {  	s30 =	sor.u32 $0x1800, s25;
	v34 =	vld.idx.msk [tilespmem:v1+s26+$0x0 ss:$0x1], $0xffff;
	v25 =	vadd.f32 v52, v25;
	v55 =	vmul.f32 v39, v54;
	v35 =	vsub.f32 $1.500000000e+00, v35  }
0xa6: {  	v49 =	vld.idx.msk [tilespmem:v2+s30+$0x0 ss:$0x1], $0xffff;
	v20 =	vmul.f32 v20, v20;
	v31 =	vmul.f32 v31, v31;
	v15 =	vadd.f32 v15, v15  }
0xa7: {  	v47 =	vld.idx.msk [tilespmem:v1+s30+$0x0 ss:$0x1], $0xffff;
	v18 =	vadd.f32 v18, v25;
	v23 =	vsub.f32 $1.500000000e+00, v55;
	v56 =	vmul.f32 v28, v35  }
0xa8: {  	v52 =	vld.idx.msk [tilespmem:v1+s31+$0x0 ss:$0x1], $0xffff;
	v4 =	vadd.f32 v4, v15;
	v33 =	vsub.f32 v58, v60;
	v32 =	vmul.f32 v61, v61  }
0xa9: {  	v27 =	vsel vm1, v27, v36;
	v23 =	vmul.f32 v39, v23;
	v59 =	vmul.f32 v56, v45  }
0xaa: {  	v58 =	vsub.f32 v34, v43;
	v18 =	vadd.f32 v62, v18;
	(erf) = vrcp.f32 v27  }
0xab: {  	s24 =	sor.u32 $0x1980, s25;
	v31 =	vadd.f32 v31, v32;
	v62 =	vmul.f32 v23, v51;
	v32 =	vmul.f32 v59, v56  }
0xac: {  	v63 =	vld.idx.msk [tilespmem:v2+s24+$0x0 ss:$0x1], $0xffff;
	v25 =	vsub.f32 v47, v49;
	v13 =	vsel vm1, v16, v13;
	v14 =	vsel vm1, v17, v14  }
0xad: {  	v61 =	vld.idx.msk [tilespmem:v1+s24+$0x0 ss:$0x1], $0xffff;
	v57 =	vsub.f32 v52, v53;
	v27 =	vmul.f32 v62, v23;
	v32 =	vsub.f32 $1.500000000e+00, v32  }
0xae: {  	v19 =	vsel vm1, v21, v19;
	v6 =	vsub.f32 v13, v6;
	v11 =	vsub.f32 v14, v11  }
0xaf: {  	s28 =	sor.u32 $0x880, s25;
	v5 =	vadd.f32 v10, v5;
	v37 =	vsub.f32 $1.500000000e+00, v27;
	v35 =	vmul.f32 v32, v56  }
0xb0: {  	v36 =	vld.idx.msk [tilespmem:v1+s28+$0x0 ss:$0x1], $0xffff;
	v18 =	vadd.f32 v29, v18;
	v6 =	vmul.f32 v6, v6;
	v11 =	vmul.f32 v11, v11  }
0xb1: {  	s29 =	sor.u32 $0x1A00, s25;
	v8 =	vadd.f32 v9, v8;
	v13 =	vmul.f32 v37, v23;
	v40 =	vmul.f32 v35, v26  }
0xb2: {  	v41 =	vld.idx.msk [tilespmem:v2+s29+$0x0 ss:$0x1], $0xffff;
	v25 =	vmul.f32 v25, v25;
	v18 =	vadd.f32 v20, v18;
	v15 =	vsub.f32 v61, v63  }
0xb3: {  	v6 =	vadd.f32 v11, v6;
	v39 =	vld.idx.msk [tilespmem:v1+s29+$0x0 ss:$0x1], $0xffff;
	v45 =	vpop (erf);
	v13 =	vmul.f32 v13, v46;
	v42 =	vadd.f32 v40, v40  }
0xb4: {  	s30 =	sor.u32 $0x1A80, s25;
	v49 =	vld.idx.msk [tilespmem:v2+s28+$0x0 ss:$0x1], $0xffff;
	v18 =	vadd.f32 v25, v18;
	v28 =	vmul.f32 v57, v57;
	v47 =	vmul.f32 v45, v19  }
0xb5: {  	v44 =	vld.idx.msk [tilespmem:v1+s30+$0x0 ss:$0x1], $0xffff;
	v50 =	vsel vm1, v36, v34;
	v48 =	vadd.f32 v13, v13;
	v5 =	vsub.f32 v5, v42  }
0xb6: {  	v38 =	vmul.f32 v33, v33;
	v18 =	vadd.f32 v28, v18;
	v52 =	vsub.f32 v50, v47;
	v46 =	vld.idx.msk [tilespmem:v2+s30+$0x0 ss:$0x1], $0xffff  }
0xb7: {  	v15 =	vmul.f32 v15, v15;
	v51 =	vsub.f32 v8, v48;
	v5 =	vadd.f32 v5, v6  }
0xb8: {  	v57 =	vsel vm1, v34, v36;
	v17 =	vadd.f32 v38, v18;
	v16 =	vsub.f32 v39, v41  }
0xb9: {  	v10 =	vmul.f32 v57, v57;
	v55 =	vmul.f32 v52, v52;
	v5 =	vadd.f32 v5, v51  }
0xba: {  	v53 =	vadd.f32 v15, v17;
	v54 =	vmul.f32 v16, v16;
	v13 =	vsub.f32 v36, v49  }
0xbb: {  	v56 =	vsub.f32 v44, v46;
	v6 =	vadd.f32 v55, v55;
	v5 =	vmul.f32 $5.000000000e+00, v5  }
0xbc: {  	v4 =	vadd.f32 v4, v22;
	v59 =	vmul.f32 v58, v58;
	v13 =	vmul.f32 v13, v13  }
0xbd: {  	v9 =	vadd.f32 v54, v53;
	v8 =	vmul.f32 v56, v56;
	v5 =	vadd.f32 v5, v6  }
0xbe: {  	v4 =	vadd.f32 v7, v4;
	v62 =	vadd.f32 v13, v59  }
0xbf: {  	p0 =	slt.u32 s21, $0xE0;
	v61 =	vmul.f32 $5.000000000e-01, v31;
	v60 =	vadd.f32 v8, v9;
	v5 =	vadd.f32 v5, v10  }
.Ltmp0:
0xc0: {  	vm14 =	vgt.f32 v12, $0.0e+00;
	(pc) =	sbr.rel @p0 .LBB2_3-.Ltmp0, $4  }
0xc1: {  	v4 =	vsel vm14, v4, v61;
	v63 =	vmul.f32 $5.000000000e-01, v62;
	v5 =	vadd.f32 v60, v5  }
0xc2: {  	vm15 =	vgt.f32 v43, $0.0e+00;
	v3 =	vadd.f32 v4, v3  }
0xc3: {  	s20 =	sadd.s32 $0x1, s20;
	s31 =	sadd.s32 $0x20, s21;
	v4 =	vsel vm15, v5, v63  }
0xc4: {  	s22 =	sadd.s32 $0x100, s22;
	s19 =	sadd.s32 $0x120, s19;
	s21 =	smov.u32 s31;
	v3 =	vadd.f32 v4, v3  }
0xc5: {  	v1 =	vld [tilespmem:$0x8000];
	_ =	sdelay $0x1  }
0xc6: {  	p0 =	sne.s32 s17, $0x6  }
.Ltmp1:
0xc7: {  	_ = 	snop;
	(pc) =	sbr.rel @p0 .LBB2_2-.Ltmp1, $3  }
0xc8: {  	_ = 	snop  }
0xc9: {  	v1 =	vadd.f32 v1, v3;
	_ =	sdelay $0x1  }
0xca: {  	[tilespmem:$0x8000] =	vst v1  }
0xcb: {  	_ =	swait.ge [sflag:s13], $0x2000  }
0xcc: {  	[sflag:s13] =	ssyncset.done $0x0  }
0xcd: {  	[sflag:s13] =	ssyncadd.s32 $0xFFFFE000  }
0xce: {  	_ =	swait.ge [sflag:s13], $0x2000  }
0xcf: {  	s20 =	simm.s32 $0x0;
	s17 =	simm.s32 $0x0;
	[sflag:s13] =	ssyncset.done $0x0  }
0xd0: {  	v1 =	vimm.f32 $0.0e+00;
	s18 =	simm.s32 $0x0;
	s19 =	simm.s32 $0x0;
	[sflag:s13] =	ssyncadd.s32 $0xFFFFE000  }
.LBB2_6:
0xd1: {  	s26 =	sand.u32 $0x60, s20;
	s23 =	sand.u32 $0x400, s19  }
0xd2: {  	s21 =	sor.u32 s26, s23  }
0xd3: {  	v9 =	vld [tilespmem:s21+$0x100]  }
0xd4: {  	v6 =	vld [tilespmem:s21+$0x4000]  }
0xd5: {  	v2 =	vld [tilespmem:s21+$0x900]  }
0xd6: {  	v3 =	vld [tilespmem:s21+$0x4900]  }
0xd7: {  	v8 =	vld [tilespmem:s21+$0xA00]  }
0xd8: {  	v10 =	vld [tilespmem:s21+$0x4A00]  }
0xd9: {  	v25 =	vld [tilespmem:s21+$0x1000]  }
0xda: {  	v26 =	vld [tilespmem:s21+$0x5000]  }
0xdb: {  	v30 =	vld [tilespmem:s21+$0x1100]  }
0xdc: {  	v31 =	vld [tilespmem:s21+$0x5100]  }
0xdd: {  	v36 =	vld [tilespmem:s21+$0x1200]  }
0xde: {  	v37 =	vld [tilespmem:s21+$0x5200]  }
0xdf: {  	s1 =	sand.u32 $0xFFFFFC00, s19;
	v49 =	vld [tilespmem:s21+$0x1800]  }
0xe0: {  	s22 =	sadd.s32 s1, s20;
	v50 =	vld [tilespmem:s21+$0x5800]  }
0xe1: {  	s1 =	sor.u32 $0x980, s22;
	v15 =	vld [tilespmem:s21+$0x0]  }
0xe2: {  	v4 =	vld [tilespmem:s1+$0x0]  }
0xe3: {  	s28 =	sor.u32 $0xA80, s22;
	v7 =	vld [tilespmem:s1+$0x4000]  }
0xe4: {  	v11 =	vld [tilespmem:s28+$0x0]  }
0xe5: {  	s29 =	sor.u32 $0x1080, s22;
	v12 =	vld [tilespmem:s28+$0x4000]  }
0xe6: {  	v27 =	vld [tilespmem:s29+$0x0]  }
0xe7: {  	s30 =	sor.u32 $0x1180, s22;
	v28 =	vld [tilespmem:s29+$0x4000]  }
0xe8: {  	v33 =	vld [tilespmem:s30+$0x0]  }
0xe9: {  	s31 =	sor.u32 $0x1280, s22;
	v34 =	vld [tilespmem:s30+$0x4000]  }
0xea: {  	s24 =	sand.u32 $0x3, s18;
	v39 =	vld [tilespmem:s31+$0x0]  }
0xeb: {  	s1 =	sshll.u32 s24, $0x5;
	s28 =	sor.u32 $0xB80, s17;
	v40 =	vld [tilespmem:s31+$0x4000]  }
0xec: {  	s24 =	sadd.s32 s1, s19;
	v23 =	vld [tilespmem:s28+$0x0]  }
0xed: {  	v13 =	vld [tilespmem:s28+$0x4000];
	s1 =	sor.u32 $0xB00, s24  }
0xee: {  	v21 =	vld [tilespmem:s1+$0x0];
	v2 =	vsub.f32 v2, v3;
	v3 =	vsub.f32 v4, v7  }
0xef: {  	s30 =	sor.u32 $0x1380, s17;
	v22 =	vld [tilespmem:s1+$0x4000]  }
0xf0: {  	v45 =	vld [tilespmem:s30+$0x0];
	v8 =	vsub.f32 v8, v10;
	v2 =	vmul.f32 v2, v2;
	v3 =	vmul.f32 v3, v3  }
0xf1: {  	s31 =	sor.u32 $0x380, s17;
	v46 =	vld [tilespmem:s30+$0x4000];
	v32 =	vsub.f32 v25, v26  }
0xf2: {  	v17 =	vld [tilespmem:s31+$0x0];
	s30 =	sor.u32 $0x1880, s22;
	v24 =	vsub.f32 v11, v12;
	v2 =	vadd.f32 v3, v2;
	v3 =	vmul.f32 v8, v8  }
0xf3: {  	s28 =	sor.u32 $0x1300, s24;
	v60 =	vld [tilespmem:s30+$0x0];
	v38 =	vsub.f32 v30, v31;
	v35 =	vsub.f32 v27, v28  }
0xf4: {  	v42 =	vld [tilespmem:s28+$0x0];
	v4 =	vsub.f32 v21, v22;
	v2 =	vadd.f32 v3, v2;
	v3 =	vmul.f32 v24, v24  }
0xf5: {  	v14 =	vld [tilespmem:s28+$0x4000];
	v41 =	vsub.f32 v33, v34;
	v7 =	vsub.f32 v36, v37  }
0xf6: {  	v11 =	vld [tilespmem:s21+$0x4100];
	v29 =	vsub.f32 v23, v13;
	v2 =	vadd.f32 v3, v2;
	v3 =	vmul.f32 v4, v4  }
0xf7: {  	s25 =	sor.u32 $0x80, s22;
	v18 =	vmul.f32 $7.000000000e+00, v9;
	v44 =	vsub.f32 v39, v40;
	v12 =	vsub.f32 v49, v50;
	v33 =	vld [tilespmem:s30+$0x4000]  }
0xf8: {  	v5 =	vld [tilespmem:s25+$0x4000];
	v53 =	vsub.f32 v45, v46;
	v2 =	vadd.f32 v3, v2;
	v3 =	vmul.f32 v29, v29  }
0xf9: {  	s29 =	sor.u32 $0x180, s22;
	v23 =	vsub.f32 v15, v18;
	v31 =	vmul.f32 $7.000000000e+00, v17;
	v43 =	vmul.f32 v7, v7;
	v22 =	vld [tilespmem:s21+$0x280]  }
0xfa: {  	v48 =	vsub.f32 v42, v14;
	v14 =	vld [tilespmem:s29+$0x0];
	v2 =	vadd.f32 v3, v2;
	v3 =	vmul.f32 v32, v32  }
0xfb: {  	v16 =	vld [tilespmem:s25+$0x0];
	s25 =	sor.u32 $0x800, s23;
	v18 =	vadd.f32 v18, v15;
	v47 =	vmul.f32 v44, v44;
	v52 =	vmul.f32 $7.000000000e+00, v11  }
0xfc: {  	s28 =	sor.u32 s26, s25;
	v46 =	vsub.f32 v60, v33;
	v2 =	vadd.f32 v3, v2;
	v3 =	vmul.f32 v35, v35  }
0xfd: {  	s31 =	sor.u32 $0x1980, s22;
	v19 =	vld [tilespmem:s28+$0x0];
	v55 =	vsub.f32 v6, v52;
	v7 =	vadd.f32 v52, v6;
	v4 =	vmul.f32 v41, v41  }
0xfe: {  	v36 =	vld [tilespmem:s31+$0x0];
	v59 =	vsub.f32 v22, v31;
	v2 =	vadd.f32 v3, v2;
	v3 =	vmul.f32 v38, v38  }
0xff: {  	v37 =	vld [tilespmem:s31+$0x4000];
	v21 =	vmul.f32 $7.000000000e+00, v14;
	v31 =	vadd.f32 v31, v22;
	v20 =	vsub.f32 v7, v55  }
0x100: {  	v27 =	vmin.f32 v18, v7;
	v18 =	vsub.f32 v18, v23;
	v3 =	vadd.f32 v3, v2;
	v2 =	vld [tilespmem:s29+$0x4000];
	s29 =	sor.u32 $0x300, s24  }
0x101: {  	v28 =	vmax.f32 v23, v55;
	v25 =	vsub.f32 v16, v21;
	v21 =	vadd.f32 v21, v16;
	v24 =	vld [tilespmem:s29+$0x0]  }
0x102: {  	v45 =	vmul.f32 v12, v12;
	v27 =	vsub.f32 v27, v28;
	v3 =	vadd.f32 v4, v3  }
0x103: {  	v62 =	vld [tilespmem:s21+$0x1900];
	v7 =	vmin.f32 v31, v7;
	v10 =	vmax.f32 v59, v55;
	v23 =	vsub.f32 v31, v59  }
0x104: {  	v63 =	vld [tilespmem:s21+$0x5900];
	v58 =	vmul.f32 $7.000000000e+00, v19;
	v7 =	vsub.f32 v7, v10;
	v3 =	vadd.f32 v43, v3  }
0x105: {  	s26 =	sor.u32 $0x10, s26;
	s28 =	sor.u32 $0x1A80, s22;
	v42 =	vld [tilespmem:s21+$0x5A00];
	v4 =	vmul.f32 v53, v53;
	v53 =	vsub.f32 v36, v37;
	v54 =	vmul.f32 $7.000000000e+00, v2  }
0x106: {  	s23 =	sor.u32 s26, s23;
	v51 =	vmul.f32 v48, v48;
	v48 =	vld [tilespmem:s28+$0x4000];
	v3 =	vadd.f32 v47, v3;
	v32 =	vadd.f32 v58, v24  }
0x107: {  	v60 =	vld [tilespmem:s23+$0x4980];
	v50 =	vmul.f32 v46, v46;
	v56 =	vsub.f32 v5, v54;
	v8 =	vadd.f32 v54, v5  }
0x108: {  	v41 =	vld [tilespmem:s21+$0x1A00];
	v27 =	vmax.f32 v27, $0.0e+00;
	v61 =	vsub.f32 v24, v58;
	v3 =	vadd.f32 v51, v3  }
0x109: {  	v7 =	vmax.f32 v7, $0.0e+00;
	v47 =	vld [tilespmem:s28+$0x0];
	v51 =	vsub.f32 v62, v63;
	v26 =	vsub.f32 v8, v56  }
0x10a: {  	v59 =	vld [tilespmem:s23+$0x980];
	v29 =	vmin.f32 v21, v8;
	v30 =	vmax.f32 v25, v56;
	v21 =	vsub.f32 v21, v25  }
0x10b: {  	v36 =	vld [tilespmem:s23+$0x4A00];
	v8 =	vmin.f32 v32, v8;
	v13 =	vmax.f32 v61, v56;
	v25 =	vsub.f32 v32, v61  }
0x10c: {  	v58 =	vld [tilespmem:s23+$0x4900];
	v57 =	vsub.f32 v29, v30;
	v8 =	vsub.f32 v8, v13;
	v20 =	vmul.f32 v26, v20  }
0x10d: {  	s24 =	sadd.s32 $0x10, s24;
	v61 =	vld [tilespmem:s23+$0xA00];
	v3 =	vadd.f32 v4, v3;
	v39 =	vmul.f32 v21, v18;
	v40 =	vmul.f32 v25, v23  }
0x10e: {  	s30 =	sor.u32 $0xB80, s24;
	v21 =	vsub.f32 v41, v42;
	v12 =	vsub.f32 v47, v48;
	v41 =	vld [tilespmem:s23+$0x4A80];
	v38 =	vmax.f32 v57, $0.0e+00  }
0x10f: {  	v47 =	vld [tilespmem:s30+$0x0];
	v8 =	vmax.f32 v8, $0.0e+00;
	v3 =	vadd.f32 v45, v3;
	v10 =	vmul.f32 v38, v27  }
0x110: {  	s29 =	sor.u32 $0xB00, s24;
	v57 =	vld [tilespmem:s23+$0x900];
	v43 =	vadd.f32 v20, v39;
	v13 =	vmul.f32 v8, v7;
	v44 =	vadd.f32 v20, v40  }
0x111: {  	v25 =	vmul.f32 v51, v51;
	v45 =	vld [tilespmem:s29+$0x4000];
	v52 =	vadd.f32 v50, v3  }
0x112: {  	v3 =	vld [tilespmem:s23+$0x4100];
	v49 =	vsub.f32 v43, v10;
	v7 =	vsub.f32 v44, v13  }
0x113: {  	v56 =	vmul.f32 v53, v53;
	v44 =	vld [tilespmem:s29+$0x0];
	v25 =	vadd.f32 v25, v52  }
0x114: {  	v51 =	vld [tilespmem:s30+$0x4000];
	v21 =	vmul.f32 v21, v21;
	v20 =	vadd.f32 $1.000000010e-10, v49;
	v26 =	vadd.f32 $1.000000010e-10, v7  }
0x115: {  	v8 =	vld [tilespmem:s23+$0x100];
	v12 =	vmul.f32 v12, v12;
	v43 =	vsub.f32 v57, v58;
	v25 =	vadd.f32 v56, v25  }
0x116: {  	v38 =	vld [tilespmem:s23+$0xA80];
	v54 =	vmul.f32 v20, v13;
	v55 =	vmul.f32 v26, v10  }
0x117: {  	v7 =	vld [tilespmem:s23+$0x180];
	v46 =	vmul.f32 v43, v43;
	v21 =	vadd.f32 v21, v25;
	v25 =	vsub.f32 v61, v36  }
0x118: {  	vm0 =	vgt.f32 v54, v55;
	v55 =	vsub.f32 v44, v45;
	v44 =	vmul.f32 $7.000000000e+00, v3  }
0x119: {  	v53 =	vld [tilespmem:s23+$0x1000];
	v17 =	vsel vm0, v17, v9;
	v15 =	vsel vm0, v22, v15;
	v39 =	vsel vm0, v24, v16  }
0x11a: {  	v56 =	vld [tilespmem:s23+$0x5000];
	v16 =	vsel vm0, v19, v14;
	v9 =	vsub.f32 v59, v60;
	v25 =	vmul.f32 v25, v25  }
0x11b: {  	v19 =	vsub.f32 v38, v41;
	v60 =	vsub.f32 v47, v51;
	v47 =	vmul.f32 $7.000000000e+00, v8  }
0x11c: {  	v35 =	vmul.f32 $7.000000000e+00, v7;
	v20 =	vsel vm0, v26, v20;
	v13 =	vsel vm0, v13, v10  }
0x11d: {  	v27 =	vmul.f32 v17, v11;
	v6 =	vsub.f32 v15, v6;
	v5 =	vsub.f32 v39, v5  }
0x11e: {  	v18 =	vmul.f32 v16, v2;
	v30 =	vadd.f32 v17, v11;
	(erf) = vrcp.f32 v20  }
0x11f: {  	v4 =	vld [tilespmem:s23+$0x4000];
	v23 =	vsub.f32 v53, v56;
	v9 =	vmul.f32 v9, v9;
	v54 =	vmul.f32 v19, v19  }
0x120: {  	v61 =	vld [tilespmem:s23+$0x5080];
	v2 =	vadd.f32 v16, v2;
	v19 =	vmul.f32 v55, v55;
	v63 =	vmul.f32 $5.000000000e-01, v27  }
0x121: {  	s31 =	sor.u32 $0x380, s24;
	v59 =	vld [tilespmem:s23+$0x1080];
	v62 =	vshrl.u32 v27, $0x1;
	v42 =	vmul.f32 v6, v6;
	v48 =	vmul.f32 v5, v5  }
0x122: {  	v28 =	vld [tilespmem:s31+$0x0];
	v50 =	vshrl.u32 v18, $0x1;
	v34 =	vmul.f32 $5.000000000e-01, v18;
	v37 =	vsub.s32 $0x5F3759DF, v62  }
0x123: {  	v11 =	vld [tilespmem:s23+$0x0];
	v5 =	vadd.f32 v12, v21;
	v9 =	vadd.f32 v9, v46;
	v40 =	vmul.f32 v37, v63  }
0x124: {  	v6 =	vld [tilespmem:s23+$0x4180];
	v23 =	vmul.f32 v23, v23;
	v31 =	vsub.s32 $0x5F3759DF, v50;
	v62 =	vmul.f32 v60, v60  }
0x125: {  	v46 =	vsub.f32 v4, v44;
	v9 =	vadd.f32 v25, v9;
	v14 =	vmul.f32 v37, v40  }
0x126: {  	v58 =	vmul.f32 v31, v34;
	v24 =	vadd.f32 v48, v42;
	v22 =	vsub.f32 v59, v61  }
0x127: {  	v42 =	vmul.f32 $7.000000000e+00, v28;
	v15 =	vadd.f32 v54, v9;
	v9 =	vld [tilespmem:s23+$0x4080];
	v49 =	vsub.f32 $1.500000000e+00, v14  }
0x128: {  	v25 =	vadd.f32 v44, v4;
	v36 =	vsub.f32 v11, v47;
	v21 =	vmul.f32 v31, v58  }
0x129: {  	v45 =	vmul.f32 $7.000000000e+00, v6;
	v14 =	vld [tilespmem:s23+$0x280];
	v15 =	vadd.f32 v19, v15;
	v52 =	vmul.f32 v37, v49  }
0x12a: {  	s25 =	sor.u32 s26, s25;
	v40 =	vmax.f32 v36, v46;
	v50 =	vsub.f32 v25, v46;
	v37 =	vadd.f32 v47, v11  }
0x12b: {  	v26 =	vld [tilespmem:s25+$0x0];
	v21 =	vsub.f32 $1.500000000e+00, v21;
	v32 =	vadd.f32 v62, v15;
	v57 =	vmul.f32 v52, v63  }
0x12c: {  	v59 =	vld [tilespmem:s23+$0x1100];
	v48 =	vsub.f32 v9, v45;
	v49 =	vadd.f32 v45, v9;
	v39 =	vmin.f32 v37, v25  }
0x12d: {  	s26 =	sor.u32 $0x300, s24;
	v62 =	vld [tilespmem:s23+$0x5100];
	v54 =	vsub.f32 v37, v36;
	v39 =	vsub.f32 v39, v40;
	v12 =	vmul.f32 v57, v52  }
0x12e: {  	v22 =	vmul.f32 v22, v22;
	v15 =	vld [tilespmem:s26+$0x0];
	v53 =	vsub.f32 v14, v42;
	v42 =	vadd.f32 v42, v14  }
0x12f: {  	v21 =	vmul.f32 v31, v21;
	v23 =	vadd.f32 v23, v32;
	v63 =	vsub.f32 $1.500000000e+00, v12;
	v12 =	vld [tilespmem:s23+$0x80]  }
0x130: {  	v43 =	vsub.f32 v49, v48;
	v25 =	vmin.f32 v42, v25;
	v17 =	vmax.f32 v53, v46  }
0x131: {  	v22 =	vadd.f32 v22, v23;
	v19 =	vmul.f32 v63, v52;
	v52 =	vmul.f32 $7.000000000e+00, v26  }
0x132: {  	v34 =	vmul.f32 v21, v34;
	v25 =	vsub.f32 v25, v17;
	v47 =	vsub.f32 v59, v62  }
0x133: {  	v60 =	vmax.f32 v39, $0.0e+00;
	v55 =	vsub.f32 v15, v52;
	v56 =	vadd.f32 v52, v15  }
0x134: {  	v29 =	vmul.f32 v43, v50;
	v38 =	vsub.f32 v12, v35;
	v35 =	vadd.f32 v35, v12  }
0x135: {  	v10 =	vld [tilespmem:s21+$0x4200];
	v19 =	vmul.f32 v19, v27;
	v27 =	vsub.f32 v42, v53;
	v57 =	vmin.f32 v56, v49  }
0x136: {  	v44 =	vld [tilespmem:s23+$0x5180];
	v58 =	vmax.f32 v55, v48;
	v36 =	vsub.f32 v56, v55;
	v51 =	vmin.f32 v35, v49  }
0x137: {  	s28 =	sor.u32 $0x880, s22;
	v43 =	vld [tilespmem:s23+$0x1180];
	v41 =	vmax.f32 v38, v48;
	v35 =	vsub.f32 v35, v38;
	v20 =	vsub.f32 v57, v58  }
0x138: {  	v62 =	vld [tilespmem:s28+$0x4000];
	v25 =	vmax.f32 v25, $0.0e+00;
	v42 =	vmul.f32 v34, v21;
	v40 =	vsub.f32 v51, v41  }
0x139: {  	v53 =	vld [tilespmem:s23+$0x1280];
	v27 =	vmul.f32 v36, v27;
	v31 =	vmul.f32 v35, v54;
	v20 =	vmax.f32 v20, $0.0e+00  }
0x13a: {  	v63 =	vadd.f32 v19, v19;
	v38 =	vld [tilespmem:s21+$0x200];
	v61 =	vmax.f32 v40, $0.0e+00;
	v19 =	vmul.f32 v20, v25  }
0x13b: {  	v48 =	vld [tilespmem:s23+$0x1200];
	v27 =	vadd.f32 v29, v27;
	v17 =	vmul.f32 v61, v60;
	v46 =	vadd.f32 v29, v31  }
0x13c: {  	v52 =	vsub.f32 v43, v44;
	v45 =	vsub.f32 $1.500000000e+00, v42;
	v49 =	vld [tilespmem:s23+$0x5200]  }
0x13d: {  	s30 =	sor.u32 $0x1380, s24;
	v41 =	vld [tilespmem:s28+$0x0];
	v51 =	vsub.f32 v27, v19;
	v50 =	vsub.f32 v46, v17  }
0x13e: {  	v43 =	vld [tilespmem:s30+$0x4000];
	v55 =	vmul.f32 v52, v52;
	v21 =	vmul.f32 v45, v21;
	v30 =	vsub.f32 v30, v63;
	v56 =	vpop (erf)  }
0x13f: {  	v54 =	vld [tilespmem:s23+$0x5280];
	v13 =	vmul.f32 v56, v13;
	v25 =	vadd.f32 $1.000000010e-10, v51;
	v34 =	vadd.f32 $1.000000010e-10, v50  }
0x140: {  	v63 =	vld [tilespmem:s30+$0x0];
	v18 =	vmul.f32 v21, v18;
	v24 =	vadd.f32 v30, v24;
	v29 =	vmul.f32 v47, v47  }
0x141: {  	v59 =	vsub.f32 v48, v49;
	v58 =	vmul.f32 v25, v17;
	v57 =	vmul.f32 v34, v19  }
0x142: {  	v18 =	vadd.f32 v18, v18;
	v40 =	vsub.f32 v38, v10;
	v20 =	vsel vm0, v41, v38  }
0x143: {  	v22 =	vadd.f32 v29, v22;
	v29 =	vsub.f32 v41, v62;
	vm1 =	vgt.f32 v57, v58  }
0x144: {  	v16 =	vmul.f32 v59, v59;
	v27 =	vsub.f32 v53, v54;
	v8 =	vsel vm1, v28, v8  }
0x145: {  	s29 =	sor.u32 $0x1300, s24;
	v2 =	vsub.f32 v2, v18;
	v18 =	vsub.f32 v63, v43;
	v28 =	vmul.f32 v8, v3  }
0x146: {  	v60 =	vld [tilespmem:s29+$0x0];
	v30 =	vmul.f32 v40, v40;
	v13 =	vsub.f32 v20, v13;
	v7 =	vsel vm1, v26, v7  }
0x147: {  	v61 =	vld [tilespmem:s29+$0x4000];
	v47 =	vmul.f32 v7, v6;
	v44 =	vshrl.u32 v28, $0x1;
	v45 =	vmul.f32 $5.000000000e-01, v28  }
0x148: {  	v63 =	vsel vm0, v38, v41;
	v29 =	vmul.f32 v29, v29;
	v46 =	vsub.s32 $0x5F3759DF, v44  }
0x149: {  	v51 =	vshrl.u32 v47, $0x1;
	v52 =	vmul.f32 $5.000000000e-01, v47;
	v49 =	vmul.f32 v46, v45  }
0x14a: {  	v48 =	vld [tilespmem:s23+$0x1800];
	v33 =	vmul.f32 v63, v63;
	v42 =	vmul.f32 v27, v27;
	v35 =	vsub.s32 $0x5F3759DF, v51  }
0x14b: {  	v21 =	vadd.f32 v55, v22;
	v50 =	vld [tilespmem:s23+$0x5800];
	v55 =	vmul.f32 v35, v52;
	v32 =	vmul.f32 v46, v49  }
0x14c: {  	v39 =	vld [tilespmem:s23+$0x1A00];
	v22 =	vsub.f32 v60, v61;
	v18 =	vmul.f32 v18, v18;
	v2 =	vadd.f32 v24, v2  }
0x14d: {  	v53 =	vld [tilespmem:s23+$0x1880];
	v13 =	vmul.f32 v13, v13;
	v56 =	vmul.f32 v35, v55;
	v32 =	vsub.f32 $1.500000000e+00, v32  }
0x14e: {  	v41 =	vld [tilespmem:s23+$0x5A00];
	v16 =	vadd.f32 v16, v21;
	v24 =	vadd.f32 v29, v30;
	v22 =	vmul.f32 v22, v22  }
0x14f: {  	v54 =	vld [tilespmem:s23+$0x5880];
	v13 =	vadd.f32 v13, v13;
	v20 =	vsub.f32 $1.500000000e+00, v56;
	v57 =	vmul.f32 v46, v32  }
0x150: {  	v2 =	vmul.f32 $5.000000000e+00, v2;
	v16 =	vadd.f32 v42, v16;
	v21 =	vsub.f32 v48, v50  }
0x151: {  	v25 =	vsel vm1, v25, v34;
	v20 =	vmul.f32 v35, v20;
	v59 =	vmul.f32 v57, v45  }
0x152: {  	v2 =	vadd.f32 v2, v13;
	v11 =	vsel vm1, v14, v11;
	(erf) = vrcp.f32 v25  }
0x153: {  	v14 =	vsub.f32 v39, v41;
	v62 =	vmul.f32 v20, v52;
	v27 =	vmul.f32 v59, v57  }
0x154: {  	v36 =	vld [tilespmem:s23+$0x880];
	v12 =	vsel vm1, v15, v12;
	v16 =	vadd.f32 v22, v16;
	v22 =	vsub.f32 v53, v54  }
0x155: {  	v60 =	vld [tilespmem:s23+$0x5900];
	v4 =	vsub.f32 v11, v4;
	v25 =	vmul.f32 v62, v20;
	v27 =	vsub.f32 $1.500000000e+00, v27  }
0x156: {  	v58 =	vld [tilespmem:s23+$0x1900];
	v17 =	vsel vm1, v19, v17;
	v9 =	vsub.f32 v12, v9;
	v3 =	vadd.f32 v8, v3  }
0x157: {  	v61 =	vld [tilespmem:s23+$0x1980];
	v6 =	vadd.f32 v7, v6;
	v37 =	vsub.f32 $1.500000000e+00, v25;
	v35 =	vmul.f32 v27, v57  }
0x158: {  	v34 =	vld [tilespmem:s23+$0x200];
	v21 =	vmul.f32 v21, v21;
	v16 =	vadd.f32 v18, v16;
	v22 =	vmul.f32 v22, v22  }
0x159: {  	v2 =	vadd.f32 v2, v33;
	v32 =	vld [tilespmem:s23+$0x5980];
	v11 =	vmul.f32 v37, v20;
	v40 =	vmul.f32 v35, v28  }
0x15a: {  	v4 =	vmul.f32 v4, v4;
	v9 =	vmul.f32 v9, v9;
	v16 =	vadd.f32 v21, v16  }
0x15b: {  	v43 =	vld [tilespmem:s23+$0x4200];
	v23 =	vsub.f32 v58, v60;
	v45 =	vpop (erf);
	v11 =	vmul.f32 v11, v47;
	v42 =	vadd.f32 v40, v40  }
0x15c: {  	v44 =	vld [tilespmem:s23+$0x1A80];
	v4 =	vadd.f32 v9, v4;
	v16 =	vadd.f32 v22, v16;
	v47 =	vmul.f32 v45, v17  }
0x15d: {  	v50 =	vsel vm1, v36, v34;
	v46 =	vld [tilespmem:s23+$0x5A80];
	v48 =	vadd.f32 v11, v11;
	v3 =	vsub.f32 v3, v42  }
0x15e: {  	v38 =	vmul.f32 v23, v23;
	v49 =	vld [tilespmem:s23+$0x4880];
	v13 =	vsub.f32 v61, v32;
	v52 =	vsub.f32 v50, v47  }
0x15f: {  	v51 =	vsub.f32 v6, v48;
	v3 =	vadd.f32 v3, v4  }
0x160: {  	v58 =	vsub.f32 v34, v43;
	v15 =	vadd.f32 v38, v16;
	v13 =	vmul.f32 v13, v13  }
0x161: {  	v54 =	vmul.f32 v14, v14;
	v55 =	vmul.f32 v52, v52;
	v3 =	vadd.f32 v3, v51  }
0x162: {  	v59 =	vmul.f32 v58, v58;
	v56 =	vsub.f32 v44, v46;
	v53 =	vadd.f32 v13, v15  }
0x163: {  	v11 =	vsub.f32 v36, v49;
	v4 =	vadd.f32 v55, v55;
	v3 =	vmul.f32 $5.000000000e+00, v3  }
0x164: {  	v57 =	vsel vm1, v34, v36;
	v7 =	vadd.f32 v54, v53;
	v6 =	vmul.f32 v56, v56  }
0x165: {  	v8 =	vmul.f32 v57, v57;
	v11 =	vmul.f32 v11, v11;
	v3 =	vadd.f32 v3, v4  }
0x166: {  	v2 =	vadd.f32 v5, v2;
	v60 =	vadd.f32 v6, v7  }
0x167: {  	p0 =	slt.u32 s20, $0xE0;
	v61 =	vmul.f32 $5.000000000e-01, v24;
	v62 =	vadd.f32 v11, v59;
	v3 =	vadd.f32 v3, v8  }
.Ltmp2:
0x168: {  	vm14 =	vgt.f32 v10, $0.0e+00;
	(pc) =	sbr.rel @p0 .LBB2_6-.Ltmp2, $4  }
0x169: {  	v2 =	vsel vm14, v2, v61;
	v63 =	vmul.f32 $5.000000000e-01, v62;
	v3 =	vadd.f32 v60, v3  }
0x16a: {  	vm15 =	vgt.f32 v43, $0.0e+00;
	v1 =	vadd.f32 v2, v1  }
0x16b: {  	s18 =	sadd.s32 $0x1, s18;
	s31 =	sadd.s32 $0x20, s20;
	v2 =	vsel vm15, v3, v63  }
0x16c: {  	s17 =	sadd.s32 $0x120, s17;
	s19 =	sadd.s32 $0x100, s19;
	s20 =	smov.u32 s31;
	v1 =	vadd.f32 v2, v1  }
0x16d: {  	v2 =	vld [tilespmem:$0x8000];
	_ =	sdelay $0x4  }
0x16e: {  	s16 =	sadd.s32 $0x1, s16;
	v1 =	vadd.f32 v2, v1  }
0x16f: {  	p0 =	sne.s32 s16, s9  }
.Ltmp3:
0x170: {  	[tilespmem:$0x8000] =	vst v1;
	(pc) =	sbr.rel @p0 .LBB2_1-.Ltmp3, $4  }
0x171: {  	[hbm4b:s8+s5] =	stream.linear.scatter [tilespmem:s14], [sflag:$0x3], $0x80, $0x38;
	[tilespmem:$0x8080] =	vst v63  }
0x172: {  	_ =	swait.ge [sflag:s15], $0x80  }
0x173: {  	[sflag:s15] =	ssyncset.done $0x0  }
0x174: {  	[sflag:s15] =	ssyncadd.s32 $0xFFFFFF80  }
0x175: {  	_ =	sfence.sel $0x180000  }
0x176: {  	[bflag:$0x0] =	sbarrier.arrive $0xFFFF  }
0x177: {  	_ =	strace $0x90000047  }
0x178: {  	[bflag:$0x2] =	sbarrier.arrive $0xFFFF  }
0x179: {  	p0 =	sne.s32 s0, $0x0;
	s0 =	rddreg [dreg:$0x3]  }
0x17a: {  	s0 =	sadd.s32 @!p0 $0x100000, s0  }
0x17b: {  	[sflag:s0] =	ssyncadd.tile.s32 @!p0 $0x1;
	_ =	shalt  }
.Lfunc_end2:
_tile_overlayer_lowered:
.L_overlay_start_2:
0x17c: {  	(tag) =	ssettag $0x2  }
0x17d: {  	s0 =	rddreg [dreg:$0x0];
	s2 =	stileid.u32  }
0x17e: {  	s1 =	rddreg [dreg:$0x1];
	p0 =	sne.s32 s2, $0x0  }
0x17f: {  	s3 =	rddreg [dreg:$0x2];
	[bflag:$0x3] =	sbarrier.arrive $0xFFFF;
	s2 =	simm.s32 @!p0 $0x1C03  }
0x180: {  	[timem:s3], [sflag:s2] =	dma.local @!p0 [hbm:s0], s1  }
0x181: {  	s0 =	simm.s32 @!p0 $0x3  }
0x182: {  	_ =	swait.ge @!p0 [sflag:s0], s1  }
0x183: {  	s1 =	ssub.s32 @!p0 $0x0, s1;
	[sflag:s0] =	ssyncset.done @!p0 $0x0  }
0x184: {  	[sflag:s0] =	ssyncadd.s32 @!p0 s1  }
0x185: {  	[bflag:$0x3] =	sbarrier.arrive $0xFFFF  }
0x186: {  	_ =	shalt  }

</sc_bundles>
